<compile_context>
chip_gen: v7x
topology: tpu7x:2x2x1
jax: 0.10.2.dev20260603
libtpu: 0.0.44.dev20260713+nightly
codegen_flags: <defaults>
</compile_context>

<pallas_src>
import dataclasses
import functools

import jax
import jax.numpy as jnp
from jax import lax
from jax.experimental import pallas as pl
from jax.experimental.pallas import tpu as pltpu
from jax.experimental.pallas import tpu_sc as plsc

N_NODES = 10000
N_EDGES = 320000
NUM_CORES = 2
NUM_SUBCORES = 16
NW = NUM_CORES * NUM_SUBCORES
PERW = N_EDGES // NW
CHUNK = 128
NCHW = 80
LASTW_NCH = (N_EDGES - (NW - 1) * NCHW * CHUNK) // CHUNK
RPW = 632
N_PAD = RPW * NUM_SUBCORES

_MESH = plsc.VectorSubcoreMesh(core_axis_name="c", subcore_axis_name="s")
_SC_PARAMS = pltpu.CompilerParams()
if "needs_layout_passes" in pltpu.CompilerParams.__dataclass_fields__:
    _SC_PARAMS = dataclasses.replace(_SC_PARAMS, needs_layout_passes=False)


def _sc_degree(ei):
    PERW_D = NCHW * CHUNK
    LAST_D = LASTW_NCH * CHUNK

    @functools.partial(
        pl.kernel,
        out_type=jax.ShapeDtypeStruct((NW, N_PAD), jnp.float32),
        mesh=_MESH,
        compiler_params=_SC_PARAMS,
        scratch_types=[
            pltpu.VMEM((PERW_D,), jnp.int32),
            pltpu.VMEM((N_PAD,), jnp.float32),
        ],
    )
    def k(ei_hbm, out_hbm, dst_v, hist_v):
        dst_hbm = ei_hbm.at[1]
        cid = lax.axis_index("c")
        sid = lax.axis_index("s")
        wid = cid * NUM_SUBCORES + sid

        @pl.loop(0, N_PAD // 16)
        def _(i):
            hist_v[pl.ds(i * 16, 16)] = jnp.zeros((16,), jnp.float32)

        ebase = pl.multiple_of(wid * PERW_D, CHUNK)
        islast = wid == NW - 1
        nvec = jnp.where(islast, LAST_D // 16, PERW_D // 16)

        @pl.when(islast)
        def _():
            pltpu.sync_copy(dst_hbm.at[pl.ds(ebase, LAST_D)],
                            dst_v.at[pl.ds(0, LAST_D)])

        @pl.when(jnp.logical_not(islast))
        def _():
            pltpu.sync_copy(dst_hbm.at[pl.ds(ebase, PERW_D)], dst_v)

        ones = jnp.ones((16,), jnp.float32)

        @pl.loop(0, nvec)
        def _(i):
            idx = dst_v[pl.ds(i * 16, 16)]
            plsc.addupdate_scatter(hist_v, [idx], ones)

        pltpu.sync_copy(hist_v, out_hbm.at[wid])

    return k(ei)


def _tc_degsum(degp):
    nw, npad = degp.shape

    def body(p_ref, dis_ref):
        deg = jnp.sum(p_ref[...], axis=0, keepdims=True) + 1.0
        dis_ref[...] = lax.rsqrt(deg).reshape(npad, 1)

    return pl.pallas_call(
        body,
        grid=(1,),
        in_specs=[pl.BlockSpec((nw, npad), lambda i: (0, 0))],
        out_specs=pl.BlockSpec((npad, 1), lambda i: (0, 0)),
        out_shape=jax.ShapeDtypeStruct((npad, 1), jnp.float32),
    )(degp)


def _make_sc_aggregate(D):

    @functools.partial(
        pl.kernel,
        out_type=jax.ShapeDtypeStruct((NUM_CORES, N_PAD, D), jnp.float32),
        mesh=_MESH,
        scratch_types=[
            pltpu.VMEM((CHUNK,), jnp.int32),
            pltpu.VMEM((CHUNK,), jnp.int32),
            pltpu.VMEM((CHUNK,), jnp.int32),
            pltpu.VMEM((CHUNK,), jnp.int32),
            pltpu.VMEM((CHUNK, D), jnp.float32),
            pltpu.VMEM((CHUNK, D), jnp.float32),
            pltpu.VMEM_SHARED((N_PAD, D), jnp.float32),
            pltpu.SemaphoreType.DMA,
            pltpu.SemaphoreType.DMA,
            pltpu.SemaphoreType.DMA,
            pltpu.SemaphoreType.DMA,
            pltpu.SemaphoreType.DMA,
            pltpu.SemaphoreType.DMA,
        ],
    )
    def k(y_hbm, ei_hbm, zeros_hbm, out_hbm,
          s0_v, s1_v, d0_v, d1_v, r0_v, r1_v, acc_sh,
          sg0, sg1, ss0, ss1, sd0, sd1):
        src_hbm = ei_hbm.at[0]
        dst_hbm = ei_hbm.at[1]
        cid = lax.axis_index("c")
        sid = lax.axis_index("s")
        wid = cid * NUM_SUBCORES + sid
        pltpu.sync_copy(zeros_hbm.at[pl.ds(sid * RPW, RPW)],
                        acc_sh.at[pl.ds(sid * RPW, RPW)])
        plsc.subcore_barrier()
        ebase = wid * NCHW * CHUNK
        nch = jnp.where(wid == NW - 1, LASTW_NCH, NCHW)
        sidx = [s0_v, s1_v]
        didx = [d0_v, d1_v]
        rows = [r0_v, r1_v]
        semg = [sg0, sg1]
        sems = [ss0, ss1]
        semd = [sd0, sd1]

        def issue_idx(c, b):
            e0 = pl.multiple_of(ebase + c * CHUNK, CHUNK)
            pltpu.async_copy(src_hbm.at[pl.ds(e0, CHUNK)], sidx[b], sems[b])
            pltpu.async_copy(dst_hbm.at[pl.ds(e0, CHUNK)], didx[b], semd[b])

        def wait_src(b):
            pltpu.make_async_copy(src_hbm.at[pl.ds(0, CHUNK)], sidx[b],
                                  sems[b]).wait()

        def wait_dst(b):
            pltpu.make_async_copy(dst_hbm.at[pl.ds(0, CHUNK)], didx[b],
                                  semd[b]).wait()

        def issue_gather(b):
            pltpu.async_copy(y_hbm.at[sidx[b]], rows[b], semg[b])

        def wait_gather(b):
            pltpu.make_async_copy(y_hbm.at[sidx[b]], rows[b], semg[b]).wait()

        def scatter(b):
            pltpu.sync_copy(rows[b], acc_sh.at[didx[b]], add=True)

        def do_slot(c, b, gather_next=True, idx_next=True):
            if gather_next:
                wait_src(b ^ 1)
                issue_gather(b ^ 1)
            wait_gather(b)
            wait_dst(b)
            scatter(b)
            if idx_next:
                issue_idx(c + 2, b)

        issue_idx(0, 0)
        issue_idx(1, 1)
        wait_src(0)
        issue_gather(0)

        @pl.loop(0, (nch - 2) // 2)
        def _(j):
            do_slot(2 * j, 0)
            do_slot(2 * j + 1, 1)

        do_slot(nch - 2, 0, idx_next=False)
        do_slot(nch - 1, 1, gather_next=False, idx_next=False)

        plsc.subcore_barrier()
        pltpu.sync_copy(acc_sh.at[pl.ds(sid * RPW, RPW)],
                        out_hbm.at[cid].at[pl.ds(sid * RPW, RPW)])

    return k


_sc_aggregate_128 = _make_sc_aggregate(128)

_BN = 1000


def _tc_matmul(x, W):
    n, kdim = x.shape
    h = W.shape[1]

    def body(x_ref, w_ref, o_ref):
        o_ref[...] = lax.dot_general(
            x_ref[...], w_ref[...], (((1,), (0,)), ((), ())),
            preferred_element_type=jnp.float32,
            precision=lax.Precision.HIGHEST)

    return pl.pallas_call(
        body,
        grid=(n // _BN,),
        in_specs=[pl.BlockSpec((_BN, kdim), lambda i: (i, 0)),
                  pl.BlockSpec((kdim, h), lambda i: (0, 0))],
        out_specs=pl.BlockSpec((_BN, h), lambda i: (i, 0)),
        out_shape=jax.ShapeDtypeStruct((n, h), jnp.float32),
    )(x, W)


def _tc_dis_scale(dis, xw):
    n, h = xw.shape

    def body(dis_ref, xw_ref, y_ref):
        y_ref[...] = xw_ref[...] * dis_ref[...]

    return pl.pallas_call(
        body,
        grid=(n // _BN,),
        in_specs=[pl.BlockSpec((_BN, 1), lambda i: (i, 0)),
                  pl.BlockSpec((_BN, h), lambda i: (i, 0))],
        out_specs=pl.BlockSpec((_BN, h), lambda i: (i, 0)),
        out_shape=jax.ShapeDtypeStruct((n, h), jnp.float32),
    )(dis, xw)


def _tc_layer2_fuse(agg, y1, dis, b1, W2):
    n, h1 = y1.shape
    h2 = W2.shape[1]

    def body(a0_ref, a1_ref, y1_ref, dis_ref, b1_ref, w2_ref, y2_ref):
        dis = dis_ref[...]
        hidden = dis * (a0_ref[0] + a1_ref[0] + y1_ref[...]) + b1_ref[...]
        hidden = jnp.maximum(hidden, 0.0)
        prod = dis * lax.dot_general(
            hidden, w2_ref[...], (((1,), (0,)), ((), ())),
            preferred_element_type=jnp.float32,
            precision=lax.Precision.HIGHEST)
        y2_ref[...] = jnp.concatenate(
            [prod, jnp.zeros_like(prod)], axis=1)

    return pl.pallas_call(
        body,
        grid=(n // _BN,),
        in_specs=[pl.BlockSpec((1, _BN, h1), lambda i: (0, i, 0)),
                  pl.BlockSpec((1, _BN, h1), lambda i: (1, i, 0)),
                  pl.BlockSpec((_BN, h1), lambda i: (i, 0)),
                  pl.BlockSpec((_BN, 1), lambda i: (i, 0)),
                  pl.BlockSpec((1, h1), lambda i: (0, 0)),
                  pl.BlockSpec((h1, h2), lambda i: (0, 0))],
        out_specs=pl.BlockSpec((_BN, 2 * h2), lambda i: (i, 0)),
        out_shape=jax.ShapeDtypeStruct((n, 2 * h2), jnp.float32),
    )(agg, agg, y1, dis, b1.reshape(1, h1), W2)


def _tc_layer2_post(agg, y2, dis, b2):
    n, w = y2.shape
    h = w // 2

    def body(a0_ref, a1_ref, y2_ref, dis_ref, b2_ref, h_ref, ss_ref):
        i = pl.program_id(0)
        sm = (a0_ref[0] + a1_ref[0] + y2_ref[...])[:, :h]
        out = dis_ref[...] * sm + b2_ref[...]
        h_ref[...] = out

        @pl.when(i == 0)
        def _():
            ss_ref[...] = jnp.zeros_like(ss_ref)

        ss_ref[...] += jnp.sum(out * out, axis=0, keepdims=True)

    return pl.pallas_call(
        body,
        grid=(n // _BN,),
        in_specs=[pl.BlockSpec((1, _BN, w), lambda i: (0, i, 0)),
                  pl.BlockSpec((1, _BN, w), lambda i: (1, i, 0)),
                  pl.BlockSpec((_BN, w), lambda i: (i, 0)),
                  pl.BlockSpec((_BN, 1), lambda i: (i, 0)),
                  pl.BlockSpec((1, h), lambda i: (0, 0))],
        out_specs=[pl.BlockSpec((_BN, h), lambda i: (i, 0)),
                   pl.BlockSpec((1, h), lambda i: (0, 0))],
        out_shape=[jax.ShapeDtypeStruct((n, h), jnp.float32),
                   jax.ShapeDtypeStruct((1, h), jnp.float32)],
    )(agg, agg, y2, dis, b2.reshape(1, h))


def _tc_colnorm_div(h2, ss):
    n, h = h2.shape

    def body(h_ref, ss_ref, o_ref):
        scale = 1.0 / jnp.maximum(jnp.sqrt(ss_ref[...]), 1e-12)
        o_ref[...] = h_ref[...] * scale

    return pl.pallas_call(
        body,
        grid=(n // _BN,),
        in_specs=[pl.BlockSpec((_BN, h), lambda i: (i, 0)),
                  pl.BlockSpec((1, h), lambda i: (0, 0))],
        out_specs=pl.BlockSpec((_BN, h), lambda i: (i, 0)),
        out_shape=jax.ShapeDtypeStruct((n, h), jnp.float32),
    )(h2, ss)


def kernel(x, edge_index, W1, b1, W2, b2):
    zeros128 = jnp.zeros((N_PAD, 128), jnp.float32)

    degp = _sc_degree(edge_index)
    xw1 = _tc_matmul(x, W1)
    dis = _tc_degsum(degp)
    y1 = _tc_dis_scale(dis, xw1)

    agg1 = _sc_aggregate_128(y1, edge_index, zeros128)
    y2 = _tc_layer2_fuse(agg1, y1, dis, b1, W2)

    agg2 = _sc_aggregate_128(y2, edge_index, zeros128)
    h2, ss = _tc_layer2_post(agg2, y2, dis, b2)
    return _tc_colnorm_div(h2, ss)

# --- scband reference (transcript-rebuilt; emitter-appended) ---
"""Pipeline reference for scband-net-fea-61959198212695 (READ-ONLY COPY).

The authoritative reference and input builder live on the scoring server;
editing this copy changes nothing except your own understanding.
"""

import jax, jax.numpy as jnp
import numpy as np

N = 10000
E = 320000
D_IN = 128
H1 = 128
H2 = 64


def setup_inputs(seed: int = 0):
    key = jax.random.key(seed)
    ks = jax.random.split(key, 6)
    x = jax.random.normal(ks[0], (N, D_IN), dtype=jnp.float32)
    edge_index = jax.random.randint(ks[1], (2, E), 0, N, dtype=jnp.int32)
    # GCN layer params (PyG GCNConv: glorot weight, zero bias)
    W1 = jax.random.normal(ks[2], (D_IN, H1), dtype=jnp.float32) * (1.0 / np.sqrt(D_IN))
    b1 = jnp.zeros((H1,), dtype=jnp.float32)
    W2 = jax.random.normal(ks[3], (H1, H2), dtype=jnp.float32) * (1.0 / np.sqrt(H1))
    b2 = jnp.zeros((H2,), dtype=jnp.float32)
    return {"x": x, "edge_index": edge_index, "W1": W1, "b1": b1, "W2": W2, "b2": b2}


def _gcn_conv(x, src, dst, W, b, num_nodes):
    # x' = W x, then symmetric-normalized scatter-add aggregation (PyG GCNConv semantics)
    xw = x @ W
    deg = jnp.zeros((num_nodes,), jnp.float32).at[dst].add(1.0)
    dis = jnp.where(deg > 0, jax.lax.rsqrt(jnp.maximum(deg, 1e-12)), 0.0)
    norm = dis[src] * dis[dst]
    msg = xw[src] * norm[:, None]
    out = jnp.zeros((num_nodes, xw.shape[1]), xw.dtype).at[dst].add(msg)
    return out + b


def reference(x, edge_index, W1, b1, W2, b2):
    num_nodes = x.shape[0]
    loop = jnp.arange(num_nodes, dtype=edge_index.dtype)
    src = jnp.concatenate([edge_index[0], loop])
    dst = jnp.concatenate([edge_index[1], loop])
    # DD_Encoder: two GCNConv layers with ReLU in between
    h = _gcn_conv(x, src, dst, W1, b1, num_nodes)
    h = jax.nn.relu(h)
    h = _gcn_conv(h, src, dst, W2, b2, num_nodes)
    # F.normalize(drug_feature, dim=0): L2 normalize along node axis
    nrm = jnp.sqrt(jnp.sum(h * h, axis=0, keepdims=True))
    return h / jnp.maximum(nrm, 1e-12)

if __name__ == "__main__":
    import jax
    _d = setup_inputs()
    print(jax.jit(kernel)(*tuple(_d.values())))

</pallas_src>

<mosaic_0001>
#map = affine_map<(d0, d1) -> (0, 0)>
#map1 = affine_map<(d0, d1) -> (0, 0, 0)>
module attributes {stable_mosaic.version = 14 : i64} {
  func.func @k(%arg0: i32, %arg1: i32, %arg2: memref<10000x128xf32, #tpu.memory_space<hbm>>, %arg3: memref<2x320000xi32, #tpu.memory_space<hbm>>, %arg4: memref<10112x128xf32, #tpu.memory_space<hbm>>, %arg5: memref<2x10112x128xf32, #tpu.memory_space<hbm>>, %arg6: memref<128xi32, #tpu.memory_space<vmem>>, %arg7: memref<128xi32, #tpu.memory_space<vmem>>, %arg8: memref<128xi32, #tpu.memory_space<vmem>>, %arg9: memref<128xi32, #tpu.memory_space<vmem>>, %arg10: memref<128x128xf32, #tpu.memory_space<vmem>>, %arg11: memref<128x128xf32, #tpu.memory_space<vmem>>, %arg12: memref<10112x128xf32, #tpu.memory_space<vmem_shared>>, %arg13: memref<!tpu.dma_semaphore, #tpu.memory_space<semaphore_mem>>, %arg14: memref<!tpu.dma_semaphore, #tpu.memory_space<semaphore_mem>>, %arg15: memref<!tpu.dma_semaphore, #tpu.memory_space<semaphore_mem>>, %arg16: memref<!tpu.dma_semaphore, #tpu.memory_space<semaphore_mem>>, %arg17: memref<!tpu.dma_semaphore, #tpu.memory_space<semaphore_mem>>, %arg18: memref<!tpu.dma_semaphore, #tpu.memory_space<semaphore_mem>>) attributes {dimension_semantics = [#tpu.dimension_semantics<core_parallel>, #tpu.dimension_semantics<subcore_parallel>], iteration_bounds = array<i64: 2, 16>, scalar_prefetch = 0 : i64, scratch_operands = 13 : i64, tpu.core_type = #tpu.core_type<sc_vector_subcore>, window_params = [{transform_indices = #map}, {transform_indices = #map}, {transform_indices = #map}, {transform_indices = #map1}]} {
    %mul3A = arith.constant 16 : i32
    %mul3A_0 = arith.muli %arg0, %mul3A : i32
    %add3A = arith.addi %mul3A_0, %arg1 : i32
    %mul3A_1 = arith.constant 632 : i32
    %mul3A_2 = arith.muli %arg1, %mul3A_1 : i32
    %mul3A_3 = arith.constant 632 : i32
    %mul3A_4 = arith.muli %arg1, %mul3A_3 : i32
    "tpu.region"() ({
      %run_scoped3A = tpu.sem_alloc : memref<!tpu.dma_semaphore, #tpu.memory_space<semaphore_mem>>
      %dma_start3A_155 = arith.constant 0 : i32
      %dma_start3A_156 = tpu.memref_slice %arg12[%mul3A_4, %dma_start3A_155] : memref<10112x128xf32, #tpu.memory_space<vmem_shared>> -> memref<632x128xf32, #tpu.memory_space<vmem_shared>>
      %dma_start3A_157 = arith.constant 0 : i32
      %dma_start3A_158 = tpu.memref_slice %arg4[%mul3A_2, %dma_start3A_157] : memref<10112x128xf32, #tpu.memory_space<hbm>> -> memref<632x128xf32, #tpu.memory_space<hbm>>
      tpu.enqueue_dma source(%dma_start3A_158 : memref<632x128xf32, #tpu.memory_space<hbm>>) target(%dma_start3A_156 : memref<632x128xf32, #tpu.memory_space<vmem_shared>>) target_semaphore(%run_scoped3A : memref<!tpu.dma_semaphore, #tpu.memory_space<semaphore_mem>>)
      %dma_wait3A_159 = arith.constant 0 : i32
      %dma_wait3A_160 = tpu.memref_slice %arg12[%mul3A_4, %dma_wait3A_159] : memref<10112x128xf32, #tpu.memory_space<vmem_shared>> -> memref<632x128xf32, #tpu.memory_space<vmem_shared>>
      %dma_wait3A_161 = arith.constant 0 : i32
      %dma_wait3A_162 = tpu.memref_slice %arg4[%mul3A_2, %dma_wait3A_161] : memref<10112x128xf32, #tpu.memory_space<hbm>> -> memref<632x128xf32, #tpu.memory_space<hbm>>
      tpu.wait_dma2 semaphore(%run_scoped3A : memref<!tpu.dma_semaphore, #tpu.memory_space<semaphore_mem>>) src(%dma_wait3A_162 : memref<632x128xf32, #tpu.memory_space<hbm>>) dst(%dma_wait3A_160 : memref<632x128xf32, #tpu.memory_space<vmem_shared>>)
      tpu.yield
    }) : () -> ()
    %barrier3A = arith.constant 0 : index
    tpu.barrier barrier_id(%barrier3A)
    %mul3A_5 = arith.constant 80 : i32
    %mul3A_6 = arith.muli %add3A, %mul3A_5 : i32
    %mul3A_7 = arith.constant 128 : i32
    %mul3A_8 = arith.muli %mul3A_6, %mul3A_7 : i32
    %eq3A = arith.constant 31 : i32
    %eq3A_9 = arith.cmpi eq, %add3A, %eq3A : i32
    %jit3A = arith.constant 20 : i32
    %jit3A_10 = arith.constant 80 : i32
    %select_n3A = arith.select %eq3A_9, %jit3A, %jit3A_10 : i32
    %add3A_11 = arith.constant 0 : i32
    %add3A_12 = arith.addi %mul3A_8, %add3A_11 : i32
    %multiple_of3A = tpu.assume_multiple %add3A_12, 128 : i32
    %dma_start3A = arith.constant 0 : i32
    %dma_start3A_13 = arith.constant 0 : i32
    %dma_start3A_14 = tpu.memref_slice %arg3[%dma_start3A, %dma_start3A_13] : memref<2x320000xi32, #tpu.memory_space<hbm>> -> memref<1x320000xi32, #tpu.memory_space<hbm>>
    %dma_start3A_15 = tpu.memref_squeeze %dma_start3A_14 : memref<1x320000xi32, #tpu.memory_space<hbm>> -> memref<320000xi32, #tpu.memory_space<hbm>>
    %dma_start3A_16 = tpu.memref_slice %dma_start3A_15[%multiple_of3A] : memref<320000xi32, #tpu.memory_space<hbm>> -> memref<128xi32, #tpu.memory_space<hbm>>
    %dma_start3A_17 = arith.constant 0 : i32
    %dma_start3A_18 = tpu.memref_slice %arg3[%dma_start3A, %dma_start3A_17] : memref<2x320000xi32, #tpu.memory_space<hbm>> -> memref<1x320000xi32, #tpu.memory_space<hbm>>
    %dma_start3A_19 = tpu.memref_squeeze %dma_start3A_18 : memref<1x320000xi32, #tpu.memory_space<hbm>> -> memref<320000xi32, #tpu.memory_space<hbm>>
    %dma_start3A_20 = tpu.memref_slice %dma_start3A_19[%multiple_of3A] : memref<320000xi32, #tpu.memory_space<hbm>> -> memref<128xi32, #tpu.memory_space<hbm>>
    tpu.enqueue_dma source(%dma_start3A_20 : memref<128xi32, #tpu.memory_space<hbm>>) target(%arg6 : memref<128xi32, #tpu.memory_space<vmem>>) target_semaphore(%arg15 : memref<!tpu.dma_semaphore, #tpu.memory_space<semaphore_mem>>)
    %dma_start3A_21 = arith.constant 1 : i32
    %dma_start3A_22 = arith.constant 0 : i32
    %dma_start3A_23 = tpu.memref_slice %arg3[%dma_start3A_21, %dma_start3A_22] : memref<2x320000xi32, #tpu.memory_space<hbm>> -> memref<1x320000xi32, #tpu.memory_space<hbm>>
    %dma_start3A_24 = tpu.memref_squeeze %dma_start3A_23 : memref<1x320000xi32, #tpu.memory_space<hbm>> -> memref<320000xi32, #tpu.memory_space<hbm>>
    %dma_start3A_25 = tpu.memref_slice %dma_start3A_24[%multiple_of3A] : memref<320000xi32, #tpu.memory_space<hbm>> -> memref<128xi32, #tpu.memory_space<hbm>>
    %dma_start3A_26 = arith.constant 0 : i32
    %dma_start3A_27 = tpu.memref_slice %arg3[%dma_start3A_21, %dma_start3A_26] : memref<2x320000xi32, #tpu.memory_space<hbm>> -> memref<1x320000xi32, #tpu.memory_space<hbm>>
    %dma_start3A_28 = tpu.memref_squeeze %dma_start3A_27 : memref<1x320000xi32, #tpu.memory_space<hbm>> -> memref<320000xi32, #tpu.memory_space<hbm>>
    %dma_start3A_29 = tpu.memref_slice %dma_start3A_28[%multiple_of3A] : memref<320000xi32, #tpu.memory_space<hbm>> -> memref<128xi32, #tpu.memory_space<hbm>>
    tpu.enqueue_dma source(%dma_start3A_29 : memref<128xi32, #tpu.memory_space<hbm>>) target(%arg8 : memref<128xi32, #tpu.memory_space<vmem>>) target_semaphore(%arg17 : memref<!tpu.dma_semaphore, #tpu.memory_space<semaphore_mem>>)
    %add3A_30 = arith.constant 128 : i32
    %add3A_31 = arith.addi %mul3A_8, %add3A_30 : i32
    %multiple_of3A_32 = tpu.assume_multiple %add3A_31, 128 : i32
    %dma_start3A_33 = arith.constant 0 : i32
    %dma_start3A_34 = arith.constant 0 : i32
    %dma_start3A_35 = tpu.memref_slice %arg3[%dma_start3A_33, %dma_start3A_34] : memref<2x320000xi32, #tpu.memory_space<hbm>> -> memref<1x320000xi32, #tpu.memory_space<hbm>>
    %dma_start3A_36 = tpu.memref_squeeze %dma_start3A_35 : memref<1x320000xi32, #tpu.memory_space<hbm>> -> memref<320000xi32, #tpu.memory_space<hbm>>
    %dma_start3A_37 = tpu.memref_slice %dma_start3A_36[%multiple_of3A_32] : memref<320000xi32, #tpu.memory_space<hbm>> -> memref<128xi32, #tpu.memory_space<hbm>>
    %dma_start3A_38 = arith.constant 0 : i32
    %dma_start3A_39 = tpu.memref_slice %arg3[%dma_start3A_33, %dma_start3A_38] : memref<2x320000xi32, #tpu.memory_space<hbm>> -> memref<1x320000xi32, #tpu.memory_space<hbm>>
    %dma_start3A_40 = tpu.memref_squeeze %dma_start3A_39 : memref<1x320000xi32, #tpu.memory_space<hbm>> -> memref<320000xi32, #tpu.memory_space<hbm>>
    %dma_start3A_41 = tpu.memref_slice %dma_start3A_40[%multiple_of3A_32] : memref<320000xi32, #tpu.memory_space<hbm>> -> memref<128xi32, #tpu.memory_space<hbm>>
    tpu.enqueue_dma source(%dma_start3A_41 : memref<128xi32, #tpu.memory_space<hbm>>) target(%arg7 : memref<128xi32, #tpu.memory_space<vmem>>) target_semaphore(%arg16 : memref<!tpu.dma_semaphore, #tpu.memory_space<semaphore_mem>>)
    %dma_start3A_42 = arith.constant 1 : i32
    %dma_start3A_43 = arith.constant 0 : i32
    %dma_start3A_44 = tpu.memref_slice %arg3[%dma_start3A_42, %dma_start3A_43] : memref<2x320000xi32, #tpu.memory_space<hbm>> -> memref<1x320000xi32, #tpu.memory_space<hbm>>
    %dma_start3A_45 = tpu.memref_squeeze %dma_start3A_44 : memref<1x320000xi32, #tpu.memory_space<hbm>> -> memref<320000xi32, #tpu.memory_space<hbm>>
    %dma_start3A_46 = tpu.memref_slice %dma_start3A_45[%multiple_of3A_32] : memref<320000xi32, #tpu.memory_space<hbm>> -> memref<128xi32, #tpu.memory_space<hbm>>
    %dma_start3A_47 = arith.constant 0 : i32
    %dma_start3A_48 = tpu.memref_slice %arg3[%dma_start3A_42, %dma_start3A_47] : memref<2x320000xi32, #tpu.memory_space<hbm>> -> memref<1x320000xi32, #tpu.memory_space<hbm>>
    %dma_start3A_49 = tpu.memref_squeeze %dma_start3A_48 : memref<1x320000xi32, #tpu.memory_space<hbm>> -> memref<320000xi32, #tpu.memory_space<hbm>>
    %dma_start3A_50 = tpu.memref_slice %dma_start3A_49[%multiple_of3A_32] : memref<320000xi32, #tpu.memory_space<hbm>> -> memref<128xi32, #tpu.memory_space<hbm>>
    tpu.enqueue_dma source(%dma_start3A_50 : memref<128xi32, #tpu.memory_space<hbm>>) target(%arg9 : memref<128xi32, #tpu.memory_space<vmem>>) target_semaphore(%arg18 : memref<!tpu.dma_semaphore, #tpu.memory_space<semaphore_mem>>)
    %dma_wait3A = arith.constant 0 : i32
    %dma_wait3A_51 = arith.constant 0 : i32
    %dma_wait3A_52 = tpu.memref_slice %arg3[%dma_wait3A, %dma_wait3A_51] : memref<2x320000xi32, #tpu.memory_space<hbm>> -> memref<1x320000xi32, #tpu.memory_space<hbm>>
    %dma_wait3A_53 = tpu.memref_squeeze %dma_wait3A_52 : memref<1x320000xi32, #tpu.memory_space<hbm>> -> memref<320000xi32, #tpu.memory_space<hbm>>
    %dma_wait3A_54 = arith.constant 0 : i32
    %dma_wait3A_55 = tpu.memref_slice %dma_wait3A_53[%dma_wait3A_54] : memref<320000xi32, #tpu.memory_space<hbm>> -> memref<128xi32, #tpu.memory_space<hbm>>
    %dma_wait3A_56 = arith.constant 0 : i32
    %dma_wait3A_57 = tpu.memref_slice %arg3[%dma_wait3A, %dma_wait3A_56] : memref<2x320000xi32, #tpu.memory_space<hbm>> -> memref<1x320000xi32, #tpu.memory_space<hbm>>
    %dma_wait3A_58 = tpu.memref_squeeze %dma_wait3A_57 : memref<1x320000xi32, #tpu.memory_space<hbm>> -> memref<320000xi32, #tpu.memory_space<hbm>>
    %dma_wait3A_59 = arith.constant 0 : i32
    %dma_wait3A_60 = tpu.memref_slice %dma_wait3A_58[%dma_wait3A_59] : memref<320000xi32, #tpu.memory_space<hbm>> -> memref<128xi32, #tpu.memory_space<hbm>>
    tpu.wait_dma2 semaphore(%arg15 : memref<!tpu.dma_semaphore, #tpu.memory_space<semaphore_mem>>) src(%dma_wait3A_60 : memref<128xi32, #tpu.memory_space<hbm>>) dst(%arg6 : memref<128xi32, #tpu.memory_space<vmem>>)
    %dma_start3A_61 = arith.constant 0 : i32
    %dma_start3A_62 = arith.constant 0 : i32
    %dma_start3A_63 = tpu.memref_slice %arg2[%dma_start3A_61, %dma_start3A_62] : memref<10000x128xf32, #tpu.memory_space<hbm>> -> memref<10000x128xf32, #tpu.memory_space<hbm>>
    tpu.enqueue_indirect_dma source(%dma_start3A_63 : memref<10000x128xf32, #tpu.memory_space<hbm>>) target(%arg10 : memref<128x128xf32, #tpu.memory_space<vmem>>) offsets(%arg6 : memref<128xi32, #tpu.memory_space<vmem>>) semaphore(%arg13 : memref<!tpu.dma_semaphore, #tpu.memory_space<semaphore_mem>>)
    %sub3A = arith.constant 2 : i32
    %sub3A_64 = arith.subi %select_n3A, %sub3A : i32
    %jit3A_65 = arith.constant 2 : i32
    %div3A = arith.divsi %sub3A_64, %jit3A_65 : i32
    %sign3A = arith.constant 0 : i32
    %sign3A_66 = arith.cmpi sgt, %sub3A_64, %sign3A : i32
    %sign3A_67 = arith.extui %sign3A_66 : i1 to i32
    %sign3A_68 = arith.constant 0 : i32
    %sign3A_69 = arith.cmpi slt, %sub3A_64, %sign3A_68 : i32
    %sign3A_70 = arith.extui %sign3A_69 : i1 to i32
    %sign3A_71 = arith.subi %sign3A_67, %sign3A_70 : i32
    %sign3A_72 = arith.constant 0 : i32
    %sign3A_73 = arith.cmpi sgt, %jit3A_65, %sign3A_72 : i32
    %sign3A_74 = arith.extui %sign3A_73 : i1 to i32
    %sign3A_75 = arith.constant 0 : i32
    %sign3A_76 = arith.cmpi slt, %jit3A_65, %sign3A_75 : i32
    %sign3A_77 = arith.extui %sign3A_76 : i1 to i32
    %sign3A_78 = arith.subi %sign3A_74, %sign3A_77 : i32
    %ne3A = arith.cmpi ne, %sign3A_71, %sign3A_78 : i32
    %rem3A = arith.remsi %sub3A_64, %jit3A_65 : i32
    %ne3A_79 = arith.constant 0 : i32
    %ne3A_80 = arith.cmpi ne, %rem3A, %ne3A_79 : i32
    %and3A = arith.andi %ne3A, %ne3A_80 : i1
    %sub3A_81 = arith.constant 1 : i32
    %sub3A_82 = arith.subi %div3A, %sub3A_81 : i32
    %select_n3A_83 = arith.select %and3A, %sub3A_82, %div3A : i32
    %sub3A_84 = arith.constant 0 : i32
    %sub3A_85 = arith.subi %select_n3A_83, %sub3A_84 : i32
    %sub3A_86 = arith.constant 1 : i32
    %sub3A_87 = arith.constant 1 : i32
    %sub3A_88 = arith.subi %sub3A_86, %sub3A_87 : i32
    %add3A_89 = arith.addi %sub3A_85, %sub3A_88 : i32
    %div3A_90 = arith.constant 1 : i32
    %div3A_91 = arith.divsi %add3A_89, %div3A_90 : i32
    %while3A = arith.constant 1 : i32
    %while3A_92 = arith.constant 0 : i32
    %while3A_93 = arith.constant 0 : i32
    %while3A_94 = arith.constant 1 : i32
    %while3A_95 = arith.constant 0 : i32
    %while3A_96 = arith.subi %div3A_91, %while3A_95 : i32
    %while3A_97 = arith.addi %while3A_95, %while3A_96 : i32
    %while3A_98 = arith.constant 1 : i32
    %while3A_99 = arith.divsi %while3A_96, %while3A_98 : i32
    %while3A_100 = arith.muli %while3A_99, %while3A_98 : i32
    %while3A_101 = arith.addi %while3A_95, %while3A_100 : i32
    %while3A_102 = arith.constant 1 : i32
    scf.for %while3A_155 = %while3A_95 to %while3A_101 step %while3A_102  : i32 {
      %mul3A_156 = arith.muli %while3A_155, %while3A : i32
      %add3A_157 = arith.addi %while3A_92, %mul3A_156 : i32
      %mul3A_158 = arith.constant 2 : i32
      %mul3A_159 = arith.muli %mul3A_158, %add3A_157 : i32
      %dma_wait3A_160 = arith.constant 0 : i32
      %dma_wait3A_161 = tpu.memref_slice %arg3[%while3A_93, %dma_wait3A_160] : memref<2x320000xi32, #tpu.memory_space<hbm>> -> memref<1x320000xi32, #tpu.memory_space<hbm>>
      %dma_wait3A_162 = tpu.memref_squeeze %dma_wait3A_161 : memref<1x320000xi32, #tpu.memory_space<hbm>> -> memref<320000xi32, #tpu.memory_space<hbm>>
      %dma_wait3A_163 = arith.constant 0 : i32
      %dma_wait3A_164 = tpu.memref_slice %dma_wait3A_162[%dma_wait3A_163] : memref<320000xi32, #tpu.memory_space<hbm>> -> memref<128xi32, #tpu.memory_space<hbm>>
      %dma_wait3A_165 = arith.constant 0 : i32
      %dma_wait3A_166 = tpu.memref_slice %arg3[%while3A_93, %dma_wait3A_165] : memref<2x320000xi32, #tpu.memory_space<hbm>> -> memref<1x320000xi32, #tpu.memory_space<hbm>>
      %dma_wait3A_167 = tpu.memref_squeeze %dma_wait3A_166 : memref<1x320000xi32, #tpu.memory_space<hbm>> -> memref<320000xi32, #tpu.memory_space<hbm>>
      %dma_wait3A_168 = arith.constant 0 : i32
      %dma_wait3A_169 = tpu.memref_slice %dma_wait3A_167[%dma_wait3A_168] : memref<320000xi32, #tpu.memory_space<hbm>> -> memref<128xi32, #tpu.memory_space<hbm>>
      tpu.wait_dma2 semaphore(%arg16 : memref<!tpu.dma_semaphore, #tpu.memory_space<semaphore_mem>>) src(%dma_wait3A_169 : memref<128xi32, #tpu.memory_space<hbm>>) dst(%arg7 : memref<128xi32, #tpu.memory_space<vmem>>)
      %dma_start3A_170 = arith.constant 0 : i32
      %dma_start3A_171 = arith.constant 0 : i32
      %dma_start3A_172 = tpu.memref_slice %arg2[%dma_start3A_170, %dma_start3A_171] : memref<10000x128xf32, #tpu.memory_space<hbm>> -> memref<10000x128xf32, #tpu.memory_space<hbm>>
      tpu.enqueue_indirect_dma source(%dma_start3A_172 : memref<10000x128xf32, #tpu.memory_space<hbm>>) target(%arg11 : memref<128x128xf32, #tpu.memory_space<vmem>>) offsets(%arg7 : memref<128xi32, #tpu.memory_space<vmem>>) semaphore(%arg14 : memref<!tpu.dma_semaphore, #tpu.memory_space<semaphore_mem>>)
      %dma_wait3A_173 = arith.constant 0 : i32
      %dma_wait3A_174 = arith.constant 0 : i32
      %dma_wait3A_175 = tpu.memref_slice %arg2[%dma_wait3A_173, %dma_wait3A_174] : memref<10000x128xf32, #tpu.memory_space<hbm>> -> memref<10000x128xf32, #tpu.memory_space<hbm>>
      tpu.wait_indirect_dma semaphore(%arg13 : memref<!tpu.dma_semaphore, #tpu.memory_space<semaphore_mem>>) src(%dma_wait3A_175 : memref<10000x128xf32, #tpu.memory_space<hbm>>) dst(%arg10 : memref<128x128xf32, #tpu.memory_space<vmem>>)
      %dma_wait3A_176 = arith.constant 0 : i32
      %dma_wait3A_177 = tpu.memref_slice %arg3[%while3A_94, %dma_wait3A_176] : memref<2x320000xi32, #tpu.memory_space<hbm>> -> memref<1x320000xi32, #tpu.memory_space<hbm>>
      %dma_wait3A_178 = tpu.memref_squeeze %dma_wait3A_177 : memref<1x320000xi32, #tpu.memory_space<hbm>> -> memref<320000xi32, #tpu.memory_space<hbm>>
      %dma_wait3A_179 = arith.constant 0 : i32
      %dma_wait3A_180 = tpu.memref_slice %dma_wait3A_178[%dma_wait3A_179] : memref<320000xi32, #tpu.memory_space<hbm>> -> memref<128xi32, #tpu.memory_space<hbm>>
      %dma_wait3A_181 = arith.constant 0 : i32
      %dma_wait3A_182 = tpu.memref_slice %arg3[%while3A_94, %dma_wait3A_181] : memref<2x320000xi32, #tpu.memory_space<hbm>> -> memref<1x320000xi32, #tpu.memory_space<hbm>>
      %dma_wait3A_183 = tpu.memref_squeeze %dma_wait3A_182 : memref<1x320000xi32, #tpu.memory_space<hbm>> -> memref<320000xi32, #tpu.memory_space<hbm>>
      %dma_wait3A_184 = arith.constant 0 : i32
      %dma_wait3A_185 = tpu.memref_slice %dma_wait3A_183[%dma_wait3A_184] : memref<320000xi32, #tpu.memory_space<hbm>> -> memref<128xi32, #tpu.memory_space<hbm>>
      tpu.wait_dma2 semaphore(%arg17 : memref<!tpu.dma_semaphore, #tpu.memory_space<semaphore_mem>>) src(%dma_wait3A_185 : memref<128xi32, #tpu.memory_space<hbm>>) dst(%arg8 : memref<128xi32, #tpu.memory_space<vmem>>)
      "tpu.region"() ({
        %run_scoped3A = tpu.sem_alloc : memref<!tpu.dma_semaphore, #tpu.memory_space<semaphore_mem>>
        %dma_start3A_260 = arith.constant 0 : i32
        %dma_start3A_261 = arith.constant 0 : i32
        %dma_start3A_262 = tpu.memref_slice %arg12[%dma_start3A_260, %dma_start3A_261] : memref<10112x128xf32, #tpu.memory_space<vmem_shared>> -> memref<10112x128xf32, #tpu.memory_space<vmem_shared>>
        tpu.enqueue_indirect_dma source(%arg10 : memref<128x128xf32, #tpu.memory_space<vmem>>) target(%dma_start3A_262 : memref<10112x128xf32, #tpu.memory_space<vmem_shared>>) offsets(%arg8 : memref<128xi32, #tpu.memory_space<vmem>>) semaphore(%run_scoped3A : memref<!tpu.dma_semaphore, #tpu.memory_space<semaphore_mem>>) {add = true}
        %dma_wait3A_263 = arith.constant 0 : i32
        %dma_wait3A_264 = arith.constant 0 : i32
        %dma_wait3A_265 = tpu.memref_slice %arg12[%dma_wait3A_263, %dma_wait3A_264] : memref<10112x128xf32, #tpu.memory_space<vmem_shared>> -> memref<10112x128xf32, #tpu.memory_space<vmem_shared>>
        tpu.wait_indirect_dma semaphore(%run_scoped3A : memref<!tpu.dma_semaphore, #tpu.memory_space<semaphore_mem>>) src(%arg10 : memref<128x128xf32, #tpu.memory_space<vmem>>) dst(%dma_wait3A_265 : memref<10112x128xf32, #tpu.memory_space<vmem_shared>>)
        tpu.yield
      }) : () -> ()
      %add3A_186 = arith.constant 2 : i32
      %add3A_187 = arith.addi %mul3A_159, %add3A_186 : i32
      %mul3A_188 = arith.constant 128 : i32
      %mul3A_189 = arith.muli %add3A_187, %mul3A_188 : i32
      %add3A_190 = arith.addi %mul3A_8, %mul3A_189 : i32
      %multiple_of3A_191 = tpu.assume_multiple %add3A_190, 128 : i32
      %dma_start3A_192 = arith.constant 0 : i32
      %dma_start3A_193 = tpu.memref_slice %arg3[%while3A_93, %dma_start3A_192] : memref<2x320000xi32, #tpu.memory_space<hbm>> -> memref<1x320000xi32, #tpu.memory_space<hbm>>
      %dma_start3A_194 = tpu.memref_squeeze %dma_start3A_193 : memref<1x320000xi32, #tpu.memory_space<hbm>> -> memref<320000xi32, #tpu.memory_space<hbm>>
      %dma_start3A_195 = tpu.memref_slice %dma_start3A_194[%multiple_of3A_191] : memref<320000xi32, #tpu.memory_space<hbm>> -> memref<128xi32, #tpu.memory_space<hbm>>
      %dma_start3A_196 = arith.constant 0 : i32
      %dma_start3A_197 = tpu.memref_slice %arg3[%while3A_93, %dma_start3A_196] : memref<2x320000xi32, #tpu.memory_space<hbm>> -> memref<1x320000xi32, #tpu.memory_space<hbm>>
      %dma_start3A_198 = tpu.memref_squeeze %dma_start3A_197 : memref<1x320000xi32, #tpu.memory_space<hbm>> -> memref<320000xi32, #tpu.memory_space<hbm>>
      %dma_start3A_199 = tpu.memref_slice %dma_start3A_198[%multiple_of3A_191] : memref<320000xi32, #tpu.memory_space<hbm>> -> memref<128xi32, #tpu.memory_space<hbm>>
      tpu.enqueue_dma source(%dma_start3A_199 : memref<128xi32, #tpu.memory_space<hbm>>) target(%arg6 : memref<128xi32, #tpu.memory_space<vmem>>) target_semaphore(%arg15 : memref<!tpu.dma_semaphore, #tpu.memory_space<semaphore_mem>>)
      %dma_start3A_200 = arith.constant 0 : i32
      %dma_start3A_201 = tpu.memref_slice %arg3[%while3A_94, %dma_start3A_200] : memref<2x320000xi32, #tpu.memory_space<hbm>> -> memref<1x320000xi32, #tpu.memory_space<hbm>>
      %dma_start3A_202 = tpu.memref_squeeze %dma_start3A_201 : memref<1x320000xi32, #tpu.memory_space<hbm>> -> memref<320000xi32, #tpu.memory_space<hbm>>
      %dma_start3A_203 = tpu.memref_slice %dma_start3A_202[%multiple_of3A_191] : memref<320000xi32, #tpu.memory_space<hbm>> -> memref<128xi32, #tpu.memory_space<hbm>>
      %dma_start3A_204 = arith.constant 0 : i32
      %dma_start3A_205 = tpu.memref_slice %arg3[%while3A_94, %dma_start3A_204] : memref<2x320000xi32, #tpu.memory_space<hbm>> -> memref<1x320000xi32, #tpu.memory_space<hbm>>
      %dma_start3A_206 = tpu.memref_squeeze %dma_start3A_205 : memref<1x320000xi32, #tpu.memory_space<hbm>> -> memref<320000xi32, #tpu.memory_space<hbm>>
      %dma_start3A_207 = tpu.memref_slice %dma_start3A_206[%multiple_of3A_191] : memref<320000xi32, #tpu.memory_space<hbm>> -> memref<128xi32, #tpu.memory_space<hbm>>
      tpu.enqueue_dma source(%dma_start3A_207 : memref<128xi32, #tpu.memory_space<hbm>>) target(%arg8 : memref<128xi32, #tpu.memory_space<vmem>>) target_semaphore(%arg17 : memref<!tpu.dma_semaphore, #tpu.memory_space<semaphore_mem>>)
      %mul3A_208 = arith.constant 2 : i32
      %mul3A_209 = arith.muli %mul3A_208, %add3A_157 : i32
      %add3A_210 = arith.constant 1 : i32
      %add3A_211 = arith.addi %mul3A_209, %add3A_210 : i32
      %dma_wait3A_212 = arith.constant 0 : i32
      %dma_wait3A_213 = tpu.memref_slice %arg3[%while3A_93, %dma_wait3A_212] : memref<2x320000xi32, #tpu.memory_space<hbm>> -> memref<1x320000xi32, #tpu.memory_space<hbm>>
      %dma_wait3A_214 = tpu.memref_squeeze %dma_wait3A_213 : memref<1x320000xi32, #tpu.memory_space<hbm>> -> memref<320000xi32, #tpu.memory_space<hbm>>
      %dma_wait3A_215 = arith.constant 0 : i32
      %dma_wait3A_216 = tpu.memref_slice %dma_wait3A_214[%dma_wait3A_215] : memref<320000xi32, #tpu.memory_space<hbm>> -> memref<128xi32, #tpu.memory_space<hbm>>
      %dma_wait3A_217 = arith.constant 0 : i32
      %dma_wait3A_218 = tpu.memref_slice %arg3[%while3A_93, %dma_wait3A_217] : memref<2x320000xi32, #tpu.memory_space<hbm>> -> memref<1x320000xi32, #tpu.memory_space<hbm>>
      %dma_wait3A_219 = tpu.memref_squeeze %dma_wait3A_218 : memref<1x320000xi32, #tpu.memory_space<hbm>> -> memref<320000xi32, #tpu.memory_space<hbm>>
      %dma_wait3A_220 = arith.constant 0 : i32
      %dma_wait3A_221 = tpu.memref_slice %dma_wait3A_219[%dma_wait3A_220] : memref<320000xi32, #tpu.memory_space<hbm>> -> memref<128xi32, #tpu.memory_space<hbm>>
      tpu.wait_dma2 semaphore(%arg15 : memref<!tpu.dma_semaphore, #tpu.memory_space<semaphore_mem>>) src(%dma_wait3A_221 : memref<128xi32, #tpu.memory_space<hbm>>) dst(%arg6 : memref<128xi32, #tpu.memory_space<vmem>>)
      %dma_start3A_222 = arith.constant 0 : i32
      %dma_start3A_223 = arith.constant 0 : i32
      %dma_start3A_224 = tpu.memref_slice %arg2[%dma_start3A_222, %dma_start3A_223] : memref<10000x128xf32, #tpu.memory_space<hbm>> -> memref<10000x128xf32, #tpu.memory_space<hbm>>
      tpu.enqueue_indirect_dma source(%dma_start3A_224 : memref<10000x128xf32, #tpu.memory_space<hbm>>) target(%arg10 : memref<128x128xf32, #tpu.memory_space<vmem>>) offsets(%arg6 : memref<128xi32, #tpu.memory_space<vmem>>) semaphore(%arg13 : memref<!tpu.dma_semaphore, #tpu.memory_space<semaphore_mem>>)
      %dma_wait3A_225 = arith.constant 0 : i32
      %dma_wait3A_226 = arith.constant 0 : i32
      %dma_wait3A_227 = tpu.memref_slice %arg2[%dma_wait3A_225, %dma_wait3A_226] : memref<10000x128xf32, #tpu.memory_space<hbm>> -> memref<10000x128xf32, #tpu.memory_space<hbm>>
      tpu.wait_indirect_dma semaphore(%arg14 : memref<!tpu.dma_semaphore, #tpu.memory_space<semaphore_mem>>) src(%dma_wait3A_227 : memref<10000x128xf32, #tpu.memory_space<hbm>>) dst(%arg11 : memref<128x128xf32, #tpu.memory_space<vmem>>)
      %dma_wait3A_228 = arith.constant 0 : i32
      %dma_wait3A_229 = tpu.memref_slice %arg3[%while3A_94, %dma_wait3A_228] : memref<2x320000xi32, #tpu.memory_space<hbm>> -> memref<1x320000xi32, #tpu.memory_space<hbm>>
      %dma_wait3A_230 = tpu.memref_squeeze %dma_wait3A_229 : memref<1x320000xi32, #tpu.memory_space<hbm>> -> memref<320000xi32, #tpu.memory_space<hbm>>
      %dma_wait3A_231 = arith.constant 0 : i32
      %dma_wait3A_232 = tpu.memref_slice %dma_wait3A_230[%dma_wait3A_231] : memref<320000xi32, #tpu.memory_space<hbm>> -> memref<128xi32, #tpu.memory_space<hbm>>
      %dma_wait3A_233 = arith.constant 0 : i32
      %dma_wait3A_234 = tpu.memref_slice %arg3[%while3A_94, %dma_wait3A_233] : memref<2x320000xi32, #tpu.memory_space<hbm>> -> memref<1x320000xi32, #tpu.memory_space<hbm>>
      %dma_wait3A_235 = tpu.memref_squeeze %dma_wait3A_234 : memref<1x320000xi32, #tpu.memory_space<hbm>> -> memref<320000xi32, #tpu.memory_space<hbm>>
      %dma_wait3A_236 = arith.constant 0 : i32
      %dma_wait3A_237 = tpu.memref_slice %dma_wait3A_235[%dma_wait3A_236] : memref<320000xi32, #tpu.memory_space<hbm>> -> memref<128xi32, #tpu.memory_space<hbm>>
      tpu.wait_dma2 semaphore(%arg18 : memref<!tpu.dma_semaphore, #tpu.memory_space<semaphore_mem>>) src(%dma_wait3A_237 : memref<128xi32, #tpu.memory_space<hbm>>) dst(%arg9 : memref<128xi32, #tpu.memory_space<vmem>>)
      "tpu.region"() ({
        %run_scoped3A = tpu.sem_alloc : memref<!tpu.dma_semaphore, #tpu.memory_space<semaphore_mem>>
        %dma_start3A_260 = arith.constant 0 : i32
        %dma_start3A_261 = arith.constant 0 : i32
        %dma_start3A_262 = tpu.memref_slice %arg12[%dma_start3A_260, %dma_start3A_261] : memref<10112x128xf32, #tpu.memory_space<vmem_shared>> -> memref<10112x128xf32, #tpu.memory_space<vmem_shared>>
        tpu.enqueue_indirect_dma source(%arg11 : memref<128x128xf32, #tpu.memory_space<vmem>>) target(%dma_start3A_262 : memref<10112x128xf32, #tpu.memory_space<vmem_shared>>) offsets(%arg9 : memref<128xi32, #tpu.memory_space<vmem>>) semaphore(%run_scoped3A : memref<!tpu.dma_semaphore, #tpu.memory_space<semaphore_mem>>) {add = true}
        %dma_wait3A_263 = arith.constant 0 : i32
        %dma_wait3A_264 = arith.constant 0 : i32
        %dma_wait3A_265 = tpu.memref_slice %arg12[%dma_wait3A_263, %dma_wait3A_264] : memref<10112x128xf32, #tpu.memory_space<vmem_shared>> -> memref<10112x128xf32, #tpu.memory_space<vmem_shared>>
        tpu.wait_indirect_dma semaphore(%run_scoped3A : memref<!tpu.dma_semaphore, #tpu.memory_space<semaphore_mem>>) src(%arg11 : memref<128x128xf32, #tpu.memory_space<vmem>>) dst(%dma_wait3A_265 : memref<10112x128xf32, #tpu.memory_space<vmem_shared>>)
        tpu.yield
      }) : () -> ()
      %add3A_238 = arith.constant 2 : i32
      %add3A_239 = arith.addi %add3A_211, %add3A_238 : i32
      %mul3A_240 = arith.constant 128 : i32
      %mul3A_241 = arith.muli %add3A_239, %mul3A_240 : i32
      %add3A_242 = arith.addi %mul3A_8, %mul3A_241 : i32
      %multiple_of3A_243 = tpu.assume_multiple %add3A_242, 128 : i32
      %dma_start3A_244 = arith.constant 0 : i32
      %dma_start3A_245 = tpu.memref_slice %arg3[%while3A_93, %dma_start3A_244] : memref<2x320000xi32, #tpu.memory_space<hbm>> -> memref<1x320000xi32, #tpu.memory_space<hbm>>
      %dma_start3A_246 = tpu.memref_squeeze %dma_start3A_245 : memref<1x320000xi32, #tpu.memory_space<hbm>> -> memref<320000xi32, #tpu.memory_space<hbm>>
      %dma_start3A_247 = tpu.memref_slice %dma_start3A_246[%multiple_of3A_243] : memref<320000xi32, #tpu.memory_space<hbm>> -> memref<128xi32, #tpu.memory_space<hbm>>
      %dma_start3A_248 = arith.constant 0 : i32
      %dma_start3A_249 = tpu.memref_slice %arg3[%while3A_93, %dma_start3A_248] : memref<2x320000xi32, #tpu.memory_space<hbm>> -> memref<1x320000xi32, #tpu.memory_space<hbm>>
      %dma_start3A_250 = tpu.memref_squeeze %dma_start3A_249 : memref<1x320000xi32, #tpu.memory_space<hbm>> -> memref<320000xi32, #tpu.memory_space<hbm>>
      %dma_start3A_251 = tpu.memref_slice %dma_start3A_250[%multiple_of3A_243] : memref<320000xi32, #tpu.memory_space<hbm>> -> memref<128xi32, #tpu.memory_space<hbm>>
      tpu.enqueue_dma source(%dma_start3A_251 : memref<128xi32, #tpu.memory_space<hbm>>) target(%arg7 : memref<128xi32, #tpu.memory_space<vmem>>) target_semaphore(%arg16 : memref<!tpu.dma_semaphore, #tpu.memory_space<semaphore_mem>>)
      %dma_start3A_252 = arith.constant 0 : i32
      %dma_start3A_253 = tpu.memref_slice %arg3[%while3A_94, %dma_start3A_252] : memref<2x320000xi32, #tpu.memory_space<hbm>> -> memref<1x320000xi32, #tpu.memory_space<hbm>>
      %dma_start3A_254 = tpu.memref_squeeze %dma_start3A_253 : memref<1x320000xi32, #tpu.memory_space<hbm>> -> memref<320000xi32, #tpu.memory_space<hbm>>
      %dma_start3A_255 = tpu.memref_slice %dma_start3A_254[%multiple_of3A_243] : memref<320000xi32, #tpu.memory_space<hbm>> -> memref<128xi32, #tpu.memory_space<hbm>>
      %dma_start3A_256 = arith.constant 0 : i32
      %dma_start3A_257 = tpu.memref_slice %arg3[%while3A_94, %dma_start3A_256] : memref<2x320000xi32, #tpu.memory_space<hbm>> -> memref<1x320000xi32, #tpu.memory_space<hbm>>
      %dma_start3A_258 = tpu.memref_squeeze %dma_start3A_257 : memref<1x320000xi32, #tpu.memory_space<hbm>> -> memref<320000xi32, #tpu.memory_space<hbm>>
      %dma_start3A_259 = tpu.memref_slice %dma_start3A_258[%multiple_of3A_243] : memref<320000xi32, #tpu.memory_space<hbm>> -> memref<128xi32, #tpu.memory_space<hbm>>
      tpu.enqueue_dma source(%dma_start3A_259 : memref<128xi32, #tpu.memory_space<hbm>>) target(%arg9 : memref<128xi32, #tpu.memory_space<vmem>>) target_semaphore(%arg18 : memref<!tpu.dma_semaphore, #tpu.memory_space<semaphore_mem>>)
    }
    %while3A_103 = arith.constant 1 : i32
    scf.for %while3A_155 = %while3A_101 to %while3A_97 step %while3A_103  : i32 {
      %mul3A_156 = arith.muli %while3A_155, %while3A : i32
      %add3A_157 = arith.addi %while3A_92, %mul3A_156 : i32
      %mul3A_158 = arith.constant 2 : i32
      %mul3A_159 = arith.muli %mul3A_158, %add3A_157 : i32
      %dma_wait3A_160 = arith.constant 0 : i32
      %dma_wait3A_161 = tpu.memref_slice %arg3[%while3A_93, %dma_wait3A_160] : memref<2x320000xi32, #tpu.memory_space<hbm>> -> memref<1x320000xi32, #tpu.memory_space<hbm>>
      %dma_wait3A_162 = tpu.memref_squeeze %dma_wait3A_161 : memref<1x320000xi32, #tpu.memory_space<hbm>> -> memref<320000xi32, #tpu.memory_space<hbm>>
      %dma_wait3A_163 = arith.constant 0 : i32
      %dma_wait3A_164 = tpu.memref_slice %dma_wait3A_162[%dma_wait3A_163] : memref<320000xi32, #tpu.memory_space<hbm>> -> memref<128xi32, #tpu.memory_space<hbm>>
      %dma_wait3A_165 = arith.constant 0 : i32
      %dma_wait3A_166 = tpu.memref_slice %arg3[%while3A_93, %dma_wait3A_165] : memref<2x320000xi32, #tpu.memory_space<hbm>> -> memref<1x320000xi32, #tpu.memory_space<hbm>>
      %dma_wait3A_167 = tpu.memref_squeeze %dma_wait3A_166 : memref<1x320000xi32, #tpu.memory_space<hbm>> -> memref<320000xi32, #tpu.memory_space<hbm>>
      %dma_wait3A_168 = arith.constant 0 : i32
      %dma_wait3A_169 = tpu.memref_slice %dma_wait3A_167[%dma_wait3A_168] : memref<320000xi32, #tpu.memory_space<hbm>> -> memref<128xi32, #tpu.memory_space<hbm>>
      tpu.wait_dma2 semaphore(%arg16 : memref<!tpu.dma_semaphore, #tpu.memory_space<semaphore_mem>>) src(%dma_wait3A_169 : memref<128xi32, #tpu.memory_space<hbm>>) dst(%arg7 : memref<128xi32, #tpu.memory_space<vmem>>)
      %dma_start3A_170 = arith.constant 0 : i32
      %dma_start3A_171 = arith.constant 0 : i32
      %dma_start3A_172 = tpu.memref_slice %arg2[%dma_start3A_170, %dma_start3A_171] : memref<10000x128xf32, #tpu.memory_space<hbm>> -> memref<10000x128xf32, #tpu.memory_space<hbm>>
      tpu.enqueue_indirect_dma source(%dma_start3A_172 : memref<10000x128xf32, #tpu.memory_space<hbm>>) target(%arg11 : memref<128x128xf32, #tpu.memory_space<vmem>>) offsets(%arg7 : memref<128xi32, #tpu.memory_space<vmem>>) semaphore(%arg14 : memref<!tpu.dma_semaphore, #tpu.memory_space<semaphore_mem>>)
      %dma_wait3A_173 = arith.constant 0 : i32
      %dma_wait3A_174 = arith.constant 0 : i32
      %dma_wait3A_175 = tpu.memref_slice %arg2[%dma_wait3A_173, %dma_wait3A_174] : memref<10000x128xf32, #tpu.memory_space<hbm>> -> memref<10000x128xf32, #tpu.memory_space<hbm>>
      tpu.wait_indirect_dma semaphore(%arg13 : memref<!tpu.dma_semaphore, #tpu.memory_space<semaphore_mem>>) src(%dma_wait3A_175 : memref<10000x128xf32, #tpu.memory_space<hbm>>) dst(%arg10 : memref<128x128xf32, #tpu.memory_space<vmem>>)
      %dma_wait3A_176 = arith.constant 0 : i32
      %dma_wait3A_177 = tpu.memref_slice %arg3[%while3A_94, %dma_wait3A_176] : memref<2x320000xi32, #tpu.memory_space<hbm>> -> memref<1x320000xi32, #tpu.memory_space<hbm>>
      %dma_wait3A_178 = tpu.memref_squeeze %dma_wait3A_177 : memref<1x320000xi32, #tpu.memory_space<hbm>> -> memref<320000xi32, #tpu.memory_space<hbm>>
      %dma_wait3A_179 = arith.constant 0 : i32
      %dma_wait3A_180 = tpu.memref_slice %dma_wait3A_178[%dma_wait3A_179] : memref<320000xi32, #tpu.memory_space<hbm>> -> memref<128xi32, #tpu.memory_space<hbm>>
      %dma_wait3A_181 = arith.constant 0 : i32
      %dma_wait3A_182 = tpu.memref_slice %arg3[%while3A_94, %dma_wait3A_181] : memref<2x320000xi32, #tpu.memory_space<hbm>> -> memref<1x320000xi32, #tpu.memory_space<hbm>>
      %dma_wait3A_183 = tpu.memref_squeeze %dma_wait3A_182 : memref<1x320000xi32, #tpu.memory_space<hbm>> -> memref<320000xi32, #tpu.memory_space<hbm>>
      %dma_wait3A_184 = arith.constant 0 : i32
      %dma_wait3A_185 = tpu.memref_slice %dma_wait3A_183[%dma_wait3A_184] : memref<320000xi32, #tpu.memory_space<hbm>> -> memref<128xi32, #tpu.memory_space<hbm>>
      tpu.wait_dma2 semaphore(%arg17 : memref<!tpu.dma_semaphore, #tpu.memory_space<semaphore_mem>>) src(%dma_wait3A_185 : memref<128xi32, #tpu.memory_space<hbm>>) dst(%arg8 : memref<128xi32, #tpu.memory_space<vmem>>)
      "tpu.region"() ({
        %run_scoped3A = tpu.sem_alloc : memref<!tpu.dma_semaphore, #tpu.memory_space<semaphore_mem>>
        %dma_start3A_260 = arith.constant 0 : i32
        %dma_start3A_261 = arith.constant 0 : i32
        %dma_start3A_262 = tpu.memref_slice %arg12[%dma_start3A_260, %dma_start3A_261] : memref<10112x128xf32, #tpu.memory_space<vmem_shared>> -> memref<10112x128xf32, #tpu.memory_space<vmem_shared>>
        tpu.enqueue_indirect_dma source(%arg10 : memref<128x128xf32, #tpu.memory_space<vmem>>) target(%dma_start3A_262 : memref<10112x128xf32, #tpu.memory_space<vmem_shared>>) offsets(%arg8 : memref<128xi32, #tpu.memory_space<vmem>>) semaphore(%run_scoped3A : memref<!tpu.dma_semaphore, #tpu.memory_space<semaphore_mem>>) {add = true}
        %dma_wait3A_263 = arith.constant 0 : i32
        %dma_wait3A_264 = arith.constant 0 : i32
        %dma_wait3A_265 = tpu.memref_slice %arg12[%dma_wait3A_263, %dma_wait3A_264] : memref<10112x128xf32, #tpu.memory_space<vmem_shared>> -> memref<10112x128xf32, #tpu.memory_space<vmem_shared>>
        tpu.wait_indirect_dma semaphore(%run_scoped3A : memref<!tpu.dma_semaphore, #tpu.memory_space<semaphore_mem>>) src(%arg10 : memref<128x128xf32, #tpu.memory_space<vmem>>) dst(%dma_wait3A_265 : memref<10112x128xf32, #tpu.memory_space<vmem_shared>>)
        tpu.yield
      }) : () -> ()
      %add3A_186 = arith.constant 2 : i32
      %add3A_187 = arith.addi %mul3A_159, %add3A_186 : i32
      %mul3A_188 = arith.constant 128 : i32
      %mul3A_189 = arith.muli %add3A_187, %mul3A_188 : i32
      %add3A_190 = arith.addi %mul3A_8, %mul3A_189 : i32
      %multiple_of3A_191 = tpu.assume_multiple %add3A_190, 128 : i32
      %dma_start3A_192 = arith.constant 0 : i32
      %dma_start3A_193 = tpu.memref_slice %arg3[%while3A_93, %dma_start3A_192] : memref<2x320000xi32, #tpu.memory_space<hbm>> -> memref<1x320000xi32, #tpu.memory_space<hbm>>
      %dma_start3A_194 = tpu.memref_squeeze %dma_start3A_193 : memref<1x320000xi32, #tpu.memory_space<hbm>> -> memref<320000xi32, #tpu.memory_space<hbm>>
      %dma_start3A_195 = tpu.memref_slice %dma_start3A_194[%multiple_of3A_191] : memref<320000xi32, #tpu.memory_space<hbm>> -> memref<128xi32, #tpu.memory_space<hbm>>
      %dma_start3A_196 = arith.constant 0 : i32
      %dma_start3A_197 = tpu.memref_slice %arg3[%while3A_93, %dma_start3A_196] : memref<2x320000xi32, #tpu.memory_space<hbm>> -> memref<1x320000xi32, #tpu.memory_space<hbm>>
      %dma_start3A_198 = tpu.memref_squeeze %dma_start3A_197 : memref<1x320000xi32, #tpu.memory_space<hbm>> -> memref<320000xi32, #tpu.memory_space<hbm>>
      %dma_start3A_199 = tpu.memref_slice %dma_start3A_198[%multiple_of3A_191] : memref<320000xi32, #tpu.memory_space<hbm>> -> memref<128xi32, #tpu.memory_space<hbm>>
      tpu.enqueue_dma source(%dma_start3A_199 : memref<128xi32, #tpu.memory_space<hbm>>) target(%arg6 : memref<128xi32, #tpu.memory_space<vmem>>) target_semaphore(%arg15 : memref<!tpu.dma_semaphore, #tpu.memory_space<semaphore_mem>>)
      %dma_start3A_200 = arith.constant 0 : i32
      %dma_start3A_201 = tpu.memref_slice %arg3[%while3A_94, %dma_start3A_200] : memref<2x320000xi32, #tpu.memory_space<hbm>> -> memref<1x320000xi32, #tpu.memory_space<hbm>>
      %dma_start3A_202 = tpu.memref_squeeze %dma_start3A_201 : memref<1x320000xi32, #tpu.memory_space<hbm>> -> memref<320000xi32, #tpu.memory_space<hbm>>
      %dma_start3A_203 = tpu.memref_slice %dma_start3A_202[%multiple_of3A_191] : memref<320000xi32, #tpu.memory_space<hbm>> -> memref<128xi32, #tpu.memory_space<hbm>>
      %dma_start3A_204 = arith.constant 0 : i32
      %dma_start3A_205 = tpu.memref_slice %arg3[%while3A_94, %dma_start3A_204] : memref<2x320000xi32, #tpu.memory_space<hbm>> -> memref<1x320000xi32, #tpu.memory_space<hbm>>
      %dma_start3A_206 = tpu.memref_squeeze %dma_start3A_205 : memref<1x320000xi32, #tpu.memory_space<hbm>> -> memref<320000xi32, #tpu.memory_space<hbm>>
      %dma_start3A_207 = tpu.memref_slice %dma_start3A_206[%multiple_of3A_191] : memref<320000xi32, #tpu.memory_space<hbm>> -> memref<128xi32, #tpu.memory_space<hbm>>
      tpu.enqueue_dma source(%dma_start3A_207 : memref<128xi32, #tpu.memory_space<hbm>>) target(%arg8 : memref<128xi32, #tpu.memory_space<vmem>>) target_semaphore(%arg17 : memref<!tpu.dma_semaphore, #tpu.memory_space<semaphore_mem>>)
      %mul3A_208 = arith.constant 2 : i32
      %mul3A_209 = arith.muli %mul3A_208, %add3A_157 : i32
      %add3A_210 = arith.constant 1 : i32
      %add3A_211 = arith.addi %mul3A_209, %add3A_210 : i32
      %dma_wait3A_212 = arith.constant 0 : i32
      %dma_wait3A_213 = tpu.memref_slice %arg3[%while3A_93, %dma_wait3A_212] : memref<2x320000xi32, #tpu.memory_space<hbm>> -> memref<1x320000xi32, #tpu.memory_space<hbm>>
      %dma_wait3A_214 = tpu.memref_squeeze %dma_wait3A_213 : memref<1x320000xi32, #tpu.memory_space<hbm>> -> memref<320000xi32, #tpu.memory_space<hbm>>
      %dma_wait3A_215 = arith.constant 0 : i32
      %dma_wait3A_216 = tpu.memref_slice %dma_wait3A_214[%dma_wait3A_215] : memref<320000xi32, #tpu.memory_space<hbm>> -> memref<128xi32, #tpu.memory_space<hbm>>
      %dma_wait3A_217 = arith.constant 0 : i32
      %dma_wait3A_218 = tpu.memref_slice %arg3[%while3A_93, %dma_wait3A_217] : memref<2x320000xi32, #tpu.memory_space<hbm>> -> memref<1x320000xi32, #tpu.memory_space<hbm>>
      %dma_wait3A_219 = tpu.memref_squeeze %dma_wait3A_218 : memref<1x320000xi32, #tpu.memory_space<hbm>> -> memref<320000xi32, #tpu.memory_space<hbm>>
      %dma_wait3A_220 = arith.constant 0 : i32
      %dma_wait3A_221 = tpu.memref_slice %dma_wait3A_219[%dma_wait3A_220] : memref<320000xi32, #tpu.memory_space<hbm>> -> memref<128xi32, #tpu.memory_space<hbm>>
      tpu.wait_dma2 semaphore(%arg15 : memref<!tpu.dma_semaphore, #tpu.memory_space<semaphore_mem>>) src(%dma_wait3A_221 : memref<128xi32, #tpu.memory_space<hbm>>) dst(%arg6 : memref<128xi32, #tpu.memory_space<vmem>>)
      %dma_start3A_222 = arith.constant 0 : i32
      %dma_start3A_223 = arith.constant 0 : i32
      %dma_start3A_224 = tpu.memref_slice %arg2[%dma_start3A_222, %dma_start3A_223] : memref<10000x128xf32, #tpu.memory_space<hbm>> -> memref<10000x128xf32, #tpu.memory_space<hbm>>
      tpu.enqueue_indirect_dma source(%dma_start3A_224 : memref<10000x128xf32, #tpu.memory_space<hbm>>) target(%arg10 : memref<128x128xf32, #tpu.memory_space<vmem>>) offsets(%arg6 : memref<128xi32, #tpu.memory_space<vmem>>) semaphore(%arg13 : memref<!tpu.dma_semaphore, #tpu.memory_space<semaphore_mem>>)
      %dma_wait3A_225 = arith.constant 0 : i32
      %dma_wait3A_226 = arith.constant 0 : i32
      %dma_wait3A_227 = tpu.memref_slice %arg2[%dma_wait3A_225, %dma_wait3A_226] : memref<10000x128xf32, #tpu.memory_space<hbm>> -> memref<10000x128xf32, #tpu.memory_space<hbm>>
      tpu.wait_indirect_dma semaphore(%arg14 : memref<!tpu.dma_semaphore, #tpu.memory_space<semaphore_mem>>) src(%dma_wait3A_227 : memref<10000x128xf32, #tpu.memory_space<hbm>>) dst(%arg11 : memref<128x128xf32, #tpu.memory_space<vmem>>)
      %dma_wait3A_228 = arith.constant 0 : i32
      %dma_wait3A_229 = tpu.memref_slice %arg3[%while3A_94, %dma_wait3A_228] : memref<2x320000xi32, #tpu.memory_space<hbm>> -> memref<1x320000xi32, #tpu.memory_space<hbm>>
      %dma_wait3A_230 = tpu.memref_squeeze %dma_wait3A_229 : memref<1x320000xi32, #tpu.memory_space<hbm>> -> memref<320000xi32, #tpu.memory_space<hbm>>
      %dma_wait3A_231 = arith.constant 0 : i32
      %dma_wait3A_232 = tpu.memref_slice %dma_wait3A_230[%dma_wait3A_231] : memref<320000xi32, #tpu.memory_space<hbm>> -> memref<128xi32, #tpu.memory_space<hbm>>
      %dma_wait3A_233 = arith.constant 0 : i32
      %dma_wait3A_234 = tpu.memref_slice %arg3[%while3A_94, %dma_wait3A_233] : memref<2x320000xi32, #tpu.memory_space<hbm>> -> memref<1x320000xi32, #tpu.memory_space<hbm>>
      %dma_wait3A_235 = tpu.memref_squeeze %dma_wait3A_234 : memref<1x320000xi32, #tpu.memory_space<hbm>> -> memref<320000xi32, #tpu.memory_space<hbm>>
      %dma_wait3A_236 = arith.constant 0 : i32
      %dma_wait3A_237 = tpu.memref_slice %dma_wait3A_235[%dma_wait3A_236] : memref<320000xi32, #tpu.memory_space<hbm>> -> memref<128xi32, #tpu.memory_space<hbm>>
      tpu.wait_dma2 semaphore(%arg18 : memref<!tpu.dma_semaphore, #tpu.memory_space<semaphore_mem>>) src(%dma_wait3A_237 : memref<128xi32, #tpu.memory_space<hbm>>) dst(%arg9 : memref<128xi32, #tpu.memory_space<vmem>>)
      "tpu.region"() ({
        %run_scoped3A = tpu.sem_alloc : memref<!tpu.dma_semaphore, #tpu.memory_space<semaphore_mem>>
        %dma_start3A_260 = arith.constant 0 : i32
        %dma_start3A_261 = arith.constant 0 : i32
        %dma_start3A_262 = tpu.memref_slice %arg12[%dma_start3A_260, %dma_start3A_261] : memref<10112x128xf32, #tpu.memory_space<vmem_shared>> -> memref<10112x128xf32, #tpu.memory_space<vmem_shared>>
        tpu.enqueue_indirect_dma source(%arg11 : memref<128x128xf32, #tpu.memory_space<vmem>>) target(%dma_start3A_262 : memref<10112x128xf32, #tpu.memory_space<vmem_shared>>) offsets(%arg9 : memref<128xi32, #tpu.memory_space<vmem>>) semaphore(%run_scoped3A : memref<!tpu.dma_semaphore, #tpu.memory_space<semaphore_mem>>) {add = true}
        %dma_wait3A_263 = arith.constant 0 : i32
        %dma_wait3A_264 = arith.constant 0 : i32
        %dma_wait3A_265 = tpu.memref_slice %arg12[%dma_wait3A_263, %dma_wait3A_264] : memref<10112x128xf32, #tpu.memory_space<vmem_shared>> -> memref<10112x128xf32, #tpu.memory_space<vmem_shared>>
        tpu.wait_indirect_dma semaphore(%run_scoped3A : memref<!tpu.dma_semaphore, #tpu.memory_space<semaphore_mem>>) src(%arg11 : memref<128x128xf32, #tpu.memory_space<vmem>>) dst(%dma_wait3A_265 : memref<10112x128xf32, #tpu.memory_space<vmem_shared>>)
        tpu.yield
      }) : () -> ()
      %add3A_238 = arith.constant 2 : i32
      %add3A_239 = arith.addi %add3A_211, %add3A_238 : i32
      %mul3A_240 = arith.constant 128 : i32
      %mul3A_241 = arith.muli %add3A_239, %mul3A_240 : i32
      %add3A_242 = arith.addi %mul3A_8, %mul3A_241 : i32
      %multiple_of3A_243 = tpu.assume_multiple %add3A_242, 128 : i32
      %dma_start3A_244 = arith.constant 0 : i32
      %dma_start3A_245 = tpu.memref_slice %arg3[%while3A_93, %dma_start3A_244] : memref<2x320000xi32, #tpu.memory_space<hbm>> -> memref<1x320000xi32, #tpu.memory_space<hbm>>
      %dma_start3A_246 = tpu.memref_squeeze %dma_start3A_245 : memref<1x320000xi32, #tpu.memory_space<hbm>> -> memref<320000xi32, #tpu.memory_space<hbm>>
      %dma_start3A_247 = tpu.memref_slice %dma_start3A_246[%multiple_of3A_243] : memref<320000xi32, #tpu.memory_space<hbm>> -> memref<128xi32, #tpu.memory_space<hbm>>
      %dma_start3A_248 = arith.constant 0 : i32
      %dma_start3A_249 = tpu.memref_slice %arg3[%while3A_93, %dma_start3A_248] : memref<2x320000xi32, #tpu.memory_space<hbm>> -> memref<1x320000xi32, #tpu.memory_space<hbm>>
      %dma_start3A_250 = tpu.memref_squeeze %dma_start3A_249 : memref<1x320000xi32, #tpu.memory_space<hbm>> -> memref<320000xi32, #tpu.memory_space<hbm>>
      %dma_start3A_251 = tpu.memref_slice %dma_start3A_250[%multiple_of3A_243] : memref<320000xi32, #tpu.memory_space<hbm>> -> memref<128xi32, #tpu.memory_space<hbm>>
      tpu.enqueue_dma source(%dma_start3A_251 : memref<128xi32, #tpu.memory_space<hbm>>) target(%arg7 : memref<128xi32, #tpu.memory_space<vmem>>) target_semaphore(%arg16 : memref<!tpu.dma_semaphore, #tpu.memory_space<semaphore_mem>>)
      %dma_start3A_252 = arith.constant 0 : i32
      %dma_start3A_253 = tpu.memref_slice %arg3[%while3A_94, %dma_start3A_252] : memref<2x320000xi32, #tpu.memory_space<hbm>> -> memref<1x320000xi32, #tpu.memory_space<hbm>>
      %dma_start3A_254 = tpu.memref_squeeze %dma_start3A_253 : memref<1x320000xi32, #tpu.memory_space<hbm>> -> memref<320000xi32, #tpu.memory_space<hbm>>
      %dma_start3A_255 = tpu.memref_slice %dma_start3A_254[%multiple_of3A_243] : memref<320000xi32, #tpu.memory_space<hbm>> -> memref<128xi32, #tpu.memory_space<hbm>>
      %dma_start3A_256 = arith.constant 0 : i32
      %dma_start3A_257 = tpu.memref_slice %arg3[%while3A_94, %dma_start3A_256] : memref<2x320000xi32, #tpu.memory_space<hbm>> -> memref<1x320000xi32, #tpu.memory_space<hbm>>
      %dma_start3A_258 = tpu.memref_squeeze %dma_start3A_257 : memref<1x320000xi32, #tpu.memory_space<hbm>> -> memref<320000xi32, #tpu.memory_space<hbm>>
      %dma_start3A_259 = tpu.memref_slice %dma_start3A_258[%multiple_of3A_243] : memref<320000xi32, #tpu.memory_space<hbm>> -> memref<128xi32, #tpu.memory_space<hbm>>
      tpu.enqueue_dma source(%dma_start3A_259 : memref<128xi32, #tpu.memory_space<hbm>>) target(%arg9 : memref<128xi32, #tpu.memory_space<vmem>>) target_semaphore(%arg18 : memref<!tpu.dma_semaphore, #tpu.memory_space<semaphore_mem>>)
    }
    %sub3A_104 = arith.constant 2 : i32
    %sub3A_105 = arith.subi %select_n3A, %sub3A_104 : i32
    %dma_wait3A_106 = arith.constant 0 : i32
    %dma_wait3A_107 = arith.constant 0 : i32
    %dma_wait3A_108 = tpu.memref_slice %arg3[%dma_wait3A_106, %dma_wait3A_107] : memref<2x320000xi32, #tpu.memory_space<hbm>> -> memref<1x320000xi32, #tpu.memory_space<hbm>>
    %dma_wait3A_109 = tpu.memref_squeeze %dma_wait3A_108 : memref<1x320000xi32, #tpu.memory_space<hbm>> -> memref<320000xi32, #tpu.memory_space<hbm>>
    %dma_wait3A_110 = arith.constant 0 : i32
    %dma_wait3A_111 = tpu.memref_slice %dma_wait3A_109[%dma_wait3A_110] : memref<320000xi32, #tpu.memory_space<hbm>> -> memref<128xi32, #tpu.memory_space<hbm>>
    %dma_wait3A_112 = arith.constant 0 : i32
    %dma_wait3A_113 = tpu.memref_slice %arg3[%dma_wait3A_106, %dma_wait3A_112] : memref<2x320000xi32, #tpu.memory_space<hbm>> -> memref<1x320000xi32, #tpu.memory_space<hbm>>
    %dma_wait3A_114 = tpu.memref_squeeze %dma_wait3A_113 : memref<1x320000xi32, #tpu.memory_space<hbm>> -> memref<320000xi32, #tpu.memory_space<hbm>>
    %dma_wait3A_115 = arith.constant 0 : i32
    %dma_wait3A_116 = tpu.memref_slice %dma_wait3A_114[%dma_wait3A_115] : memref<320000xi32, #tpu.memory_space<hbm>> -> memref<128xi32, #tpu.memory_space<hbm>>
    tpu.wait_dma2 semaphore(%arg16 : memref<!tpu.dma_semaphore, #tpu.memory_space<semaphore_mem>>) src(%dma_wait3A_116 : memref<128xi32, #tpu.memory_space<hbm>>) dst(%arg7 : memref<128xi32, #tpu.memory_space<vmem>>)
    %dma_start3A_117 = arith.constant 0 : i32
    %dma_start3A_118 = arith.constant 0 : i32
    %dma_start3A_119 = tpu.memref_slice %arg2[%dma_start3A_117, %dma_start3A_118] : memref<10000x128xf32, #tpu.memory_space<hbm>> -> memref<10000x128xf32, #tpu.memory_space<hbm>>
    tpu.enqueue_indirect_dma source(%dma_start3A_119 : memref<10000x128xf32, #tpu.memory_space<hbm>>) target(%arg11 : memref<128x128xf32, #tpu.memory_space<vmem>>) offsets(%arg7 : memref<128xi32, #tpu.memory_space<vmem>>) semaphore(%arg14 : memref<!tpu.dma_semaphore, #tpu.memory_space<semaphore_mem>>)
    %dma_wait3A_120 = arith.constant 0 : i32
    %dma_wait3A_121 = arith.constant 0 : i32
    %dma_wait3A_122 = tpu.memref_slice %arg2[%dma_wait3A_120, %dma_wait3A_121] : memref<10000x128xf32, #tpu.memory_space<hbm>> -> memref<10000x128xf32, #tpu.memory_space<hbm>>
    tpu.wait_indirect_dma semaphore(%arg13 : memref<!tpu.dma_semaphore, #tpu.memory_space<semaphore_mem>>) src(%dma_wait3A_122 : memref<10000x128xf32, #tpu.memory_space<hbm>>) dst(%arg10 : memref<128x128xf32, #tpu.memory_space<vmem>>)
    %dma_wait3A_123 = arith.constant 1 : i32
    %dma_wait3A_124 = arith.constant 0 : i32
    %dma_wait3A_125 = tpu.memref_slice %arg3[%dma_wait3A_123, %dma_wait3A_124] : memref<2x320000xi32, #tpu.memory_space<hbm>> -> memref<1x320000xi32, #tpu.memory_space<hbm>>
    %dma_wait3A_126 = tpu.memref_squeeze %dma_wait3A_125 : memref<1x320000xi32, #tpu.memory_space<hbm>> -> memref<320000xi32, #tpu.memory_space<hbm>>
    %dma_wait3A_127 = arith.constant 0 : i32
    %dma_wait3A_128 = tpu.memref_slice %dma_wait3A_126[%dma_wait3A_127] : memref<320000xi32, #tpu.memory_space<hbm>> -> memref<128xi32, #tpu.memory_space<hbm>>
    %dma_wait3A_129 = arith.constant 0 : i32
    %dma_wait3A_130 = tpu.memref_slice %arg3[%dma_wait3A_123, %dma_wait3A_129] : memref<2x320000xi32, #tpu.memory_space<hbm>> -> memref<1x320000xi32, #tpu.memory_space<hbm>>
    %dma_wait3A_131 = tpu.memref_squeeze %dma_wait3A_130 : memref<1x320000xi32, #tpu.memory_space<hbm>> -> memref<320000xi32, #tpu.memory_space<hbm>>
    %dma_wait3A_132 = arith.constant 0 : i32
    %dma_wait3A_133 = tpu.memref_slice %dma_wait3A_131[%dma_wait3A_132] : memref<320000xi32, #tpu.memory_space<hbm>> -> memref<128xi32, #tpu.memory_space<hbm>>
    tpu.wait_dma2 semaphore(%arg17 : memref<!tpu.dma_semaphore, #tpu.memory_space<semaphore_mem>>) src(%dma_wait3A_133 : memref<128xi32, #tpu.memory_space<hbm>>) dst(%arg8 : memref<128xi32, #tpu.memory_space<vmem>>)
    "tpu.region"() ({
      %run_scoped3A = tpu.sem_alloc : memref<!tpu.dma_semaphore, #tpu.memory_space<semaphore_mem>>
      %dma_start3A_155 = arith.constant 0 : i32
      %dma_start3A_156 = arith.constant 0 : i32
      %dma_start3A_157 = tpu.memref_slice %arg12[%dma_start3A_155, %dma_start3A_156] : memref<10112x128xf32, #tpu.memory_space<vmem_shared>> -> memref<10112x128xf32, #tpu.memory_space<vmem_shared>>
      tpu.enqueue_indirect_dma source(%arg10 : memref<128x128xf32, #tpu.memory_space<vmem>>) target(%dma_start3A_157 : memref<10112x128xf32, #tpu.memory_space<vmem_shared>>) offsets(%arg8 : memref<128xi32, #tpu.memory_space<vmem>>) semaphore(%run_scoped3A : memref<!tpu.dma_semaphore, #tpu.memory_space<semaphore_mem>>) {add = true}
      %dma_wait3A_158 = arith.constant 0 : i32
      %dma_wait3A_159 = arith.constant 0 : i32
      %dma_wait3A_160 = tpu.memref_slice %arg12[%dma_wait3A_158, %dma_wait3A_159] : memref<10112x128xf32, #tpu.memory_space<vmem_shared>> -> memref<10112x128xf32, #tpu.memory_space<vmem_shared>>
      tpu.wait_indirect_dma semaphore(%run_scoped3A : memref<!tpu.dma_semaphore, #tpu.memory_space<semaphore_mem>>) src(%arg10 : memref<128x128xf32, #tpu.memory_space<vmem>>) dst(%dma_wait3A_160 : memref<10112x128xf32, #tpu.memory_space<vmem_shared>>)
      tpu.yield
    }) : () -> ()
    %sub3A_134 = arith.constant 1 : i32
    %sub3A_135 = arith.subi %select_n3A, %sub3A_134 : i32
    %dma_wait3A_136 = arith.constant 0 : i32
    %dma_wait3A_137 = arith.constant 0 : i32
    %dma_wait3A_138 = tpu.memref_slice %arg2[%dma_wait3A_136, %dma_wait3A_137] : memref<10000x128xf32, #tpu.memory_space<hbm>> -> memref<10000x128xf32, #tpu.memory_space<hbm>>
    tpu.wait_indirect_dma semaphore(%arg14 : memref<!tpu.dma_semaphore, #tpu.memory_space<semaphore_mem>>) src(%dma_wait3A_138 : memref<10000x128xf32, #tpu.memory_space<hbm>>) dst(%arg11 : memref<128x128xf32, #tpu.memory_space<vmem>>)
    %dma_wait3A_139 = arith.constant 1 : i32
    %dma_wait3A_140 = arith.constant 0 : i32
    %dma_wait3A_141 = tpu.memref_slice %arg3[%dma_wait3A_139, %dma_wait3A_140] : memref<2x320000xi32, #tpu.memory_space<hbm>> -> memref<1x320000xi32, #tpu.memory_space<hbm>>
    %dma_wait3A_142 = tpu.memref_squeeze %dma_wait3A_141 : memref<1x320000xi32, #tpu.memory_space<hbm>> -> memref<320000xi32, #tpu.memory_space<hbm>>
    %dma_wait3A_143 = arith.constant 0 : i32
    %dma_wait3A_144 = tpu.memref_slice %dma_wait3A_142[%dma_wait3A_143] : memref<320000xi32, #tpu.memory_space<hbm>> -> memref<128xi32, #tpu.memory_space<hbm>>
    %dma_wait3A_145 = arith.constant 0 : i32
    %dma_wait3A_146 = tpu.memref_slice %arg3[%dma_wait3A_139, %dma_wait3A_145] : memref<2x320000xi32, #tpu.memory_space<hbm>> -> memref<1x320000xi32, #tpu.memory_space<hbm>>
    %dma_wait3A_147 = tpu.memref_squeeze %dma_wait3A_146 : memref<1x320000xi32, #tpu.memory_space<hbm>> -> memref<320000xi32, #tpu.memory_space<hbm>>
    %dma_wait3A_148 = arith.constant 0 : i32
    %dma_wait3A_149 = tpu.memref_slice %dma_wait3A_147[%dma_wait3A_148] : memref<320000xi32, #tpu.memory_space<hbm>> -> memref<128xi32, #tpu.memory_space<hbm>>
    tpu.wait_dma2 semaphore(%arg18 : memref<!tpu.dma_semaphore, #tpu.memory_space<semaphore_mem>>) src(%dma_wait3A_149 : memref<128xi32, #tpu.memory_space<hbm>>) dst(%arg9 : memref<128xi32, #tpu.memory_space<vmem>>)
    "tpu.region"() ({
      %run_scoped3A = tpu.sem_alloc : memref<!tpu.dma_semaphore, #tpu.memory_space<semaphore_mem>>
      %dma_start3A_155 = arith.constant 0 : i32
      %dma_start3A_156 = arith.constant 0 : i32
      %dma_start3A_157 = tpu.memref_slice %arg12[%dma_start3A_155, %dma_start3A_156] : memref<10112x128xf32, #tpu.memory_space<vmem_shared>> -> memref<10112x128xf32, #tpu.memory_space<vmem_shared>>
      tpu.enqueue_indirect_dma source(%arg11 : memref<128x128xf32, #tpu.memory_space<vmem>>) target(%dma_start3A_157 : memref<10112x128xf32, #tpu.memory_space<vmem_shared>>) offsets(%arg9 : memref<128xi32, #tpu.memory_space<vmem>>) semaphore(%run_scoped3A : memref<!tpu.dma_semaphore, #tpu.memory_space<semaphore_mem>>) {add = true}
      %dma_wait3A_158 = arith.constant 0 : i32
      %dma_wait3A_159 = arith.constant 0 : i32
      %dma_wait3A_160 = tpu.memref_slice %arg12[%dma_wait3A_158, %dma_wait3A_159] : memref<10112x128xf32, #tpu.memory_space<vmem_shared>> -> memref<10112x128xf32, #tpu.memory_space<vmem_shared>>
      tpu.wait_indirect_dma semaphore(%run_scoped3A : memref<!tpu.dma_semaphore, #tpu.memory_space<semaphore_mem>>) src(%arg11 : memref<128x128xf32, #tpu.memory_space<vmem>>) dst(%dma_wait3A_160 : memref<10112x128xf32, #tpu.memory_space<vmem_shared>>)
      tpu.yield
    }) : () -> ()
    %barrier3A_150 = arith.constant 0 : index
    tpu.barrier barrier_id(%barrier3A_150)
    %mul3A_151 = arith.constant 632 : i32
    %mul3A_152 = arith.muli %arg1, %mul3A_151 : i32
    %mul3A_153 = arith.constant 632 : i32
    %mul3A_154 = arith.muli %arg1, %mul3A_153 : i32
    "tpu.region"() ({
      %run_scoped3A = tpu.sem_alloc : memref<!tpu.dma_semaphore, #tpu.memory_space<semaphore_mem>>
      %dma_start3A_155 = arith.constant 0 : i32
      %dma_start3A_156 = arith.constant 0 : i32
      %dma_start3A_157 = tpu.memref_slice %arg5[%arg0, %dma_start3A_155, %dma_start3A_156] : memref<2x10112x128xf32, #tpu.memory_space<hbm>> -> memref<1x10112x128xf32, #tpu.memory_space<hbm>>
      %dma_start3A_158 = tpu.memref_squeeze %dma_start3A_157 : memref<1x10112x128xf32, #tpu.memory_space<hbm>> -> memref<10112x128xf32, #tpu.memory_space<hbm>>
      %dma_start3A_159 = arith.constant 0 : i32
      %dma_start3A_160 = tpu.memref_slice %dma_start3A_158[%mul3A_154, %dma_start3A_159] : memref<10112x128xf32, #tpu.memory_space<hbm>> -> memref<632x128xf32, #tpu.memory_space<hbm>>
      %dma_start3A_161 = arith.constant 0 : i32
      %dma_start3A_162 = tpu.memref_slice %arg12[%mul3A_152, %dma_start3A_161] : memref<10112x128xf32, #tpu.memory_space<vmem_shared>> -> memref<632x128xf32, #tpu.memory_space<vmem_shared>>
      tpu.enqueue_dma source(%dma_start3A_162 : memref<632x128xf32, #tpu.memory_space<vmem_shared>>) target(%dma_start3A_160 : memref<632x128xf32, #tpu.memory_space<hbm>>) target_semaphore(%run_scoped3A : memref<!tpu.dma_semaphore, #tpu.memory_space<semaphore_mem>>)
      %dma_wait3A_163 = arith.constant 0 : i32
      %dma_wait3A_164 = arith.constant 0 : i32
      %dma_wait3A_165 = tpu.memref_slice %arg5[%arg0, %dma_wait3A_163, %dma_wait3A_164] : memref<2x10112x128xf32, #tpu.memory_space<hbm>> -> memref<1x10112x128xf32, #tpu.memory_space<hbm>>
      %dma_wait3A_166 = tpu.memref_squeeze %dma_wait3A_165 : memref<1x10112x128xf32, #tpu.memory_space<hbm>> -> memref<10112x128xf32, #tpu.memory_space<hbm>>
      %dma_wait3A_167 = arith.constant 0 : i32
      %dma_wait3A_168 = tpu.memref_slice %dma_wait3A_166[%mul3A_154, %dma_wait3A_167] : memref<10112x128xf32, #tpu.memory_space<hbm>> -> memref<632x128xf32, #tpu.memory_space<hbm>>
      %dma_wait3A_169 = arith.constant 0 : i32
      %dma_wait3A_170 = tpu.memref_slice %arg12[%mul3A_152, %dma_wait3A_169] : memref<10112x128xf32, #tpu.memory_space<vmem_shared>> -> memref<632x128xf32, #tpu.memory_space<vmem_shared>>
      tpu.wait_dma2 semaphore(%run_scoped3A : memref<!tpu.dma_semaphore, #tpu.memory_space<semaphore_mem>>) src(%dma_wait3A_170 : memref<632x128xf32, #tpu.memory_space<vmem_shared>>) dst(%dma_wait3A_168 : memref<632x128xf32, #tpu.memory_space<hbm>>)
      tpu.yield
    }) : () -> ()
    return
  }
}

#map = affine_map<(d0, d1) -> (0, 0)>
module attributes {stable_mosaic.version = 14 : i64} {
  func.func @k(%arg0: i32, %arg1: i32, %arg2: memref<2x320000xi32, #tpu.memory_space<hbm>>, %arg3: memref<32x10112xf32, #tpu.memory_space<hbm>>, %arg4: memref<10240xi32, #tpu.memory_space<vmem>>, %arg5: memref<10112xf32, #tpu.memory_space<vmem>>) attributes {dimension_semantics = [#tpu.dimension_semantics<core_parallel>, #tpu.dimension_semantics<subcore_parallel>], iteration_bounds = array<i64: 2, 16>, scalar_prefetch = 0 : i64, scratch_operands = 2 : i64, tpu.core_type = #tpu.core_type<sc_vector_subcore>, window_params = [{transform_indices = #map}, {transform_indices = #map}]} {
    %mul3A = arith.constant 16 : i32
    %mul3A_0 = arith.muli %arg0, %mul3A : i32
    %add3A = arith.addi %mul3A_0, %arg1 : i32
    %scan3A = arith.constant 0 : i32
    %scan3A_1 = arith.constant 632 : i32
    %scan3A_2 = arith.addi %scan3A, %scan3A_1 : i32
    %scan3A_3 = arith.constant 1 : i32
    scf.for %scan3A_33 = %scan3A to %scan3A_2 step %scan3A_3  : i32 {
      %mul3A_34 = arith.constant 1 : i32
      %mul3A_35 = arith.muli %scan3A_33, %mul3A_34 : i32
      %add3A_36 = arith.constant 0 : i32
      %add3A_37 = arith.addi %add3A_36, %mul3A_35 : i32
      %broadcast_in_dim3A_38 = arith.constant 0.000000e+00 : f32
      %broadcast_in_dim3A_39 = vector.broadcast %broadcast_in_dim3A_38 : f32 to vector<16xf32>
      %mul3A_40 = arith.constant 16 : i32
      %mul3A_41 = arith.muli %add3A_37, %mul3A_40 : i32
      %swap3A = arith.index_cast %mul3A_41 : i32 to index
      %swap3A_42 = tpu.vector_load %arg5[%swap3A] {strides = array<i32>} : memref<10112xf32, #tpu.memory_space<vmem>>, vector<16xf32>,
      tpu.vector_store %arg5[%swap3A], %broadcast_in_dim3A_39 {strides = array<i32>} : memref<10112xf32, #tpu.memory_space<vmem>>, vector<16xf32>,
    }
    %scan3A_4 = arith.constant 632 : i32
    %mul3A_5 = arith.constant 10240 : i32
    %mul3A_6 = arith.muli %add3A, %mul3A_5 : i32
    %multiple_of3A = tpu.assume_multiple %mul3A_6, 128 : i32
    %eq3A = arith.constant 31 : i32
    %eq3A_7 = arith.cmpi eq, %add3A, %eq3A : i32
    %jit3A = arith.constant 160 : i32
    %jit3A_8 = arith.constant 640 : i32
    %select_n3A = arith.select %eq3A_7, %jit3A, %jit3A_8 : i32
    %convert_element_type3A = arith.extui %eq3A_7 : i1 to i32
    %cond3A = arith.constant 1 : i32
    %cond3A_9 = arith.constant 0 : i32
    %cond3A_10 = arith.cmpi ne, %convert_element_type3A, %cond3A_9 : i32
    scf.if %cond3A_10 {
      "tpu.region"() ({
        %run_scoped3A = tpu.sem_alloc : memref<!tpu.dma_semaphore, #tpu.memory_space<semaphore_mem>>
        %dma_start3A = arith.constant 0 : i32
        %dma_start3A_33 = tpu.memref_slice %arg4[%dma_start3A] : memref<10240xi32, #tpu.memory_space<vmem>> -> memref<2560xi32, #tpu.memory_space<vmem>>
        %dma_start3A_34 = arith.constant 0 : i32
        %dma_start3A_35 = tpu.memref_slice %arg2[%cond3A, %dma_start3A_34] : memref<2x320000xi32, #tpu.memory_space<hbm>> -> memref<1x320000xi32, #tpu.memory_space<hbm>>
        %dma_start3A_36 = tpu.memref_squeeze %dma_start3A_35 : memref<1x320000xi32, #tpu.memory_space<hbm>> -> memref<320000xi32, #tpu.memory_space<hbm>>
        %dma_start3A_37 = tpu.memref_slice %dma_start3A_36[%multiple_of3A] : memref<320000xi32, #tpu.memory_space<hbm>> -> memref<2560xi32, #tpu.memory_space<hbm>>
        %dma_start3A_38 = arith.constant 0 : i32
        %dma_start3A_39 = tpu.memref_slice %arg4[%dma_start3A_38] : memref<10240xi32, #tpu.memory_space<vmem>> -> memref<2560xi32, #tpu.memory_space<vmem>>
        %dma_start3A_40 = arith.constant 0 : i32
        %dma_start3A_41 = tpu.memref_slice %arg2[%cond3A, %dma_start3A_40] : memref<2x320000xi32, #tpu.memory_space<hbm>> -> memref<1x320000xi32, #tpu.memory_space<hbm>>
        %dma_start3A_42 = tpu.memref_squeeze %dma_start3A_41 : memref<1x320000xi32, #tpu.memory_space<hbm>> -> memref<320000xi32, #tpu.memory_space<hbm>>
        %dma_start3A_43 = tpu.memref_slice %dma_start3A_42[%multiple_of3A] : memref<320000xi32, #tpu.memory_space<hbm>> -> memref<2560xi32, #tpu.memory_space<hbm>>
        tpu.enqueue_dma source(%dma_start3A_43 : memref<2560xi32, #tpu.memory_space<hbm>>) target(%dma_start3A_39 : memref<2560xi32, #tpu.memory_space<vmem>>) target_semaphore(%run_scoped3A : memref<!tpu.dma_semaphore, #tpu.memory_space<semaphore_mem>>)
        %dma_wait3A = arith.constant 0 : i32
        %dma_wait3A_44 = tpu.memref_slice %arg4[%dma_wait3A] : memref<10240xi32, #tpu.memory_space<vmem>> -> memref<2560xi32, #tpu.memory_space<vmem>>
        %dma_wait3A_45 = arith.constant 0 : i32
        %dma_wait3A_46 = tpu.memref_slice %arg2[%cond3A, %dma_wait3A_45] : memref<2x320000xi32, #tpu.memory_space<hbm>> -> memref<1x320000xi32, #tpu.memory_space<hbm>>
        %dma_wait3A_47 = tpu.memref_squeeze %dma_wait3A_46 : memref<1x320000xi32, #tpu.memory_space<hbm>> -> memref<320000xi32, #tpu.memory_space<hbm>>
        %dma_wait3A_48 = tpu.memref_slice %dma_wait3A_47[%multiple_of3A] : memref<320000xi32, #tpu.memory_space<hbm>> -> memref<2560xi32, #tpu.memory_space<hbm>>
        %dma_wait3A_49 = arith.constant 0 : i32
        %dma_wait3A_50 = tpu.memref_slice %arg4[%dma_wait3A_49] : memref<10240xi32, #tpu.memory_space<vmem>> -> memref<2560xi32, #tpu.memory_space<vmem>>
        %dma_wait3A_51 = arith.constant 0 : i32
        %dma_wait3A_52 = tpu.memref_slice %arg2[%cond3A, %dma_wait3A_51] : memref<2x320000xi32, #tpu.memory_space<hbm>> -> memref<1x320000xi32, #tpu.memory_space<hbm>>
        %dma_wait3A_53 = tpu.memref_squeeze %dma_wait3A_52 : memref<1x320000xi32, #tpu.memory_space<hbm>> -> memref<320000xi32, #tpu.memory_space<hbm>>
        %dma_wait3A_54 = tpu.memref_slice %dma_wait3A_53[%multiple_of3A] : memref<320000xi32, #tpu.memory_space<hbm>> -> memref<2560xi32, #tpu.memory_space<hbm>>
        tpu.wait_dma2 semaphore(%run_scoped3A : memref<!tpu.dma_semaphore, #tpu.memory_space<semaphore_mem>>) src(%dma_wait3A_54 : memref<2560xi32, #tpu.memory_space<hbm>>) dst(%dma_wait3A_50 : memref<2560xi32, #tpu.memory_space<vmem>>)
        tpu.yield
      }) : () -> ()
    } else {
    }
    %not3A = arith.constant true
    %not3A_11 = arith.xori %eq3A_7, %not3A : i1
    %convert_element_type3A_12 = arith.extui %not3A_11 : i1 to i32
    %cond3A_13 = arith.constant 1 : i32
    %cond3A_14 = arith.constant 0 : i32
    %cond3A_15 = arith.cmpi ne, %convert_element_type3A_12, %cond3A_14 : i32
    scf.if %cond3A_15 {
      "tpu.region"() ({
        %run_scoped3A = tpu.sem_alloc : memref<!tpu.dma_semaphore, #tpu.memory_space<semaphore_mem>>
        %dma_start3A = arith.constant 0 : i32
        %dma_start3A_33 = tpu.memref_slice %arg2[%cond3A_13, %dma_start3A] : memref<2x320000xi32, #tpu.memory_space<hbm>> -> memref<1x320000xi32, #tpu.memory_space<hbm>>
        %dma_start3A_34 = tpu.memref_squeeze %dma_start3A_33 : memref<1x320000xi32, #tpu.memory_space<hbm>> -> memref<320000xi32, #tpu.memory_space<hbm>>
        %dma_start3A_35 = tpu.memref_slice %dma_start3A_34[%multiple_of3A] : memref<320000xi32, #tpu.memory_space<hbm>> -> memref<10240xi32, #tpu.memory_space<hbm>>
        %dma_start3A_36 = arith.constant 0 : i32
        %dma_start3A_37 = tpu.memref_slice %arg2[%cond3A_13, %dma_start3A_36] : memref<2x320000xi32, #tpu.memory_space<hbm>> -> memref<1x320000xi32, #tpu.memory_space<hbm>>
        %dma_start3A_38 = tpu.memref_squeeze %dma_start3A_37 : memref<1x320000xi32, #tpu.memory_space<hbm>> -> memref<320000xi32, #tpu.memory_space<hbm>>
        %dma_start3A_39 = tpu.memref_slice %dma_start3A_38[%multiple_of3A] : memref<320000xi32, #tpu.memory_space<hbm>> -> memref<10240xi32, #tpu.memory_space<hbm>>
        tpu.enqueue_dma source(%dma_start3A_39 : memref<10240xi32, #tpu.memory_space<hbm>>) target(%arg4 : memref<10240xi32, #tpu.memory_space<vmem>>) target_semaphore(%run_scoped3A : memref<!tpu.dma_semaphore, #tpu.memory_space<semaphore_mem>>)
        %dma_wait3A = arith.constant 0 : i32
        %dma_wait3A_40 = tpu.memref_slice %arg2[%cond3A_13, %dma_wait3A] : memref<2x320000xi32, #tpu.memory_space<hbm>> -> memref<1x320000xi32, #tpu.memory_space<hbm>>
        %dma_wait3A_41 = tpu.memref_squeeze %dma_wait3A_40 : memref<1x320000xi32, #tpu.memory_space<hbm>> -> memref<320000xi32, #tpu.memory_space<hbm>>
        %dma_wait3A_42 = tpu.memref_slice %dma_wait3A_41[%multiple_of3A] : memref<320000xi32, #tpu.memory_space<hbm>> -> memref<10240xi32, #tpu.memory_space<hbm>>
        %dma_wait3A_43 = arith.constant 0 : i32
        %dma_wait3A_44 = tpu.memref_slice %arg2[%cond3A_13, %dma_wait3A_43] : memref<2x320000xi32, #tpu.memory_space<hbm>> -> memref<1x320000xi32, #tpu.memory_space<hbm>>
        %dma_wait3A_45 = tpu.memref_squeeze %dma_wait3A_44 : memref<1x320000xi32, #tpu.memory_space<hbm>> -> memref<320000xi32, #tpu.memory_space<hbm>>
        %dma_wait3A_46 = tpu.memref_slice %dma_wait3A_45[%multiple_of3A] : memref<320000xi32, #tpu.memory_space<hbm>> -> memref<10240xi32, #tpu.memory_space<hbm>>
        tpu.wait_dma2 semaphore(%run_scoped3A : memref<!tpu.dma_semaphore, #tpu.memory_space<semaphore_mem>>) src(%dma_wait3A_46 : memref<10240xi32, #tpu.memory_space<hbm>>) dst(%arg4 : memref<10240xi32, #tpu.memory_space<vmem>>)
        tpu.yield
      }) : () -> ()
    } else {
    }
    %broadcast_in_dim3A = arith.constant 1.000000e+00 : f32
    %broadcast_in_dim3A_16 = vector.broadcast %broadcast_in_dim3A : f32 to vector<16xf32>
    %sub3A = arith.constant 0 : i32
    %sub3A_17 = arith.subi %select_n3A, %sub3A : i32
    %sub3A_18 = arith.constant 1 : i32
    %sub3A_19 = arith.constant 1 : i32
    %sub3A_20 = arith.subi %sub3A_18, %sub3A_19 : i32
    %add3A_21 = arith.addi %sub3A_17, %sub3A_20 : i32
    %div3A = arith.constant 1 : i32
    %div3A_22 = arith.divsi %add3A_21, %div3A : i32
    %while3A = arith.constant 1 : i32
    %while3A_23 = arith.constant 0 : i32
    %while3A_24 = arith.constant 0 : i32
    %while3A_25 = arith.subi %div3A_22, %while3A_24 : i32
    %while3A_26 = arith.addi %while3A_24, %while3A_25 : i32
    %while3A_27 = arith.constant 1 : i32
    %while3A_28 = arith.divsi %while3A_25, %while3A_27 : i32
    %while3A_29 = arith.muli %while3A_28, %while3A_27 : i32
    %while3A_30 = arith.addi %while3A_24, %while3A_29 : i32
    %while3A_31 = arith.constant 1 : i32
    scf.for %while3A_33 = %while3A_24 to %while3A_30 step %while3A_31  : i32 {
      %mul3A_34 = arith.muli %while3A_33, %while3A : i32
      %add3A_35 = arith.addi %while3A_23, %mul3A_34 : i32
      %mul3A_36 = arith.constant 16 : i32
      %mul3A_37 = arith.muli %add3A_35, %mul3A_36 : i32
      %get3A = arith.index_cast %mul3A_37 : i32 to index
      %get3A_38 = tpu.vector_load %arg4[%get3A] {strides = array<i32>} : memref<10240xi32, #tpu.memory_space<vmem>>, vector<16xi32>,
      tpu.vector_store_idx %arg5[%get3A_38], %broadcast_in_dim3A_16 {add = true} : memref<10112xf32, #tpu.memory_space<vmem>>[vector<16xi32>], vector<16xf32>,
    }
    %while3A_32 = arith.constant 1 : i32
    scf.for %while3A_33 = %while3A_30 to %while3A_26 step %while3A_32  : i32 {
      %mul3A_34 = arith.muli %while3A_33, %while3A : i32
      %add3A_35 = arith.addi %while3A_23, %mul3A_34 : i32
      %mul3A_36 = arith.constant 16 : i32
      %mul3A_37 = arith.muli %add3A_35, %mul3A_36 : i32
      %get3A = arith.index_cast %mul3A_37 : i32 to index
      %get3A_38 = tpu.vector_load %arg4[%get3A] {strides = array<i32>} : memref<10240xi32, #tpu.memory_space<vmem>>, vector<16xi32>,
      tpu.vector_store_idx %arg5[%get3A_38], %broadcast_in_dim3A_16 {add = true} : memref<10112xf32, #tpu.memory_space<vmem>>[vector<16xi32>], vector<16xf32>,
    }
    "tpu.region"() ({
      %run_scoped3A = tpu.sem_alloc : memref<!tpu.dma_semaphore, #tpu.memory_space<semaphore_mem>>
      %dma_start3A = arith.constant 0 : i32
      %dma_start3A_33 = tpu.memref_slice %arg3[%add3A, %dma_start3A] : memref<32x10112xf32, #tpu.memory_space<hbm>> -> memref<1x10112xf32, #tpu.memory_space<hbm>>
      %dma_start3A_34 = tpu.memref_squeeze %dma_start3A_33 : memref<1x10112xf32, #tpu.memory_space<hbm>> -> memref<10112xf32, #tpu.memory_space<hbm>>
      %dma_start3A_35 = arith.constant 0 : i32
      %dma_start3A_36 = tpu.memref_slice %arg3[%add3A, %dma_start3A_35] : memref<32x10112xf32, #tpu.memory_space<hbm>> -> memref<1x10112xf32, #tpu.memory_space<hbm>>
      %dma_start3A_37 = tpu.memref_squeeze %dma_start3A_36 : memref<1x10112xf32, #tpu.memory_space<hbm>> -> memref<10112xf32, #tpu.memory_space<hbm>>
      tpu.enqueue_dma source(%arg5 : memref<10112xf32, #tpu.memory_space<vmem>>) target(%dma_start3A_37 : memref<10112xf32, #tpu.memory_space<hbm>>) target_semaphore(%run_scoped3A : memref<!tpu.dma_semaphore, #tpu.memory_space<semaphore_mem>>)
      %dma_wait3A = arith.constant 0 : i32
      %dma_wait3A_38 = tpu.memref_slice %arg3[%add3A, %dma_wait3A] : memref<32x10112xf32, #tpu.memory_space<hbm>> -> memref<1x10112xf32, #tpu.memory_space<hbm>>
      %dma_wait3A_39 = tpu.memref_squeeze %dma_wait3A_38 : memref<1x10112xf32, #tpu.memory_space<hbm>> -> memref<10112xf32, #tpu.memory_space<hbm>>
      %dma_wait3A_40 = arith.constant 0 : i32
      %dma_wait3A_41 = tpu.memref_slice %arg3[%add3A, %dma_wait3A_40] : memref<32x10112xf32, #tpu.memory_space<hbm>> -> memref<1x10112xf32, #tpu.memory_space<hbm>>
      %dma_wait3A_42 = tpu.memref_squeeze %dma_wait3A_41 : memref<1x10112xf32, #tpu.memory_space<hbm>> -> memref<10112xf32, #tpu.memory_space<hbm>>
      tpu.wait_dma2 semaphore(%run_scoped3A : memref<!tpu.dma_semaphore, #tpu.memory_space<semaphore_mem>>) src(%arg5 : memref<10112xf32, #tpu.memory_space<vmem>>) dst(%dma_wait3A_42 : memref<10112xf32, #tpu.memory_space<hbm>>)
      tpu.yield
    }) : () -> ()
    return
  }
}

#map = affine_map<(d0, d1) -> (0, 0)>
#map1 = affine_map<(d0, d1) -> (0, 0, 0)>
module attributes {stable_mosaic.version = 14 : i64} {
  func.func @k(%arg0: i32, %arg1: i32, %arg2: memref<10000x128xf32, #tpu.memory_space<hbm>>, %arg3: memref<2x320000xi32, #tpu.memory_space<hbm>>, %arg4: memref<10112x128xf32, #tpu.memory_space<hbm>>, %arg5: memref<2x10112x128xf32, #tpu.memory_space<hbm>>, %arg6: memref<128xi32, #tpu.memory_space<vmem>>, %arg7: memref<128xi32, #tpu.memory_space<vmem>>, %arg8: memref<128xi32, #tpu.memory_space<vmem>>, %arg9: memref<128xi32, #tpu.memory_space<vmem>>, %arg10: memref<128x128xf32, #tpu.memory_space<vmem>>, %arg11: memref<128x128xf32, #tpu.memory_space<vmem>>, %arg12: memref<10112x128xf32, #tpu.memory_space<vmem_shared>>, %arg13: memref<!tpu.dma_semaphore, #tpu.memory_space<semaphore_mem>>, %arg14: memref<!tpu.dma_semaphore, #tpu.memory_space<semaphore_mem>>, %arg15: memref<!tpu.dma_semaphore, #tpu.memory_space<semaphore_mem>>, %arg16: memref<!tpu.dma_semaphore, #tpu.memory_space<semaphore_mem>>, %arg17: memref<!tpu.dma_semaphore, #tpu.memory_space<semaphore_mem>>, %arg18: memref<!tpu.dma_semaphore, #tpu.memory_space<semaphore_mem>>) attributes {dimension_semantics = [#tpu.dimension_semantics<core_parallel>, #tpu.dimension_semantics<subcore_parallel>], iteration_bounds = array<i64: 2, 16>, scalar_prefetch = 0 : i64, scratch_operands = 13 : i64, tpu.core_type = #tpu.core_type<sc_vector_subcore>, window_params = [{transform_indices = #map}, {transform_indices = #map}, {transform_indices = #map}, {transform_indices = #map1}]} {
    %mul3A = arith.constant 16 : i32
    %mul3A_0 = arith.muli %arg0, %mul3A : i32
    %add3A = arith.addi %mul3A_0, %arg1 : i32
    %mul3A_1 = arith.constant 632 : i32
    %mul3A_2 = arith.muli %arg1, %mul3A_1 : i32
    %mul3A_3 = arith.constant 632 : i32
    %mul3A_4 = arith.muli %arg1, %mul3A_3 : i32
    "tpu.region"() ({
      %run_scoped3A = tpu.sem_alloc : memref<!tpu.dma_semaphore, #tpu.memory_space<semaphore_mem>>
      %dma_start3A_155 = arith.constant 0 : i32
      %dma_start3A_156 = tpu.memref_slice %arg12[%mul3A_4, %dma_start3A_155] : memref<10112x128xf32, #tpu.memory_space<vmem_shared>> -> memref<632x128xf32, #tpu.memory_space<vmem_shared>>
      %dma_start3A_157 = arith.constant 0 : i32
      %dma_start3A_158 = tpu.memref_slice %arg4[%mul3A_2, %dma_start3A_157] : memref<10112x128xf32, #tpu.memory_space<hbm>> -> memref<632x128xf32, #tpu.memory_space<hbm>>
      tpu.enqueue_dma source(%dma_start3A_158 : memref<632x128xf32, #tpu.memory_space<hbm>>) target(%dma_start3A_156 : memref<632x128xf32, #tpu.memory_space<vmem_shared>>) target_semaphore(%run_scoped3A : memref<!tpu.dma_semaphore, #tpu.memory_space<semaphore_mem>>)
      %dma_wait3A_159 = arith.constant 0 : i32
      %dma_wait3A_160 = tpu.memref_slice %arg12[%mul3A_4, %dma_wait3A_159] : memref<10112x128xf32, #tpu.memory_space<vmem_shared>> -> memref<632x128xf32, #tpu.memory_space<vmem_shared>>
      %dma_wait3A_161 = arith.constant 0 : i32
      %dma_wait3A_162 = tpu.memref_slice %arg4[%mul3A_2, %dma_wait3A_161] : memref<10112x128xf32, #tpu.memory_space<hbm>> -> memref<632x128xf32, #tpu.memory_space<hbm>>
      tpu.wait_dma2 semaphore(%run_scoped3A : memref<!tpu.dma_semaphore, #tpu.memory_space<semaphore_mem>>) src(%dma_wait3A_162 : memref<632x128xf32, #tpu.memory_space<hbm>>) dst(%dma_wait3A_160 : memref<632x128xf32, #tpu.memory_space<vmem_shared>>)
      tpu.yield
    }) : () -> ()
    %barrier3A = arith.constant 0 : index
    tpu.barrier barrier_id(%barrier3A)
    %mul3A_5 = arith.constant 80 : i32
    %mul3A_6 = arith.muli %add3A, %mul3A_5 : i32
    %mul3A_7 = arith.constant 128 : i32
    %mul3A_8 = arith.muli %mul3A_6, %mul3A_7 : i32
    %eq3A = arith.constant 31 : i32
    %eq3A_9 = arith.cmpi eq, %add3A, %eq3A : i32
    %jit3A = arith.constant 20 : i32
    %jit3A_10 = arith.constant 80 : i32
    %select_n3A = arith.select %eq3A_9, %jit3A, %jit3A_10 : i32
    %add3A_11 = arith.constant 0 : i32
    %add3A_12 = arith.addi %mul3A_8, %add3A_11 : i32
    %multiple_of3A = tpu.assume_multiple %add3A_12, 128 : i32
    %dma_start3A = arith.constant 0 : i32
    %dma_start3A_13 = arith.constant 0 : i32
    %dma_start3A_14 = tpu.memref_slice %arg3[%dma_start3A, %dma_start3A_13] : memref<2x320000xi32, #tpu.memory_space<hbm>> -> memref<1x320000xi32, #tpu.memory_space<hbm>>
    %dma_start3A_15 = tpu.memref_squeeze %dma_start3A_14 : memref<1x320000xi32, #tpu.memory_space<hbm>> -> memref<320000xi32, #tpu.memory_space<hbm>>
    %dma_start3A_16 = tpu.memref_slice %dma_start3A_15[%multiple_of3A] : memref<320000xi32, #tpu.memory_space<hbm>> -> memref<128xi32, #tpu.memory_space<hbm>>
    %dma_start3A_17 = arith.constant 0 : i32
    %dma_start3A_18 = tpu.memref_slice %arg3[%dma_start3A, %dma_start3A_17] : memref<2x320000xi32, #tpu.memory_space<hbm>> -> memref<1x320000xi32, #tpu.memory_space<hbm>>
    %dma_start3A_19 = tpu.memref_squeeze %dma_start3A_18 : memref<1x320000xi32, #tpu.memory_space<hbm>> -> memref<320000xi32, #tpu.memory_space<hbm>>
    %dma_start3A_20 = tpu.memref_slice %dma_start3A_19[%multiple_of3A] : memref<320000xi32, #tpu.memory_space<hbm>> -> memref<128xi32, #tpu.memory_space<hbm>>
    tpu.enqueue_dma source(%dma_start3A_20 : memref<128xi32, #tpu.memory_space<hbm>>) target(%arg6 : memref<128xi32, #tpu.memory_space<vmem>>) target_semaphore(%arg15 : memref<!tpu.dma_semaphore, #tpu.memory_space<semaphore_mem>>)
    %dma_start3A_21 = arith.constant 1 : i32
    %dma_start3A_22 = arith.constant 0 : i32
    %dma_start3A_23 = tpu.memref_slice %arg3[%dma_start3A_21, %dma_start3A_22] : memref<2x320000xi32, #tpu.memory_space<hbm>> -> memref<1x320000xi32, #tpu.memory_space<hbm>>
    %dma_start3A_24 = tpu.memref_squeeze %dma_start3A_23 : memref<1x320000xi32, #tpu.memory_space<hbm>> -> memref<320000xi32, #tpu.memory_space<hbm>>
    %dma_start3A_25 = tpu.memref_slice %dma_start3A_24[%multiple_of3A] : memref<320000xi32, #tpu.memory_space<hbm>> -> memref<128xi32, #tpu.memory_space<hbm>>
    %dma_start3A_26 = arith.constant 0 : i32
    %dma_start3A_27 = tpu.memref_slice %arg3[%dma_start3A_21, %dma_start3A_26] : memref<2x320000xi32, #tpu.memory_space<hbm>> -> memref<1x320000xi32, #tpu.memory_space<hbm>>
    %dma_start3A_28 = tpu.memref_squeeze %dma_start3A_27 : memref<1x320000xi32, #tpu.memory_space<hbm>> -> memref<320000xi32, #tpu.memory_space<hbm>>
    %dma_start3A_29 = tpu.memref_slice %dma_start3A_28[%multiple_of3A] : memref<320000xi32, #tpu.memory_space<hbm>> -> memref<128xi32, #tpu.memory_space<hbm>>
    tpu.enqueue_dma source(%dma_start3A_29 : memref<128xi32, #tpu.memory_space<hbm>>) target(%arg8 : memref<128xi32, #tpu.memory_space<vmem>>) target_semaphore(%arg17 : memref<!tpu.dma_semaphore, #tpu.memory_space<semaphore_mem>>)
    %add3A_30 = arith.constant 128 : i32
    %add3A_31 = arith.addi %mul3A_8, %add3A_30 : i32
    %multiple_of3A_32 = tpu.assume_multiple %add3A_31, 128 : i32
    %dma_start3A_33 = arith.constant 0 : i32
    %dma_start3A_34 = arith.constant 0 : i32
    %dma_start3A_35 = tpu.memref_slice %arg3[%dma_start3A_33, %dma_start3A_34] : memref<2x320000xi32, #tpu.memory_space<hbm>> -> memref<1x320000xi32, #tpu.memory_space<hbm>>
    %dma_start3A_36 = tpu.memref_squeeze %dma_start3A_35 : memref<1x320000xi32, #tpu.memory_space<hbm>> -> memref<320000xi32, #tpu.memory_space<hbm>>
    %dma_start3A_37 = tpu.memref_slice %dma_start3A_36[%multiple_of3A_32] : memref<320000xi32, #tpu.memory_space<hbm>> -> memref<128xi32, #tpu.memory_space<hbm>>
    %dma_start3A_38 = arith.constant 0 : i32
    %dma_start3A_39 = tpu.memref_slice %arg3[%dma_start3A_33, %dma_start3A_38] : memref<2x320000xi32, #tpu.memory_space<hbm>> -> memref<1x320000xi32, #tpu.memory_space<hbm>>
    %dma_start3A_40 = tpu.memref_squeeze %dma_start3A_39 : memref<1x320000xi32, #tpu.memory_space<hbm>> -> memref<320000xi32, #tpu.memory_space<hbm>>
    %dma_start3A_41 = tpu.memref_slice %dma_start3A_40[%multiple_of3A_32] : memref<320000xi32, #tpu.memory_space<hbm>> -> memref<128xi32, #tpu.memory_space<hbm>>
    tpu.enqueue_dma source(%dma_start3A_41 : memref<128xi32, #tpu.memory_space<hbm>>) target(%arg7 : memref<128xi32, #tpu.memory_space<vmem>>) target_semaphore(%arg16 : memref<!tpu.dma_semaphore, #tpu.memory_space<semaphore_mem>>)
    %dma_start3A_42 = arith.constant 1 : i32
    %dma_start3A_43 = arith.constant 0 : i32
    %dma_start3A_44 = tpu.memref_slice %arg3[%dma_start3A_42, %dma_start3A_43] : memref<2x320000xi32, #tpu.memory_space<hbm>> -> memref<1x320000xi32, #tpu.memory_space<hbm>>
    %dma_start3A_45 = tpu.memref_squeeze %dma_start3A_44 : memref<1x320000xi32, #tpu.memory_space<hbm>> -> memref<320000xi32, #tpu.memory_space<hbm>>
    %dma_start3A_46 = tpu.memref_slice %dma_start3A_45[%multiple_of3A_32] : memref<320000xi32, #tpu.memory_space<hbm>> -> memref<128xi32, #tpu.memory_space<hbm>>
    %dma_start3A_47 = arith.constant 0 : i32
    %dma_start3A_48 = tpu.memref_slice %arg3[%dma_start3A_42, %dma_start3A_47] : memref<2x320000xi32, #tpu.memory_space<hbm>> -> memref<1x320000xi32, #tpu.memory_space<hbm>>
    %dma_start3A_49 = tpu.memref_squeeze %dma_start3A_48 : memref<1x320000xi32, #tpu.memory_space<hbm>> -> memref<320000xi32, #tpu.memory_space<hbm>>
    %dma_start3A_50 = tpu.memref_slice %dma_start3A_49[%multiple_of3A_32] : memref<320000xi32, #tpu.memory_space<hbm>> -> memref<128xi32, #tpu.memory_space<hbm>>
    tpu.enqueue_dma source(%dma_start3A_50 : memref<128xi32, #tpu.memory_space<hbm>>) target(%arg9 : memref<128xi32, #tpu.memory_space<vmem>>) target_semaphore(%arg18 : memref<!tpu.dma_semaphore, #tpu.memory_space<semaphore_mem>>)
    %dma_wait3A = arith.constant 0 : i32
    %dma_wait3A_51 = arith.constant 0 : i32
    %dma_wait3A_52 = tpu.memref_slice %arg3[%dma_wait3A, %dma_wait3A_51] : memref<2x320000xi32, #tpu.memory_space<hbm>> -> memref<1x320000xi32, #tpu.memory_space<hbm>>
    %dma_wait3A_53 = tpu.memref_squeeze %dma_wait3A_52 : memref<1x320000xi32, #tpu.memory_space<hbm>> -> memref<320000xi32, #tpu.memory_space<hbm>>
    %dma_wait3A_54 = arith.constant 0 : i32
    %dma_wait3A_55 = tpu.memref_slice %dma_wait3A_53[%dma_wait3A_54] : memref<320000xi32, #tpu.memory_space<hbm>> -> memref<128xi32, #tpu.memory_space<hbm>>
    %dma_wait3A_56 = arith.constant 0 : i32
    %dma_wait3A_57 = tpu.memref_slice %arg3[%dma_wait3A, %dma_wait3A_56] : memref<2x320000xi32, #tpu.memory_space<hbm>> -> memref<1x320000xi32, #tpu.memory_space<hbm>>
    %dma_wait3A_58 = tpu.memref_squeeze %dma_wait3A_57 : memref<1x320000xi32, #tpu.memory_space<hbm>> -> memref<320000xi32, #tpu.memory_space<hbm>>
    %dma_wait3A_59 = arith.constant 0 : i32
    %dma_wait3A_60 = tpu.memref_slice %dma_wait3A_58[%dma_wait3A_59] : memref<320000xi32, #tpu.memory_space<hbm>> -> memref<128xi32, #tpu.memory_space<hbm>>
    tpu.wait_dma2 semaphore(%arg15 : memref<!tpu.dma_semaphore, #tpu.memory_space<semaphore_mem>>) src(%dma_wait3A_60 : memref<128xi32, #tpu.memory_space<hbm>>) dst(%arg6 : memref<128xi32, #tpu.memory_space<vmem>>)
    %dma_start3A_61 = arith.constant 0 : i32
    %dma_start3A_62 = arith.constant 0 : i32
    %dma_start3A_63 = tpu.memref_slice %arg2[%dma_start3A_61, %dma_start3A_62] : memref<10000x128xf32, #tpu.memory_space<hbm>> -> memref<10000x128xf32, #tpu.memory_space<hbm>>
    tpu.enqueue_indirect_dma source(%dma_start3A_63 : memref<10000x128xf32, #tpu.memory_space<hbm>>) target(%arg10 : memref<128x128xf32, #tpu.memory_space<vmem>>) offsets(%arg6 : memref<128xi32, #tpu.memory_space<vmem>>) semaphore(%arg13 : memref<!tpu.dma_semaphore, #tpu.memory_space<semaphore_mem>>)
    %sub3A = arith.constant 2 : i32
    %sub3A_64 = arith.subi %select_n3A, %sub3A : i32
    %jit3A_65 = arith.constant 2 : i32
    %div3A = arith.divsi %sub3A_64, %jit3A_65 : i32
    %sign3A = arith.constant 0 : i32
    %sign3A_66 = arith.cmpi sgt, %sub3A_64, %sign3A : i32
    %sign3A_67 = arith.extui %sign3A_66 : i1 to i32
    %sign3A_68 = arith.constant 0 : i32
    %sign3A_69 = arith.cmpi slt, %sub3A_64, %sign3A_68 : i32
    %sign3A_70 = arith.extui %sign3A_69 : i1 to i32
    %sign3A_71 = arith.subi %sign3A_67, %sign3A_70 : i32
    %sign3A_72 = arith.constant 0 : i32
    %sign3A_73 = arith.cmpi sgt, %jit3A_65, %sign3A_72 : i32
    %sign3A_74 = arith.extui %sign3A_73 : i1 to i32
    %sign3A_75 = arith.constant 0 : i32
    %sign3A_76 = arith.cmpi slt, %jit3A_65, %sign3A_75 : i32
    %sign3A_77 = arith.extui %sign3A_76 : i1 to i32
    %sign3A_78 = arith.subi %sign3A_74, %sign3A_77 : i32
    %ne3A = arith.cmpi ne, %sign3A_71, %sign3A_78 : i32
    %rem3A = arith.remsi %sub3A_64, %jit3A_65 : i32
    %ne3A_79 = arith.constant 0 : i32
    %ne3A_80 = arith.cmpi ne, %rem3A, %ne3A_79 : i32
    %and3A = arith.andi %ne3A, %ne3A_80 : i1
    %sub3A_81 = arith.constant 1 : i32
    %sub3A_82 = arith.subi %div3A, %sub3A_81 : i32
    %select_n3A_83 = arith.select %and3A, %sub3A_82, %div3A : i32
    %sub3A_84 = arith.constant 0 : i32
    %sub3A_85 = arith.subi %select_n3A_83, %sub3A_84 : i32
    %sub3A_86 = arith.constant 1 : i32
    %sub3A_87 = arith.constant 1 : i32
    %sub3A_88 = arith.subi %sub3A_86, %sub3A_87 : i32
    %add3A_89 = arith.addi %sub3A_85, %sub3A_88 : i32
    %div3A_90 = arith.constant 1 : i32
    %div3A_91 = arith.divsi %add3A_89, %div3A_90 : i32
    %while3A = arith.constant 1 : i32
    %while3A_92 = arith.constant 0 : i32
    %while3A_93 = arith.constant 0 : i32
    %while3A_94 = arith.constant 1 : i32
    %while3A_95 = arith.constant 0 : i32
    %while3A_96 = arith.subi %div3A_91, %while3A_95 : i32
    %while3A_97 = arith.addi %while3A_95, %while3A_96 : i32
    %while3A_98 = arith.constant 1 : i32
    %while3A_99 = arith.divsi %while3A_96, %while3A_98 : i32
    %while3A_100 = arith.muli %while3A_99, %while3A_98 : i32
    %while3A_101 = arith.addi %while3A_95, %while3A_100 : i32
    %while3A_102 = arith.constant 1 : i32
    scf.for %while3A_155 = %while3A_95 to %while3A_101 step %while3A_102  : i32 {
      %mul3A_156 = arith.muli %while3A_155, %while3A : i32
      %add3A_157 = arith.addi %while3A_92, %mul3A_156 : i32
      %mul3A_158 = arith.constant 2 : i32
      %mul3A_159 = arith.muli %mul3A_158, %add3A_157 : i32
      %dma_wait3A_160 = arith.constant 0 : i32
      %dma_wait3A_161 = tpu.memref_slice %arg3[%while3A_93, %dma_wait3A_160] : memref<2x320000xi32, #tpu.memory_space<hbm>> -> memref<1x320000xi32, #tpu.memory_space<hbm>>
      %dma_wait3A_162 = tpu.memref_squeeze %dma_wait3A_161 : memref<1x320000xi32, #tpu.memory_space<hbm>> -> memref<320000xi32, #tpu.memory_space<hbm>>
      %dma_wait3A_163 = arith.constant 0 : i32
      %dma_wait3A_164 = tpu.memref_slice %dma_wait3A_162[%dma_wait3A_163] : memref<320000xi32, #tpu.memory_space<hbm>> -> memref<128xi32, #tpu.memory_space<hbm>>
      %dma_wait3A_165 = arith.constant 0 : i32
      %dma_wait3A_166 = tpu.memref_slice %arg3[%while3A_93, %dma_wait3A_165] : memref<2x320000xi32, #tpu.memory_space<hbm>> -> memref<1x320000xi32, #tpu.memory_space<hbm>>
      %dma_wait3A_167 = tpu.memref_squeeze %dma_wait3A_166 : memref<1x320000xi32, #tpu.memory_space<hbm>> -> memref<320000xi32, #tpu.memory_space<hbm>>
      %dma_wait3A_168 = arith.constant 0 : i32
      %dma_wait3A_169 = tpu.memref_slice %dma_wait3A_167[%dma_wait3A_168] : memref<320000xi32, #tpu.memory_space<hbm>> -> memref<128xi32, #tpu.memory_space<hbm>>
      tpu.wait_dma2 semaphore(%arg16 : memref<!tpu.dma_semaphore, #tpu.memory_space<semaphore_mem>>) src(%dma_wait3A_169 : memref<128xi32, #tpu.memory_space<hbm>>) dst(%arg7 : memref<128xi32, #tpu.memory_space<vmem>>)
      %dma_start3A_170 = arith.constant 0 : i32
      %dma_start3A_171 = arith.constant 0 : i32
      %dma_start3A_172 = tpu.memref_slice %arg2[%dma_start3A_170, %dma_start3A_171] : memref<10000x128xf32, #tpu.memory_space<hbm>> -> memref<10000x128xf32, #tpu.memory_space<hbm>>
      tpu.enqueue_indirect_dma source(%dma_start3A_172 : memref<10000x128xf32, #tpu.memory_space<hbm>>) target(%arg11 : memref<128x128xf32, #tpu.memory_space<vmem>>) offsets(%arg7 : memref<128xi32, #tpu.memory_space<vmem>>) semaphore(%arg14 : memref<!tpu.dma_semaphore, #tpu.memory_space<semaphore_mem>>)
      %dma_wait3A_173 = arith.constant 0 : i32
      %dma_wait3A_174 = arith.constant 0 : i32
      %dma_wait3A_175 = tpu.memref_slice %arg2[%dma_wait3A_173, %dma_wait3A_174] : memref<10000x128xf32, #tpu.memory_space<hbm>> -> memref<10000x128xf32, #tpu.memory_space<hbm>>
      tpu.wait_indirect_dma semaphore(%arg13 : memref<!tpu.dma_semaphore, #tpu.memory_space<semaphore_mem>>) src(%dma_wait3A_175 : memref<10000x128xf32, #tpu.memory_space<hbm>>) dst(%arg10 : memref<128x128xf32, #tpu.memory_space<vmem>>)
      %dma_wait3A_176 = arith.constant 0 : i32
      %dma_wait3A_177 = tpu.memref_slice %arg3[%while3A_94, %dma_wait3A_176] : memref<2x320000xi32, #tpu.memory_space<hbm>> -> memref<1x320000xi32, #tpu.memory_space<hbm>>
      %dma_wait3A_178 = tpu.memref_squeeze %dma_wait3A_177 : memref<1x320000xi32, #tpu.memory_space<hbm>> -> memref<320000xi32, #tpu.memory_space<hbm>>
      %dma_wait3A_179 = arith.constant 0 : i32
      %dma_wait3A_180 = tpu.memref_slice %dma_wait3A_178[%dma_wait3A_179] : memref<320000xi32, #tpu.memory_space<hbm>> -> memref<128xi32, #tpu.memory_space<hbm>>
      %dma_wait3A_181 = arith.constant 0 : i32
      %dma_wait3A_182 = tpu.memref_slice %arg3[%while3A_94, %dma_wait3A_181] : memref<2x320000xi32, #tpu.memory_space<hbm>> -> memref<1x320000xi32, #tpu.memory_space<hbm>>
      %dma_wait3A_183 = tpu.memref_squeeze %dma_wait3A_182 : memref<1x320000xi32, #tpu.memory_space<hbm>> -> memref<320000xi32, #tpu.memory_space<hbm>>
      %dma_wait3A_184 = arith.constant 0 : i32
      %dma_wait3A_185 = tpu.memref_slice %dma_wait3A_183[%dma_wait3A_184] : memref<320000xi32, #tpu.memory_space<hbm>> -> memref<128xi32, #tpu.memory_space<hbm>>
      tpu.wait_dma2 semaphore(%arg17 : memref<!tpu.dma_semaphore, #tpu.memory_space<semaphore_mem>>) src(%dma_wait3A_185 : memref<128xi32, #tpu.memory_space<hbm>>) dst(%arg8 : memref<128xi32, #tpu.memory_space<vmem>>)
      "tpu.region"() ({
        %run_scoped3A = tpu.sem_alloc : memref<!tpu.dma_semaphore, #tpu.memory_space<semaphore_mem>>
        %dma_start3A_260 = arith.constant 0 : i32
        %dma_start3A_261 = arith.constant 0 : i32
        %dma_start3A_262 = tpu.memref_slice %arg12[%dma_start3A_260, %dma_start3A_261] : memref<10112x128xf32, #tpu.memory_space<vmem_shared>> -> memref<10112x128xf32, #tpu.memory_space<vmem_shared>>
        tpu.enqueue_indirect_dma source(%arg10 : memref<128x128xf32, #tpu.memory_space<vmem>>) target(%dma_start3A_262 : memref<10112x128xf32, #tpu.memory_space<vmem_shared>>) offsets(%arg8 : memref<128xi32, #tpu.memory_space<vmem>>) semaphore(%run_scoped3A : memref<!tpu.dma_semaphore, #tpu.memory_space<semaphore_mem>>) {add = true}
        %dma_wait3A_263 = arith.constant 0 : i32
        %dma_wait3A_264 = arith.constant 0 : i32
        %dma_wait3A_265 = tpu.memref_slice %arg12[%dma_wait3A_263, %dma_wait3A_264] : memref<10112x128xf32, #tpu.memory_space<vmem_shared>> -> memref<10112x128xf32, #tpu.memory_space<vmem_shared>>
        tpu.wait_indirect_dma semaphore(%run_scoped3A : memref<!tpu.dma_semaphore, #tpu.memory_space<semaphore_mem>>) src(%arg10 : memref<128x128xf32, #tpu.memory_space<vmem>>) dst(%dma_wait3A_265 : memref<10112x128xf32, #tpu.memory_space<vmem_shared>>)
        tpu.yield
      }) : () -> ()
      %add3A_186 = arith.constant 2 : i32
      %add3A_187 = arith.addi %mul3A_159, %add3A_186 : i32
      %mul3A_188 = arith.constant 128 : i32
      %mul3A_189 = arith.muli %add3A_187, %mul3A_188 : i32
      %add3A_190 = arith.addi %mul3A_8, %mul3A_189 : i32
      %multiple_of3A_191 = tpu.assume_multiple %add3A_190, 128 : i32
      %dma_start3A_192 = arith.constant 0 : i32
      %dma_start3A_193 = tpu.memref_slice %arg3[%while3A_93, %dma_start3A_192] : memref<2x320000xi32, #tpu.memory_space<hbm>> -> memref<1x320000xi32, #tpu.memory_space<hbm>>
      %dma_start3A_194 = tpu.memref_squeeze %dma_start3A_193 : memref<1x320000xi32, #tpu.memory_space<hbm>> -> memref<320000xi32, #tpu.memory_space<hbm>>
      %dma_start3A_195 = tpu.memref_slice %dma_start3A_194[%multiple_of3A_191] : memref<320000xi32, #tpu.memory_space<hbm>> -> memref<128xi32, #tpu.memory_space<hbm>>
      %dma_start3A_196 = arith.constant 0 : i32
      %dma_start3A_197 = tpu.memref_slice %arg3[%while3A_93, %dma_start3A_196] : memref<2x320000xi32, #tpu.memory_space<hbm>> -> memref<1x320000xi32, #tpu.memory_space<hbm>>
      %dma_start3A_198 = tpu.memref_squeeze %dma_start3A_197 : memref<1x320000xi32, #tpu.memory_space<hbm>> -> memref<320000xi32, #tpu.memory_space<hbm>>
      %dma_start3A_199 = tpu.memref_slice %dma_start3A_198[%multiple_of3A_191] : memref<320000xi32, #tpu.memory_space<hbm>> -> memref<128xi32, #tpu.memory_space<hbm>>
      tpu.enqueue_dma source(%dma_start3A_199 : memref<128xi32, #tpu.memory_space<hbm>>) target(%arg6 : memref<128xi32, #tpu.memory_space<vmem>>) target_semaphore(%arg15 : memref<!tpu.dma_semaphore, #tpu.memory_space<semaphore_mem>>)
      %dma_start3A_200 = arith.constant 0 : i32
      %dma_start3A_201 = tpu.memref_slice %arg3[%while3A_94, %dma_start3A_200] : memref<2x320000xi32, #tpu.memory_space<hbm>> -> memref<1x320000xi32, #tpu.memory_space<hbm>>
      %dma_start3A_202 = tpu.memref_squeeze %dma_start3A_201 : memref<1x320000xi32, #tpu.memory_space<hbm>> -> memref<320000xi32, #tpu.memory_space<hbm>>
      %dma_start3A_203 = tpu.memref_slice %dma_start3A_202[%multiple_of3A_191] : memref<320000xi32, #tpu.memory_space<hbm>> -> memref<128xi32, #tpu.memory_space<hbm>>
      %dma_start3A_204 = arith.constant 0 : i32
      %dma_start3A_205 = tpu.memref_slice %arg3[%while3A_94, %dma_start3A_204] : memref<2x320000xi32, #tpu.memory_space<hbm>> -> memref<1x320000xi32, #tpu.memory_space<hbm>>
      %dma_start3A_206 = tpu.memref_squeeze %dma_start3A_205 : memref<1x320000xi32, #tpu.memory_space<hbm>> -> memref<320000xi32, #tpu.memory_space<hbm>>
      %dma_start3A_207 = tpu.memref_slice %dma_start3A_206[%multiple_of3A_191] : memref<320000xi32, #tpu.memory_space<hbm>> -> memref<128xi32, #tpu.memory_space<hbm>>
      tpu.enqueue_dma source(%dma_start3A_207 : memref<128xi32, #tpu.memory_space<hbm>>) target(%arg8 : memref<128xi32, #tpu.memory_space<vmem>>) target_semaphore(%arg17 : memref<!tpu.dma_semaphore, #tpu.memory_space<semaphore_mem>>)
      %mul3A_208 = arith.constant 2 : i32
      %mul3A_209 = arith.muli %mul3A_208, %add3A_157 : i32
      %add3A_210 = arith.constant 1 : i32
      %add3A_211 = arith.addi %mul3A_209, %add3A_210 : i32
      %dma_wait3A_212 = arith.constant 0 : i32
      %dma_wait3A_213 = tpu.memref_slice %arg3[%while3A_93, %dma_wait3A_212] : memref<2x320000xi32, #tpu.memory_space<hbm>> -> memref<1x320000xi32, #tpu.memory_space<hbm>>
      %dma_wait3A_214 = tpu.memref_squeeze %dma_wait3A_213 : memref<1x320000xi32, #tpu.memory_space<hbm>> -> memref<320000xi32, #tpu.memory_space<hbm>>
      %dma_wait3A_215 = arith.constant 0 : i32
      %dma_wait3A_216 = tpu.memref_slice %dma_wait3A_214[%dma_wait3A_215] : memref<320000xi32, #tpu.memory_space<hbm>> -> memref<128xi32, #tpu.memory_space<hbm>>
      %dma_wait3A_217 = arith.constant 0 : i32
      %dma_wait3A_218 = tpu.memref_slice %arg3[%while3A_93, %dma_wait3A_217] : memref<2x320000xi32, #tpu.memory_space<hbm>> -> memref<1x320000xi32, #tpu.memory_space<hbm>>
      %dma_wait3A_219 = tpu.memref_squeeze %dma_wait3A_218 : memref<1x320000xi32, #tpu.memory_space<hbm>> -> memref<320000xi32, #tpu.memory_space<hbm>>
      %dma_wait3A_220 = arith.constant 0 : i32
      %dma_wait3A_221 = tpu.memref_slice %dma_wait3A_219[%dma_wait3A_220] : memref<320000xi32, #tpu.memory_space<hbm>> -> memref<128xi32, #tpu.memory_space<hbm>>
      tpu.wait_dma2 semaphore(%arg15 : memref<!tpu.dma_semaphore, #tpu.memory_space<semaphore_mem>>) src(%dma_wait3A_221 : memref<128xi32, #tpu.memory_space<hbm>>) dst(%arg6 : memref<128xi32, #tpu.memory_space<vmem>>)
      %dma_start3A_222 = arith.constant 0 : i32
      %dma_start3A_223 = arith.constant 0 : i32
      %dma_start3A_224 = tpu.memref_slice %arg2[%dma_start3A_222, %dma_start3A_223] : memref<10000x128xf32, #tpu.memory_space<hbm>> -> memref<10000x128xf32, #tpu.memory_space<hbm>>
      tpu.enqueue_indirect_dma source(%dma_start3A_224 : memref<10000x128xf32, #tpu.memory_space<hbm>>) target(%arg10 : memref<128x128xf32, #tpu.memory_space<vmem>>) offsets(%arg6 : memref<128xi32, #tpu.memory_space<vmem>>) semaphore(%arg13 : memref<!tpu.dma_semaphore, #tpu.memory_space<semaphore_mem>>)
      %dma_wait3A_225 = arith.constant 0 : i32
      %dma_wait3A_226 = arith.constant 0 : i32
      %dma_wait3A_227 = tpu.memref_slice %arg2[%dma_wait3A_225, %dma_wait3A_226] : memref<10000x128xf32, #tpu.memory_space<hbm>> -> memref<10000x128xf32, #tpu.memory_space<hbm>>
      tpu.wait_indirect_dma semaphore(%arg14 : memref<!tpu.dma_semaphore, #tpu.memory_space<semaphore_mem>>) src(%dma_wait3A_227 : memref<10000x128xf32, #tpu.memory_space<hbm>>) dst(%arg11 : memref<128x128xf32, #tpu.memory_space<vmem>>)
      %dma_wait3A_228 = arith.constant 0 : i32
      %dma_wait3A_229 = tpu.memref_slice %arg3[%while3A_94, %dma_wait3A_228] : memref<2x320000xi32, #tpu.memory_space<hbm>> -> memref<1x320000xi32, #tpu.memory_space<hbm>>
      %dma_wait3A_230 = tpu.memref_squeeze %dma_wait3A_229 : memref<1x320000xi32, #tpu.memory_space<hbm>> -> memref<320000xi32, #tpu.memory_space<hbm>>
      %dma_wait3A_231 = arith.constant 0 : i32
      %dma_wait3A_232 = tpu.memref_slice %dma_wait3A_230[%dma_wait3A_231] : memref<320000xi32, #tpu.memory_space<hbm>> -> memref<128xi32, #tpu.memory_space<hbm>>
      %dma_wait3A_233 = arith.constant 0 : i32
      %dma_wait3A_234 = tpu.memref_slice %arg3[%while3A_94, %dma_wait3A_233] : memref<2x320000xi32, #tpu.memory_space<hbm>> -> memref<1x320000xi32, #tpu.memory_space<hbm>>
      %dma_wait3A_235 = tpu.memref_squeeze %dma_wait3A_234 : memref<1x320000xi32, #tpu.memory_space<hbm>> -> memref<320000xi32, #tpu.memory_space<hbm>>
      %dma_wait3A_236 = arith.constant 0 : i32
      %dma_wait3A_237 = tpu.memref_slice %dma_wait3A_235[%dma_wait3A_236] : memref<320000xi32, #tpu.memory_space<hbm>> -> memref<128xi32, #tpu.memory_space<hbm>>
      tpu.wait_dma2 semaphore(%arg18 : memref<!tpu.dma_semaphore, #tpu.memory_space<semaphore_mem>>) src(%dma_wait3A_237 : memref<128xi32, #tpu.memory_space<hbm>>) dst(%arg9 : memref<128xi32, #tpu.memory_space<vmem>>)
      "tpu.region"() ({
        %run_scoped3A = tpu.sem_alloc : memref<!tpu.dma_semaphore, #tpu.memory_space<semaphore_mem>>
        %dma_start3A_260 = arith.constant 0 : i32
        %dma_start3A_261 = arith.constant 0 : i32
        %dma_start3A_262 = tpu.memref_slice %arg12[%dma_start3A_260, %dma_start3A_261] : memref<10112x128xf32, #tpu.memory_space<vmem_shared>> -> memref<10112x128xf32, #tpu.memory_space<vmem_shared>>
        tpu.enqueue_indirect_dma source(%arg11 : memref<128x128xf32, #tpu.memory_space<vmem>>) target(%dma_start3A_262 : memref<10112x128xf32, #tpu.memory_space<vmem_shared>>) offsets(%arg9 : memref<128xi32, #tpu.memory_space<vmem>>) semaphore(%run_scoped3A : memref<!tpu.dma_semaphore, #tpu.memory_space<semaphore_mem>>) {add = true}
        %dma_wait3A_263 = arith.constant 0 : i32
        %dma_wait3A_264 = arith.constant 0 : i32
        %dma_wait3A_265 = tpu.memref_slice %arg12[%dma_wait3A_263, %dma_wait3A_264] : memref<10112x128xf32, #tpu.memory_space<vmem_shared>> -> memref<10112x128xf32, #tpu.memory_space<vmem_shared>>
        tpu.wait_indirect_dma semaphore(%run_scoped3A : memref<!tpu.dma_semaphore, #tpu.memory_space<semaphore_mem>>) src(%arg11 : memref<128x128xf32, #tpu.memory_space<vmem>>) dst(%dma_wait3A_265 : memref<10112x128xf32, #tpu.memory_space<vmem_shared>>)
        tpu.yield
      }) : () -> ()
      %add3A_238 = arith.constant 2 : i32
      %add3A_239 = arith.addi %add3A_211, %add3A_238 : i32
      %mul3A_240 = arith.constant 128 : i32
      %mul3A_241 = arith.muli %add3A_239, %mul3A_240 : i32
      %add3A_242 = arith.addi %mul3A_8, %mul3A_241 : i32
      %multiple_of3A_243 = tpu.assume_multiple %add3A_242, 128 : i32
      %dma_start3A_244 = arith.constant 0 : i32
      %dma_start3A_245 = tpu.memref_slice %arg3[%while3A_93, %dma_start3A_244] : memref<2x320000xi32, #tpu.memory_space<hbm>> -> memref<1x320000xi32, #tpu.memory_space<hbm>>
      %dma_start3A_246 = tpu.memref_squeeze %dma_start3A_245 : memref<1x320000xi32, #tpu.memory_space<hbm>> -> memref<320000xi32, #tpu.memory_space<hbm>>
      %dma_start3A_247 = tpu.memref_slice %dma_start3A_246[%multiple_of3A_243] : memref<320000xi32, #tpu.memory_space<hbm>> -> memref<128xi32, #tpu.memory_space<hbm>>
      %dma_start3A_248 = arith.constant 0 : i32
      %dma_start3A_249 = tpu.memref_slice %arg3[%while3A_93, %dma_start3A_248] : memref<2x320000xi32, #tpu.memory_space<hbm>> -> memref<1x320000xi32, #tpu.memory_space<hbm>>
      %dma_start3A_250 = tpu.memref_squeeze %dma_start3A_249 : memref<1x320000xi32, #tpu.memory_space<hbm>> -> memref<320000xi32, #tpu.memory_space<hbm>>
      %dma_start3A_251 = tpu.memref_slice %dma_start3A_250[%multiple_of3A_243] : memref<320000xi32, #tpu.memory_space<hbm>> -> memref<128xi32, #tpu.memory_space<hbm>>
      tpu.enqueue_dma source(%dma_start3A_251 : memref<128xi32, #tpu.memory_space<hbm>>) target(%arg7 : memref<128xi32, #tpu.memory_space<vmem>>) target_semaphore(%arg16 : memref<!tpu.dma_semaphore, #tpu.memory_space<semaphore_mem>>)
      %dma_start3A_252 = arith.constant 0 : i32
      %dma_start3A_253 = tpu.memref_slice %arg3[%while3A_94, %dma_start3A_252] : memref<2x320000xi32, #tpu.memory_space<hbm>> -> memref<1x320000xi32, #tpu.memory_space<hbm>>
      %dma_start3A_254 = tpu.memref_squeeze %dma_start3A_253 : memref<1x320000xi32, #tpu.memory_space<hbm>> -> memref<320000xi32, #tpu.memory_space<hbm>>
      %dma_start3A_255 = tpu.memref_slice %dma_start3A_254[%multiple_of3A_243] : memref<320000xi32, #tpu.memory_space<hbm>> -> memref<128xi32, #tpu.memory_space<hbm>>
      %dma_start3A_256 = arith.constant 0 : i32
      %dma_start3A_257 = tpu.memref_slice %arg3[%while3A_94, %dma_start3A_256] : memref<2x320000xi32, #tpu.memory_space<hbm>> -> memref<1x320000xi32, #tpu.memory_space<hbm>>
      %dma_start3A_258 = tpu.memref_squeeze %dma_start3A_257 : memref<1x320000xi32, #tpu.memory_space<hbm>> -> memref<320000xi32, #tpu.memory_space<hbm>>
      %dma_start3A_259 = tpu.memref_slice %dma_start3A_258[%multiple_of3A_243] : memref<320000xi32, #tpu.memory_space<hbm>> -> memref<128xi32, #tpu.memory_space<hbm>>
      tpu.enqueue_dma source(%dma_start3A_259 : memref<128xi32, #tpu.memory_space<hbm>>) target(%arg9 : memref<128xi32, #tpu.memory_space<vmem>>) target_semaphore(%arg18 : memref<!tpu.dma_semaphore, #tpu.memory_space<semaphore_mem>>)
    }
    %while3A_103 = arith.constant 1 : i32
    scf.for %while3A_155 = %while3A_101 to %while3A_97 step %while3A_103  : i32 {
      %mul3A_156 = arith.muli %while3A_155, %while3A : i32
      %add3A_157 = arith.addi %while3A_92, %mul3A_156 : i32
      %mul3A_158 = arith.constant 2 : i32
      %mul3A_159 = arith.muli %mul3A_158, %add3A_157 : i32
      %dma_wait3A_160 = arith.constant 0 : i32
      %dma_wait3A_161 = tpu.memref_slice %arg3[%while3A_93, %dma_wait3A_160] : memref<2x320000xi32, #tpu.memory_space<hbm>> -> memref<1x320000xi32, #tpu.memory_space<hbm>>
      %dma_wait3A_162 = tpu.memref_squeeze %dma_wait3A_161 : memref<1x320000xi32, #tpu.memory_space<hbm>> -> memref<320000xi32, #tpu.memory_space<hbm>>
      %dma_wait3A_163 = arith.constant 0 : i32
      %dma_wait3A_164 = tpu.memref_slice %dma_wait3A_162[%dma_wait3A_163] : memref<320000xi32, #tpu.memory_space<hbm>> -> memref<128xi32, #tpu.memory_space<hbm>>
      %dma_wait3A_165 = arith.constant 0 : i32
      %dma_wait3A_166 = tpu.memref_slice %arg3[%while3A_93, %dma_wait3A_165] : memref<2x320000xi32, #tpu.memory_space<hbm>> -> memref<1x320000xi32, #tpu.memory_space<hbm>>
      %dma_wait3A_167 = tpu.memref_squeeze %dma_wait3A_166 : memref<1x320000xi32, #tpu.memory_space<hbm>> -> memref<320000xi32, #tpu.memory_space<hbm>>
      %dma_wait3A_168 = arith.constant 0 : i32
      %dma_wait3A_169 = tpu.memref_slice %dma_wait3A_167[%dma_wait3A_168] : memref<320000xi32, #tpu.memory_space<hbm>> -> memref<128xi32, #tpu.memory_space<hbm>>
      tpu.wait_dma2 semaphore(%arg16 : memref<!tpu.dma_semaphore, #tpu.memory_space<semaphore_mem>>) src(%dma_wait3A_169 : memref<128xi32, #tpu.memory_space<hbm>>) dst(%arg7 : memref<128xi32, #tpu.memory_space<vmem>>)
      %dma_start3A_170 = arith.constant 0 : i32
      %dma_start3A_171 = arith.constant 0 : i32
      %dma_start3A_172 = tpu.memref_slice %arg2[%dma_start3A_170, %dma_start3A_171] : memref<10000x128xf32, #tpu.memory_space<hbm>> -> memref<10000x128xf32, #tpu.memory_space<hbm>>
      tpu.enqueue_indirect_dma source(%dma_start3A_172 : memref<10000x128xf32, #tpu.memory_space<hbm>>) target(%arg11 : memref<128x128xf32, #tpu.memory_space<vmem>>) offsets(%arg7 : memref<128xi32, #tpu.memory_space<vmem>>) semaphore(%arg14 : memref<!tpu.dma_semaphore, #tpu.memory_space<semaphore_mem>>)
      %dma_wait3A_173 = arith.constant 0 : i32
      %dma_wait3A_174 = arith.constant 0 : i32
      %dma_wait3A_175 = tpu.memref_slice %arg2[%dma_wait3A_173, %dma_wait3A_174] : memref<10000x128xf32, #tpu.memory_space<hbm>> -> memref<10000x128xf32, #tpu.memory_space<hbm>>
      tpu.wait_indirect_dma semaphore(%arg13 : memref<!tpu.dma_semaphore, #tpu.memory_space<semaphore_mem>>) src(%dma_wait3A_175 : memref<10000x128xf32, #tpu.memory_space<hbm>>) dst(%arg10 : memref<128x128xf32, #tpu.memory_space<vmem>>)
      %dma_wait3A_176 = arith.constant 0 : i32
      %dma_wait3A_177 = tpu.memref_slice %arg3[%while3A_94, %dma_wait3A_176] : memref<2x320000xi32, #tpu.memory_space<hbm>> -> memref<1x320000xi32, #tpu.memory_space<hbm>>
      %dma_wait3A_178 = tpu.memref_squeeze %dma_wait3A_177 : memref<1x320000xi32, #tpu.memory_space<hbm>> -> memref<320000xi32, #tpu.memory_space<hbm>>
      %dma_wait3A_179 = arith.constant 0 : i32
      %dma_wait3A_180 = tpu.memref_slice %dma_wait3A_178[%dma_wait3A_179] : memref<320000xi32, #tpu.memory_space<hbm>> -> memref<128xi32, #tpu.memory_space<hbm>>
      %dma_wait3A_181 = arith.constant 0 : i32
      %dma_wait3A_182 = tpu.memref_slice %arg3[%while3A_94, %dma_wait3A_181] : memref<2x320000xi32, #tpu.memory_space<hbm>> -> memref<1x320000xi32, #tpu.memory_space<hbm>>
      %dma_wait3A_183 = tpu.memref_squeeze %dma_wait3A_182 : memref<1x320000xi32, #tpu.memory_space<hbm>> -> memref<320000xi32, #tpu.memory_space<hbm>>
      %dma_wait3A_184 = arith.constant 0 : i32
      %dma_wait3A_185 = tpu.memref_slice %dma_wait3A_183[%dma_wait3A_184] : memref<320000xi32, #tpu.memory_space<hbm>> -> memref<128xi32, #tpu.memory_space<hbm>>
      tpu.wait_dma2 semaphore(%arg17 : memref<!tpu.dma_semaphore, #tpu.memory_space<semaphore_mem>>) src(%dma_wait3A_185 : memref<128xi32, #tpu.memory_space<hbm>>) dst(%arg8 : memref<128xi32, #tpu.memory_space<vmem>>)
      "tpu.region"() ({
        %run_scoped3A = tpu.sem_alloc : memref<!tpu.dma_semaphore, #tpu.memory_space<semaphore_mem>>
        %dma_start3A_260 = arith.constant 0 : i32
        %dma_start3A_261 = arith.constant 0 : i32
        %dma_start3A_262 = tpu.memref_slice %arg12[%dma_start3A_260, %dma_start3A_261] : memref<10112x128xf32, #tpu.memory_space<vmem_shared>> -> memref<10112x128xf32, #tpu.memory_space<vmem_shared>>
        tpu.enqueue_indirect_dma source(%arg10 : memref<128x128xf32, #tpu.memory_space<vmem>>) target(%dma_start3A_262 : memref<10112x128xf32, #tpu.memory_space<vmem_shared>>) offsets(%arg8 : memref<128xi32, #tpu.memory_space<vmem>>) semaphore(%run_scoped3A : memref<!tpu.dma_semaphore, #tpu.memory_space<semaphore_mem>>) {add = true}
        %dma_wait3A_263 = arith.constant 0 : i32
        %dma_wait3A_264 = arith.constant 0 : i32
        %dma_wait3A_265 = tpu.memref_slice %arg12[%dma_wait3A_263, %dma_wait3A_264] : memref<10112x128xf32, #tpu.memory_space<vmem_shared>> -> memref<10112x128xf32, #tpu.memory_space<vmem_shared>>
        tpu.wait_indirect_dma semaphore(%run_scoped3A : memref<!tpu.dma_semaphore, #tpu.memory_space<semaphore_mem>>) src(%arg10 : memref<128x128xf32, #tpu.memory_space<vmem>>) dst(%dma_wait3A_265 : memref<10112x128xf32, #tpu.memory_space<vmem_shared>>)
        tpu.yield
      }) : () -> ()
      %add3A_186 = arith.constant 2 : i32
      %add3A_187 = arith.addi %mul3A_159, %add3A_186 : i32
      %mul3A_188 = arith.constant 128 : i32
      %mul3A_189 = arith.muli %add3A_187, %mul3A_188 : i32
      %add3A_190 = arith.addi %mul3A_8, %mul3A_189 : i32
      %multiple_of3A_191 = tpu.assume_multiple %add3A_190, 128 : i32
      %dma_start3A_192 = arith.constant 0 : i32
      %dma_start3A_193 = tpu.memref_slice %arg3[%while3A_93, %dma_start3A_192] : memref<2x320000xi32, #tpu.memory_space<hbm>> -> memref<1x320000xi32, #tpu.memory_space<hbm>>
      %dma_start3A_194 = tpu.memref_squeeze %dma_start3A_193 : memref<1x320000xi32, #tpu.memory_space<hbm>> -> memref<320000xi32, #tpu.memory_space<hbm>>
      %dma_start3A_195 = tpu.memref_slice %dma_start3A_194[%multiple_of3A_191] : memref<320000xi32, #tpu.memory_space<hbm>> -> memref<128xi32, #tpu.memory_space<hbm>>
      %dma_start3A_196 = arith.constant 0 : i32
      %dma_start3A_197 = tpu.memref_slice %arg3[%while3A_93, %dma_start3A_196] : memref<2x320000xi32, #tpu.memory_space<hbm>> -> memref<1x320000xi32, #tpu.memory_space<hbm>>
      %dma_start3A_198 = tpu.memref_squeeze %dma_start3A_197 : memref<1x320000xi32, #tpu.memory_space<hbm>> -> memref<320000xi32, #tpu.memory_space<hbm>>
      %dma_start3A_199 = tpu.memref_slice %dma_start3A_198[%multiple_of3A_191] : memref<320000xi32, #tpu.memory_space<hbm>> -> memref<128xi32, #tpu.memory_space<hbm>>
      tpu.enqueue_dma source(%dma_start3A_199 : memref<128xi32, #tpu.memory_space<hbm>>) target(%arg6 : memref<128xi32, #tpu.memory_space<vmem>>) target_semaphore(%arg15 : memref<!tpu.dma_semaphore, #tpu.memory_space<semaphore_mem>>)
      %dma_start3A_200 = arith.constant 0 : i32
      %dma_start3A_201 = tpu.memref_slice %arg3[%while3A_94, %dma_start3A_200] : memref<2x320000xi32, #tpu.memory_space<hbm>> -> memref<1x320000xi32, #tpu.memory_space<hbm>>
      %dma_start3A_202 = tpu.memref_squeeze %dma_start3A_201 : memref<1x320000xi32, #tpu.memory_space<hbm>> -> memref<320000xi32, #tpu.memory_space<hbm>>
      %dma_start3A_203 = tpu.memref_slice %dma_start3A_202[%multiple_of3A_191] : memref<320000xi32, #tpu.memory_space<hbm>> -> memref<128xi32, #tpu.memory_space<hbm>>
      %dma_start3A_204 = arith.constant 0 : i32
      %dma_start3A_205 = tpu.memref_slice %arg3[%while3A_94, %dma_start3A_204] : memref<2x320000xi32, #tpu.memory_space<hbm>> -> memref<1x320000xi32, #tpu.memory_space<hbm>>
      %dma_start3A_206 = tpu.memref_squeeze %dma_start3A_205 : memref<1x320000xi32, #tpu.memory_space<hbm>> -> memref<320000xi32, #tpu.memory_space<hbm>>
      %dma_start3A_207 = tpu.memref_slice %dma_start3A_206[%multiple_of3A_191] : memref<320000xi32, #tpu.memory_space<hbm>> -> memref<128xi32, #tpu.memory_space<hbm>>
      tpu.enqueue_dma source(%dma_start3A_207 : memref<128xi32, #tpu.memory_space<hbm>>) target(%arg8 : memref<128xi32, #tpu.memory_space<vmem>>) target_semaphore(%arg17 : memref<!tpu.dma_semaphore, #tpu.memory_space<semaphore_mem>>)
      %mul3A_208 = arith.constant 2 : i32
      %mul3A_209 = arith.muli %mul3A_208, %add3A_157 : i32
      %add3A_210 = arith.constant 1 : i32
      %add3A_211 = arith.addi %mul3A_209, %add3A_210 : i32
      %dma_wait3A_212 = arith.constant 0 : i32
      %dma_wait3A_213 = tpu.memref_slice %arg3[%while3A_93, %dma_wait3A_212] : memref<2x320000xi32, #tpu.memory_space<hbm>> -> memref<1x320000xi32, #tpu.memory_space<hbm>>
      %dma_wait3A_214 = tpu.memref_squeeze %dma_wait3A_213 : memref<1x320000xi32, #tpu.memory_space<hbm>> -> memref<320000xi32, #tpu.memory_space<hbm>>
      %dma_wait3A_215 = arith.constant 0 : i32
      %dma_wait3A_216 = tpu.memref_slice %dma_wait3A_214[%dma_wait3A_215] : memref<320000xi32, #tpu.memory_space<hbm>> -> memref<128xi32, #tpu.memory_space<hbm>>
      %dma_wait3A_217 = arith.constant 0 : i32
      %dma_wait3A_218 = tpu.memref_slice %arg3[%while3A_93, %dma_wait3A_217] : memref<2x320000xi32, #tpu.memory_space<hbm>> -> memref<1x320000xi32, #tpu.memory_space<hbm>>
      %dma_wait3A_219 = tpu.memref_squeeze %dma_wait3A_218 : memref<1x320000xi32, #tpu.memory_space<hbm>> -> memref<320000xi32, #tpu.memory_space<hbm>>
      %dma_wait3A_220 = arith.constant 0 : i32
      %dma_wait3A_221 = tpu.memref_slice %dma_wait3A_219[%dma_wait3A_220] : memref<320000xi32, #tpu.memory_space<hbm>> -> memref<128xi32, #tpu.memory_space<hbm>>
      tpu.wait_dma2 semaphore(%arg15 : memref<!tpu.dma_semaphore, #tpu.memory_space<semaphore_mem>>) src(%dma_wait3A_221 : memref<128xi32, #tpu.memory_space<hbm>>) dst(%arg6 : memref<128xi32, #tpu.memory_space<vmem>>)
      %dma_start3A_222 = arith.constant 0 : i32
      %dma_start3A_223 = arith.constant 0 : i32
      %dma_start3A_224 = tpu.memref_slice %arg2[%dma_start3A_222, %dma_start3A_223] : memref<10000x128xf32, #tpu.memory_space<hbm>> -> memref<10000x128xf32, #tpu.memory_space<hbm>>
      tpu.enqueue_indirect_dma source(%dma_start3A_224 : memref<10000x128xf32, #tpu.memory_space<hbm>>) target(%arg10 : memref<128x128xf32, #tpu.memory_space<vmem>>) offsets(%arg6 : memref<128xi32, #tpu.memory_space<vmem>>) semaphore(%arg13 : memref<!tpu.dma_semaphore, #tpu.memory_space<semaphore_mem>>)
      %dma_wait3A_225 = arith.constant 0 : i32
      %dma_wait3A_226 = arith.constant 0 : i32
      %dma_wait3A_227 = tpu.memref_slice %arg2[%dma_wait3A_225, %dma_wait3A_226] : memref<10000x128xf32, #tpu.memory_space<hbm>> -> memref<10000x128xf32, #tpu.memory_space<hbm>>
      tpu.wait_indirect_dma semaphore(%arg14 : memref<!tpu.dma_semaphore, #tpu.memory_space<semaphore_mem>>) src(%dma_wait3A_227 : memref<10000x128xf32, #tpu.memory_space<hbm>>) dst(%arg11 : memref<128x128xf32, #tpu.memory_space<vmem>>)
      %dma_wait3A_228 = arith.constant 0 : i32
      %dma_wait3A_229 = tpu.memref_slice %arg3[%while3A_94, %dma_wait3A_228] : memref<2x320000xi32, #tpu.memory_space<hbm>> -> memref<1x320000xi32, #tpu.memory_space<hbm>>
      %dma_wait3A_230 = tpu.memref_squeeze %dma_wait3A_229 : memref<1x320000xi32, #tpu.memory_space<hbm>> -> memref<320000xi32, #tpu.memory_space<hbm>>
      %dma_wait3A_231 = arith.constant 0 : i32
      %dma_wait3A_232 = tpu.memref_slice %dma_wait3A_230[%dma_wait3A_231] : memref<320000xi32, #tpu.memory_space<hbm>> -> memref<128xi32, #tpu.memory_space<hbm>>
      %dma_wait3A_233 = arith.constant 0 : i32
      %dma_wait3A_234 = tpu.memref_slice %arg3[%while3A_94, %dma_wait3A_233] : memref<2x320000xi32, #tpu.memory_space<hbm>> -> memref<1x320000xi32, #tpu.memory_space<hbm>>
      %dma_wait3A_235 = tpu.memref_squeeze %dma_wait3A_234 : memref<1x320000xi32, #tpu.memory_space<hbm>> -> memref<320000xi32, #tpu.memory_space<hbm>>
      %dma_wait3A_236 = arith.constant 0 : i32
      %dma_wait3A_237 = tpu.memref_slice %dma_wait3A_235[%dma_wait3A_236] : memref<320000xi32, #tpu.memory_space<hbm>> -> memref<128xi32, #tpu.memory_space<hbm>>
      tpu.wait_dma2 semaphore(%arg18 : memref<!tpu.dma_semaphore, #tpu.memory_space<semaphore_mem>>) src(%dma_wait3A_237 : memref<128xi32, #tpu.memory_space<hbm>>) dst(%arg9 : memref<128xi32, #tpu.memory_space<vmem>>)
      "tpu.region"() ({
        %run_scoped3A = tpu.sem_alloc : memref<!tpu.dma_semaphore, #tpu.memory_space<semaphore_mem>>
        %dma_start3A_260 = arith.constant 0 : i32
        %dma_start3A_261 = arith.constant 0 : i32
        %dma_start3A_262 = tpu.memref_slice %arg12[%dma_start3A_260, %dma_start3A_261] : memref<10112x128xf32, #tpu.memory_space<vmem_shared>> -> memref<10112x128xf32, #tpu.memory_space<vmem_shared>>
        tpu.enqueue_indirect_dma source(%arg11 : memref<128x128xf32, #tpu.memory_space<vmem>>) target(%dma_start3A_262 : memref<10112x128xf32, #tpu.memory_space<vmem_shared>>) offsets(%arg9 : memref<128xi32, #tpu.memory_space<vmem>>) semaphore(%run_scoped3A : memref<!tpu.dma_semaphore, #tpu.memory_space<semaphore_mem>>) {add = true}
        %dma_wait3A_263 = arith.constant 0 : i32
        %dma_wait3A_264 = arith.constant 0 : i32
        %dma_wait3A_265 = tpu.memref_slice %arg12[%dma_wait3A_263, %dma_wait3A_264] : memref<10112x128xf32, #tpu.memory_space<vmem_shared>> -> memref<10112x128xf32, #tpu.memory_space<vmem_shared>>
        tpu.wait_indirect_dma semaphore(%run_scoped3A : memref<!tpu.dma_semaphore, #tpu.memory_space<semaphore_mem>>) src(%arg11 : memref<128x128xf32, #tpu.memory_space<vmem>>) dst(%dma_wait3A_265 : memref<10112x128xf32, #tpu.memory_space<vmem_shared>>)
        tpu.yield
      }) : () -> ()
      %add3A_238 = arith.constant 2 : i32
      %add3A_239 = arith.addi %add3A_211, %add3A_238 : i32
      %mul3A_240 = arith.constant 128 : i32
      %mul3A_241 = arith.muli %add3A_239, %mul3A_240 : i32
      %add3A_242 = arith.addi %mul3A_8, %mul3A_241 : i32
      %multiple_of3A_243 = tpu.assume_multiple %add3A_242, 128 : i32
      %dma_start3A_244 = arith.constant 0 : i32
      %dma_start3A_245 = tpu.memref_slice %arg3[%while3A_93, %dma_start3A_244] : memref<2x320000xi32, #tpu.memory_space<hbm>> -> memref<1x320000xi32, #tpu.memory_space<hbm>>
      %dma_start3A_246 = tpu.memref_squeeze %dma_start3A_245 : memref<1x320000xi32, #tpu.memory_space<hbm>> -> memref<320000xi32, #tpu.memory_space<hbm>>
      %dma_start3A_247 = tpu.memref_slice %dma_start3A_246[%multiple_of3A_243] : memref<320000xi32, #tpu.memory_space<hbm>> -> memref<128xi32, #tpu.memory_space<hbm>>
      %dma_start3A_248 = arith.constant 0 : i32
      %dma_start3A_249 = tpu.memref_slice %arg3[%while3A_93, %dma_start3A_248] : memref<2x320000xi32, #tpu.memory_space<hbm>> -> memref<1x320000xi32, #tpu.memory_space<hbm>>
      %dma_start3A_250 = tpu.memref_squeeze %dma_start3A_249 : memref<1x320000xi32, #tpu.memory_space<hbm>> -> memref<320000xi32, #tpu.memory_space<hbm>>
      %dma_start3A_251 = tpu.memref_slice %dma_start3A_250[%multiple_of3A_243] : memref<320000xi32, #tpu.memory_space<hbm>> -> memref<128xi32, #tpu.memory_space<hbm>>
      tpu.enqueue_dma source(%dma_start3A_251 : memref<128xi32, #tpu.memory_space<hbm>>) target(%arg7 : memref<128xi32, #tpu.memory_space<vmem>>) target_semaphore(%arg16 : memref<!tpu.dma_semaphore, #tpu.memory_space<semaphore_mem>>)
      %dma_start3A_252 = arith.constant 0 : i32
      %dma_start3A_253 = tpu.memref_slice %arg3[%while3A_94, %dma_start3A_252] : memref<2x320000xi32, #tpu.memory_space<hbm>> -> memref<1x320000xi32, #tpu.memory_space<hbm>>
      %dma_start3A_254 = tpu.memref_squeeze %dma_start3A_253 : memref<1x320000xi32, #tpu.memory_space<hbm>> -> memref<320000xi32, #tpu.memory_space<hbm>>
      %dma_start3A_255 = tpu.memref_slice %dma_start3A_254[%multiple_of3A_243] : memref<320000xi32, #tpu.memory_space<hbm>> -> memref<128xi32, #tpu.memory_space<hbm>>
      %dma_start3A_256 = arith.constant 0 : i32
      %dma_start3A_257 = tpu.memref_slice %arg3[%while3A_94, %dma_start3A_256] : memref<2x320000xi32, #tpu.memory_space<hbm>> -> memref<1x320000xi32, #tpu.memory_space<hbm>>
      %dma_start3A_258 = tpu.memref_squeeze %dma_start3A_257 : memref<1x320000xi32, #tpu.memory_space<hbm>> -> memref<320000xi32, #tpu.memory_space<hbm>>
      %dma_start3A_259 = tpu.memref_slice %dma_start3A_258[%multiple_of3A_243] : memref<320000xi32, #tpu.memory_space<hbm>> -> memref<128xi32, #tpu.memory_space<hbm>>
      tpu.enqueue_dma source(%dma_start3A_259 : memref<128xi32, #tpu.memory_space<hbm>>) target(%arg9 : memref<128xi32, #tpu.memory_space<vmem>>) target_semaphore(%arg18 : memref<!tpu.dma_semaphore, #tpu.memory_space<semaphore_mem>>)
    }
    %sub3A_104 = arith.constant 2 : i32
    %sub3A_105 = arith.subi %select_n3A, %sub3A_104 : i32
    %dma_wait3A_106 = arith.constant 0 : i32
    %dma_wait3A_107 = arith.constant 0 : i32
    %dma_wait3A_108 = tpu.memref_slice %arg3[%dma_wait3A_106, %dma_wait3A_107] : memref<2x320000xi32, #tpu.memory_space<hbm>> -> memref<1x320000xi32, #tpu.memory_space<hbm>>
    %dma_wait3A_109 = tpu.memref_squeeze %dma_wait3A_108 : memref<1x320000xi32, #tpu.memory_space<hbm>> -> memref<320000xi32, #tpu.memory_space<hbm>>
    %dma_wait3A_110 = arith.constant 0 : i32
    %dma_wait3A_111 = tpu.memref_slice %dma_wait3A_109[%dma_wait3A_110] : memref<320000xi32, #tpu.memory_space<hbm>> -> memref<128xi32, #tpu.memory_space<hbm>>
    %dma_wait3A_112 = arith.constant 0 : i32
    %dma_wait3A_113 = tpu.memref_slice %arg3[%dma_wait3A_106, %dma_wait3A_112] : memref<2x320000xi32, #tpu.memory_space<hbm>> -> memref<1x320000xi32, #tpu.memory_space<hbm>>
    %dma_wait3A_114 = tpu.memref_squeeze %dma_wait3A_113 : memref<1x320000xi32, #tpu.memory_space<hbm>> -> memref<320000xi32, #tpu.memory_space<hbm>>
    %dma_wait3A_115 = arith.constant 0 : i32
    %dma_wait3A_116 = tpu.memref_slice %dma_wait3A_114[%dma_wait3A_115] : memref<320000xi32, #tpu.memory_space<hbm>> -> memref<128xi32, #tpu.memory_space<hbm>>
    tpu.wait_dma2 semaphore(%arg16 : memref<!tpu.dma_semaphore, #tpu.memory_space<semaphore_mem>>) src(%dma_wait3A_116 : memref<128xi32, #tpu.memory_space<hbm>>) dst(%arg7 : memref<128xi32, #tpu.memory_space<vmem>>)
    %dma_start3A_117 = arith.constant 0 : i32
    %dma_start3A_118 = arith.constant 0 : i32
    %dma_start3A_119 = tpu.memref_slice %arg2[%dma_start3A_117, %dma_start3A_118] : memref<10000x128xf32, #tpu.memory_space<hbm>> -> memref<10000x128xf32, #tpu.memory_space<hbm>>
    tpu.enqueue_indirect_dma source(%dma_start3A_119 : memref<10000x128xf32, #tpu.memory_space<hbm>>) target(%arg11 : memref<128x128xf32, #tpu.memory_space<vmem>>) offsets(%arg7 : memref<128xi32, #tpu.memory_space<vmem>>) semaphore(%arg14 : memref<!tpu.dma_semaphore, #tpu.memory_space<semaphore_mem>>)
    %dma_wait3A_120 = arith.constant 0 : i32
    %dma_wait3A_121 = arith.constant 0 : i32
    %dma_wait3A_122 = tpu.memref_slice %arg2[%dma_wait3A_120, %dma_wait3A_121] : memref<10000x128xf32, #tpu.memory_space<hbm>> -> memref<10000x128xf32, #tpu.memory_space<hbm>>
    tpu.wait_indirect_dma semaphore(%arg13 : memref<!tpu.dma_semaphore, #tpu.memory_space<semaphore_mem>>) src(%dma_wait3A_122 : memref<10000x128xf32, #tpu.memory_space<hbm>>) dst(%arg10 : memref<128x128xf32, #tpu.memory_space<vmem>>)
    %dma_wait3A_123 = arith.constant 1 : i32
    %dma_wait3A_124 = arith.constant 0 : i32
    %dma_wait3A_125 = tpu.memref_slice %arg3[%dma_wait3A_123, %dma_wait3A_124] : memref<2x320000xi32, #tpu.memory_space<hbm>> -> memref<1x320000xi32, #tpu.memory_space<hbm>>
    %dma_wait3A_126 = tpu.memref_squeeze %dma_wait3A_125 : memref<1x320000xi32, #tpu.memory_space<hbm>> -> memref<320000xi32, #tpu.memory_space<hbm>>
    %dma_wait3A_127 = arith.constant 0 : i32
    %dma_wait3A_128 = tpu.memref_slice %dma_wait3A_126[%dma_wait3A_127] : memref<320000xi32, #tpu.memory_space<hbm>> -> memref<128xi32, #tpu.memory_space<hbm>>
    %dma_wait3A_129 = arith.constant 0 : i32
    %dma_wait3A_130 = tpu.memref_slice %arg3[%dma_wait3A_123, %dma_wait3A_129] : memref<2x320000xi32, #tpu.memory_space<hbm>> -> memref<1x320000xi32, #tpu.memory_space<hbm>>
    %dma_wait3A_131 = tpu.memref_squeeze %dma_wait3A_130 : memref<1x320000xi32, #tpu.memory_space<hbm>> -> memref<320000xi32, #tpu.memory_space<hbm>>
    %dma_wait3A_132 = arith.constant 0 : i32
    %dma_wait3A_133 = tpu.memref_slice %dma_wait3A_131[%dma_wait3A_132] : memref<320000xi32, #tpu.memory_space<hbm>> -> memref<128xi32, #tpu.memory_space<hbm>>
    tpu.wait_dma2 semaphore(%arg17 : memref<!tpu.dma_semaphore, #tpu.memory_space<semaphore_mem>>) src(%dma_wait3A_133 : memref<128xi32, #tpu.memory_space<hbm>>) dst(%arg8 : memref<128xi32, #tpu.memory_space<vmem>>)
    "tpu.region"() ({
      %run_scoped3A = tpu.sem_alloc : memref<!tpu.dma_semaphore, #tpu.memory_space<semaphore_mem>>
      %dma_start3A_155 = arith.constant 0 : i32
      %dma_start3A_156 = arith.constant 0 : i32
      %dma_start3A_157 = tpu.memref_slice %arg12[%dma_start3A_155, %dma_start3A_156] : memref<10112x128xf32, #tpu.memory_space<vmem_shared>> -> memref<10112x128xf32, #tpu.memory_space<vmem_shared>>
      tpu.enqueue_indirect_dma source(%arg10 : memref<128x128xf32, #tpu.memory_space<vmem>>) target(%dma_start3A_157 : memref<10112x128xf32, #tpu.memory_space<vmem_shared>>) offsets(%arg8 : memref<128xi32, #tpu.memory_space<vmem>>) semaphore(%run_scoped3A : memref<!tpu.dma_semaphore, #tpu.memory_space<semaphore_mem>>) {add = true}
      %dma_wait3A_158 = arith.constant 0 : i32
      %dma_wait3A_159 = arith.constant 0 : i32
      %dma_wait3A_160 = tpu.memref_slice %arg12[%dma_wait3A_158, %dma_wait3A_159] : memref<10112x128xf32, #tpu.memory_space<vmem_shared>> -> memref<10112x128xf32, #tpu.memory_space<vmem_shared>>
      tpu.wait_indirect_dma semaphore(%run_scoped3A : memref<!tpu.dma_semaphore, #tpu.memory_space<semaphore_mem>>) src(%arg10 : memref<128x128xf32, #tpu.memory_space<vmem>>) dst(%dma_wait3A_160 : memref<10112x128xf32, #tpu.memory_space<vmem_shared>>)
      tpu.yield
    }) : () -> ()
    %sub3A_134 = arith.constant 1 : i32
    %sub3A_135 = arith.subi %select_n3A, %sub3A_134 : i32
    %dma_wait3A_136 = arith.constant 0 : i32
    %dma_wait3A_137 = arith.constant 0 : i32
    %dma_wait3A_138 = tpu.memref_slice %arg2[%dma_wait3A_136, %dma_wait3A_137] : memref<10000x128xf32, #tpu.memory_space<hbm>> -> memref<10000x128xf32, #tpu.memory_space<hbm>>
    tpu.wait_indirect_dma semaphore(%arg14 : memref<!tpu.dma_semaphore, #tpu.memory_space<semaphore_mem>>) src(%dma_wait3A_138 : memref<10000x128xf32, #tpu.memory_space<hbm>>) dst(%arg11 : memref<128x128xf32, #tpu.memory_space<vmem>>)
    %dma_wait3A_139 = arith.constant 1 : i32
    %dma_wait3A_140 = arith.constant 0 : i32
    %dma_wait3A_141 = tpu.memref_slice %arg3[%dma_wait3A_139, %dma_wait3A_140] : memref<2x320000xi32, #tpu.memory_space<hbm>> -> memref<1x320000xi32, #tpu.memory_space<hbm>>
    %dma_wait3A_142 = tpu.memref_squeeze %dma_wait3A_141 : memref<1x320000xi32, #tpu.memory_space<hbm>> -> memref<320000xi32, #tpu.memory_space<hbm>>
    %dma_wait3A_143 = arith.constant 0 : i32
    %dma_wait3A_144 = tpu.memref_slice %dma_wait3A_142[%dma_wait3A_143] : memref<320000xi32, #tpu.memory_space<hbm>> -> memref<128xi32, #tpu.memory_space<hbm>>
    %dma_wait3A_145 = arith.constant 0 : i32
    %dma_wait3A_146 = tpu.memref_slice %arg3[%dma_wait3A_139, %dma_wait3A_145] : memref<2x320000xi32, #tpu.memory_space<hbm>> -> memref<1x320000xi32, #tpu.memory_space<hbm>>
    %dma_wait3A_147 = tpu.memref_squeeze %dma_wait3A_146 : memref<1x320000xi32, #tpu.memory_space<hbm>> -> memref<320000xi32, #tpu.memory_space<hbm>>
    %dma_wait3A_148 = arith.constant 0 : i32
    %dma_wait3A_149 = tpu.memref_slice %dma_wait3A_147[%dma_wait3A_148] : memref<320000xi32, #tpu.memory_space<hbm>> -> memref<128xi32, #tpu.memory_space<hbm>>
    tpu.wait_dma2 semaphore(%arg18 : memref<!tpu.dma_semaphore, #tpu.memory_space<semaphore_mem>>) src(%dma_wait3A_149 : memref<128xi32, #tpu.memory_space<hbm>>) dst(%arg9 : memref<128xi32, #tpu.memory_space<vmem>>)
    "tpu.region"() ({
      %run_scoped3A = tpu.sem_alloc : memref<!tpu.dma_semaphore, #tpu.memory_space<semaphore_mem>>
      %dma_start3A_155 = arith.constant 0 : i32
      %dma_start3A_156 = arith.constant 0 : i32
      %dma_start3A_157 = tpu.memref_slice %arg12[%dma_start3A_155, %dma_start3A_156] : memref<10112x128xf32, #tpu.memory_space<vmem_shared>> -> memref<10112x128xf32, #tpu.memory_space<vmem_shared>>
      tpu.enqueue_indirect_dma source(%arg11 : memref<128x128xf32, #tpu.memory_space<vmem>>) target(%dma_start3A_157 : memref<10112x128xf32, #tpu.memory_space<vmem_shared>>) offsets(%arg9 : memref<128xi32, #tpu.memory_space<vmem>>) semaphore(%run_scoped3A : memref<!tpu.dma_semaphore, #tpu.memory_space<semaphore_mem>>) {add = true}
      %dma_wait3A_158 = arith.constant 0 : i32
      %dma_wait3A_159 = arith.constant 0 : i32
      %dma_wait3A_160 = tpu.memref_slice %arg12[%dma_wait3A_158, %dma_wait3A_159] : memref<10112x128xf32, #tpu.memory_space<vmem_shared>> -> memref<10112x128xf32, #tpu.memory_space<vmem_shared>>
      tpu.wait_indirect_dma semaphore(%run_scoped3A : memref<!tpu.dma_semaphore, #tpu.memory_space<semaphore_mem>>) src(%arg11 : memref<128x128xf32, #tpu.memory_space<vmem>>) dst(%dma_wait3A_160 : memref<10112x128xf32, #tpu.memory_space<vmem_shared>>)
      tpu.yield
    }) : () -> ()
    %barrier3A_150 = arith.constant 0 : index
    tpu.barrier barrier_id(%barrier3A_150)
    %mul3A_151 = arith.constant 632 : i32
    %mul3A_152 = arith.muli %arg1, %mul3A_151 : i32
    %mul3A_153 = arith.constant 632 : i32
    %mul3A_154 = arith.muli %arg1, %mul3A_153 : i32
    "tpu.region"() ({
      %run_scoped3A = tpu.sem_alloc : memref<!tpu.dma_semaphore, #tpu.memory_space<semaphore_mem>>
      %dma_start3A_155 = arith.constant 0 : i32
      %dma_start3A_156 = arith.constant 0 : i32
      %dma_start3A_157 = tpu.memref_slice %arg5[%arg0, %dma_start3A_155, %dma_start3A_156] : memref<2x10112x128xf32, #tpu.memory_space<hbm>> -> memref<1x10112x128xf32, #tpu.memory_space<hbm>>
      %dma_start3A_158 = tpu.memref_squeeze %dma_start3A_157 : memref<1x10112x128xf32, #tpu.memory_space<hbm>> -> memref<10112x128xf32, #tpu.memory_space<hbm>>
      %dma_start3A_159 = arith.constant 0 : i32
      %dma_start3A_160 = tpu.memref_slice %dma_start3A_158[%mul3A_154, %dma_start3A_159] : memref<10112x128xf32, #tpu.memory_space<hbm>> -> memref<632x128xf32, #tpu.memory_space<hbm>>
      %dma_start3A_161 = arith.constant 0 : i32
      %dma_start3A_162 = tpu.memref_slice %arg12[%mul3A_152, %dma_start3A_161] : memref<10112x128xf32, #tpu.memory_space<vmem_shared>> -> memref<632x128xf32, #tpu.memory_space<vmem_shared>>
      tpu.enqueue_dma source(%dma_start3A_162 : memref<632x128xf32, #tpu.memory_space<vmem_shared>>) target(%dma_start3A_160 : memref<632x128xf32, #tpu.memory_space<hbm>>) target_semaphore(%run_scoped3A : memref<!tpu.dma_semaphore, #tpu.memory_space<semaphore_mem>>)
      %dma_wait3A_163 = arith.constant 0 : i32
      %dma_wait3A_164 = arith.constant 0 : i32
      %dma_wait3A_165 = tpu.memref_slice %arg5[%arg0, %dma_wait3A_163, %dma_wait3A_164] : memref<2x10112x128xf32, #tpu.memory_space<hbm>> -> memref<1x10112x128xf32, #tpu.memory_space<hbm>>
      %dma_wait3A_166 = tpu.memref_squeeze %dma_wait3A_165 : memref<1x10112x128xf32, #tpu.memory_space<hbm>> -> memref<10112x128xf32, #tpu.memory_space<hbm>>
      %dma_wait3A_167 = arith.constant 0 : i32
      %dma_wait3A_168 = tpu.memref_slice %dma_wait3A_166[%mul3A_154, %dma_wait3A_167] : memref<10112x128xf32, #tpu.memory_space<hbm>> -> memref<632x128xf32, #tpu.memory_space<hbm>>
      %dma_wait3A_169 = arith.constant 0 : i32
      %dma_wait3A_170 = tpu.memref_slice %arg12[%mul3A_152, %dma_wait3A_169] : memref<10112x128xf32, #tpu.memory_space<vmem_shared>> -> memref<632x128xf32, #tpu.memory_space<vmem_shared>>
      tpu.wait_dma2 semaphore(%run_scoped3A : memref<!tpu.dma_semaphore, #tpu.memory_space<semaphore_mem>>) src(%dma_wait3A_170 : memref<632x128xf32, #tpu.memory_space<vmem_shared>>) dst(%dma_wait3A_168 : memref<632x128xf32, #tpu.memory_space<hbm>>)
      tpu.yield
    }) : () -> ()
    return
  }
}

module attributes {stable_mosaic.version = 14 : i64} {
  func.func @body(%arg0: i32, %arg1: memref<1000x128xf32, #tpu.memory_space<vmem>>, %arg2: memref<128x128xf32, #tpu.memory_space<vmem>>, %arg3: memref<1000x128xf32, #tpu.memory_space<vmem>>) attributes {dimension_semantics = [#tpu.dimension_semantics<arbitrary>], iteration_bounds = array<i64: 10>, scalar_prefetch = 0 : i64, scratch_operands = 0 : i64, tpu.core_type = #tpu.core_type<tc>, window_params = [{transform_indices = @transform_0, window_bounds = array<i64: 1000, 128>}, {pipeline_mode = #tpu.pipeline_mode<synchronous>, transform_indices = @transform_1, window_bounds = array<i64: 128, 128>}, {transform_indices = @transform_2, window_bounds = array<i64: 1000, 128>}]} {
    %get3A = arith.constant 0 : index
    %get3A_0 = arith.constant 0 : index
    %get3A_1 = vector.load %arg1[%get3A, %get3A_0] : memref<1000x128xf32, #tpu.memory_space<vmem>>, vector<1000x128xf32>
    %get3A_2 = arith.constant 0 : index
    %get3A_3 = arith.constant 0 : index
    %get3A_4 = vector.load %arg2[%get3A_2, %get3A_3] : memref<128x128xf32, #tpu.memory_space<vmem>>, vector<128x128xf32>
    %dot_general3A = arith.constant dense<0.000000e+00> : vector<1000x128xf32>
    %dot_general3A_5 = tpu.matmul %get3A_1, %get3A_4, %dot_general3A {dimension_numbers = #tpu.dot_dimension_numbers<[1], [0], [0], [1], [0, 0, 1, 1], [], []>, precision = #tpu.contract_precision<fp32>, transpose_lhs_hint = false} : vector<1000x128xf32>, vector<128x128xf32>, vector<1000x128xf32> -> vector<1000x128xf32>
    %swap3A = arith.constant 0 : index
    %swap3A_6 = arith.constant 0 : index
    %swap3A_7 = vector.load %arg3[%swap3A, %swap3A_6] : memref<1000x128xf32, #tpu.memory_space<vmem>>, vector<1000x128xf32>
    tpu.vector_store %arg3[%swap3A, %swap3A_6], %dot_general3A_5 {strides = array<i32>} : memref<1000x128xf32, #tpu.memory_space<vmem>>, vector<1000x128xf32>,
    return
  }
  func.func @transform_0(%arg0: i32) -> (i32, i32) {
    %c0_i32 = arith.constant 0 : i32
    %c0_i32_0 = arith.constant 0 : i32
    return %arg0, %c0_i32 : i32, i32
  }
  func.func @transform_1(%arg0: i32) -> (i32, i32) {
    %c0_i32 = arith.constant 0 : i32
    %c0_i32_0 = arith.constant 0 : i32
    %c0_i32_1 = arith.constant 0 : i32
    return %c0_i32, %c0_i32_0 : i32, i32
  }
  func.func @transform_2(%arg0: i32) -> (i32, i32) {
    %c0_i32 = arith.constant 0 : i32
    %c0_i32_0 = arith.constant 0 : i32
    return %arg0, %c0_i32 : i32, i32
  }
}

module attributes {stable_mosaic.version = 14 : i64} {
  func.func @body(%arg0: i32, %arg1: memref<32x10112xf32, #tpu.memory_space<vmem>>, %arg2: memref<10112x1xf32, #tpu.memory_space<vmem>>) attributes {dimension_semantics = [#tpu.dimension_semantics<arbitrary>], iteration_bounds = array<i64: 1>, scalar_prefetch = 0 : i64, scratch_operands = 0 : i64, tpu.core_type = #tpu.core_type<tc>, window_params = [{pipeline_mode = #tpu.pipeline_mode<synchronous>, transform_indices = @transform_0, window_bounds = array<i64: 32, 10112>}, {pipeline_mode = #tpu.pipeline_mode<synchronous>, transform_indices = @transform_1, window_bounds = array<i64: 10112, 1>}]} {
    %get3A = arith.constant 0 : index
    %get3A_0 = arith.constant 0 : index
    %get3A_1 = vector.load %arg1[%get3A, %get3A_0] : memref<32x10112xf32, #tpu.memory_space<vmem>>, vector<32x10112xf32>
    %reduce_sum3A = arith.constant dense<0.000000e+00> : vector<10112xf32>
    %reduce_sum3A_2 = vector.multi_reduction <add>, %get3A_1, %reduce_sum3A [0] : vector<32x10112xf32> to vector<10112xf32>
    %broadcast_in_dim3A = vector.shape_cast %reduce_sum3A_2 : vector<10112xf32> to vector<1x10112xf32>
    %add3A = arith.constant 1.000000e+00 : f32
    %add3A_3 = vector.broadcast %add3A : f32 to vector<1x10112xf32>
    %add3A_4 = arith.addf %broadcast_in_dim3A, %add3A_3 : vector<1x10112xf32>
    %rsqrt3A = math.rsqrt %add3A_4 : vector<1x10112xf32>
    %reshape3A = vector.shape_cast %rsqrt3A : vector<1x10112xf32> to vector<10112x1xf32>
    %swap3A = arith.constant 0 : index
    %swap3A_5 = arith.constant 0 : index
    %swap3A_6 = vector.load %arg2[%swap3A, %swap3A_5] : memref<10112x1xf32, #tpu.memory_space<vmem>>, vector<10112x1xf32>
    tpu.vector_store %arg2[%swap3A, %swap3A_5], %reshape3A {strides = array<i32>} : memref<10112x1xf32, #tpu.memory_space<vmem>>, vector<10112x1xf32>,
    return
  }
  func.func @transform_0(%arg0: i32) -> (i32, i32) {
    %c0_i32 = arith.constant 0 : i32
    %c0_i32_0 = arith.constant 0 : i32
    %c0_i32_1 = arith.constant 0 : i32
    return %c0_i32, %c0_i32_0 : i32, i32
  }
  func.func @transform_1(%arg0: i32) -> (i32, i32) {
    %c0_i32 = arith.constant 0 : i32
    %c0_i32_0 = arith.constant 0 : i32
    %c0_i32_1 = arith.constant 0 : i32
    return %c0_i32, %c0_i32_0 : i32, i32
  }
}

module attributes {stable_mosaic.version = 14 : i64} {
  func.func @body(%arg0: i32, %arg1: memref<1000x1xf32, #tpu.memory_space<vmem>>, %arg2: memref<1000x128xf32, #tpu.memory_space<vmem>>, %arg3: memref<1000x128xf32, #tpu.memory_space<vmem>>) attributes {dimension_semantics = [#tpu.dimension_semantics<arbitrary>], iteration_bounds = array<i64: 10>, scalar_prefetch = 0 : i64, scratch_operands = 0 : i64, tpu.core_type = #tpu.core_type<tc>, window_params = [{transform_indices = @transform_0, window_bounds = array<i64: 1000, 1>}, {transform_indices = @transform_1, window_bounds = array<i64: 1000, 128>}, {transform_indices = @transform_2, window_bounds = array<i64: 1000, 128>}]} {
    %get3A = arith.constant 0 : index
    %get3A_0 = arith.constant 0 : index
    %get3A_1 = vector.load %arg2[%get3A, %get3A_0] : memref<1000x128xf32, #tpu.memory_space<vmem>>, vector<1000x128xf32>
    %get3A_2 = arith.constant 0 : index
    %get3A_3 = arith.constant 0 : index
    %get3A_4 = vector.load %arg1[%get3A_2, %get3A_3] : memref<1000x1xf32, #tpu.memory_space<vmem>>, vector<1000x1xf32>
    %mul3A = vector.broadcast %get3A_4 : vector<1000x1xf32> to vector<1000x128xf32>
    %mul3A_5 = arith.mulf %get3A_1, %mul3A : vector<1000x128xf32>
    %swap3A = arith.constant 0 : index
    %swap3A_6 = arith.constant 0 : index
    %swap3A_7 = vector.load %arg3[%swap3A, %swap3A_6] : memref<1000x128xf32, #tpu.memory_space<vmem>>, vector<1000x128xf32>
    tpu.vector_store %arg3[%swap3A, %swap3A_6], %mul3A_5 {strides = array<i32>} : memref<1000x128xf32, #tpu.memory_space<vmem>>, vector<1000x128xf32>,
    return
  }
  func.func @transform_0(%arg0: i32) -> (i32, i32) {
    %c0_i32 = arith.constant 0 : i32
    %c0_i32_0 = arith.constant 0 : i32
    return %arg0, %c0_i32 : i32, i32
  }
  func.func @transform_1(%arg0: i32) -> (i32, i32) {
    %c0_i32 = arith.constant 0 : i32
    %c0_i32_0 = arith.constant 0 : i32
    return %arg0, %c0_i32 : i32, i32
  }
  func.func @transform_2(%arg0: i32) -> (i32, i32) {
    %c0_i32 = arith.constant 0 : i32
    %c0_i32_0 = arith.constant 0 : i32
    return %arg0, %c0_i32 : i32, i32
  }
}

module attributes {stable_mosaic.version = 14 : i64} {
  func.func @body(%arg0: i32, %arg1: memref<1x1000x128xf32, #tpu.memory_space<vmem>>, %arg2: memref<1x1000x128xf32, #tpu.memory_space<vmem>>, %arg3: memref<1000x128xf32, #tpu.memory_space<vmem>>, %arg4: memref<1000x1xf32, #tpu.memory_space<vmem>>, %arg5: memref<1x128xf32, #tpu.memory_space<vmem>>, %arg6: memref<128x64xf32, #tpu.memory_space<vmem>>, %arg7: memref<1000x128xf32, #tpu.memory_space<vmem>>) attributes {dimension_semantics = [#tpu.dimension_semantics<arbitrary>], iteration_bounds = array<i64: 10>, scalar_prefetch = 0 : i64, scratch_operands = 0 : i64, tpu.core_type = #tpu.core_type<tc>, window_params = [{transform_indices = @transform_0, window_bounds = array<i64: 1, 1000, 128>}, {transform_indices = @transform_1, window_bounds = array<i64: 1, 1000, 128>}, {transform_indices = @transform_2, window_bounds = array<i64: 1000, 128>}, {transform_indices = @transform_3, window_bounds = array<i64: 1000, 1>}, {pipeline_mode = #tpu.pipeline_mode<synchronous>, transform_indices = @transform_4, window_bounds = array<i64: 1, 128>}, {pipeline_mode = #tpu.pipeline_mode<synchronous>, transform_indices = @transform_5, window_bounds = array<i64: 128, 64>}, {transform_indices = @transform_6, window_bounds = array<i64: 1000, 128>}]} {
    %get3A = arith.constant 0 : index
    %get3A_0 = arith.constant 0 : index
    %get3A_1 = vector.load %arg4[%get3A, %get3A_0] : memref<1000x1xf32, #tpu.memory_space<vmem>>, vector<1000x1xf32>
    %get3A_2 = arith.constant 0 : index
    %get3A_3 = arith.constant 0 : index
    %get3A_4 = arith.constant 0 : index
    %get3A_5 = vector.load %arg1[%get3A_2, %get3A_3, %get3A_4] : memref<1x1000x128xf32, #tpu.memory_space<vmem>>, vector<1x1000x128xf32>
    %get3A_6 = vector.shape_cast %get3A_5 : vector<1x1000x128xf32> to vector<1000x128xf32>
    %get3A_7 = arith.constant 0 : index
    %get3A_8 = arith.constant 0 : index
    %get3A_9 = arith.constant 0 : index
    %get3A_10 = vector.load %arg2[%get3A_7, %get3A_8, %get3A_9] : memref<1x1000x128xf32, #tpu.memory_space<vmem>>, vector<1x1000x128xf32>
    %get3A_11 = vector.shape_cast %get3A_10 : vector<1x1000x128xf32> to vector<1000x128xf32>
    %add3A = arith.addf %get3A_6, %get3A_11 : vector<1000x128xf32>
    %get3A_12 = arith.constant 0 : index
    %get3A_13 = arith.constant 0 : index
    %get3A_14 = vector.load %arg3[%get3A_12, %get3A_13] : memref<1000x128xf32, #tpu.memory_space<vmem>>, vector<1000x128xf32>
    %add3A_15 = arith.addf %add3A, %get3A_14 : vector<1000x128xf32>
    %mul3A = vector.broadcast %get3A_1 : vector<1000x1xf32> to vector<1000x128xf32>
    %mul3A_16 = arith.mulf %mul3A, %add3A_15 : vector<1000x128xf32>
    %get3A_17 = arith.constant 0 : index
    %get3A_18 = arith.constant 0 : index
    %get3A_19 = vector.load %arg5[%get3A_17, %get3A_18] : memref<1x128xf32, #tpu.memory_space<vmem>>, vector<1x128xf32>
    %add3A_20 = vector.broadcast %get3A_19 : vector<1x128xf32> to vector<1000x128xf32>
    %add3A_21 = arith.addf %mul3A_16, %add3A_20 : vector<1000x128xf32>
    %max3A = arith.constant 0.000000e+00 : f32
    %max3A_22 = vector.broadcast %max3A : f32 to vector<1000x128xf32>
    %max3A_23 = arith.maximumf %add3A_21, %max3A_22 : vector<1000x128xf32>
    %get3A_24 = arith.constant 0 : index
    %get3A_25 = arith.constant 0 : index
    %get3A_26 = vector.load %arg6[%get3A_24, %get3A_25] : memref<128x64xf32, #tpu.memory_space<vmem>>, vector<128x64xf32>
    %dot_general3A = arith.constant dense<0.000000e+00> : vector<1000x64xf32>
    %dot_general3A_27 = tpu.matmul %max3A_23, %get3A_26, %dot_general3A {dimension_numbers = #tpu.dot_dimension_numbers<[1], [0], [0], [1], [0, 0, 1, 1], [], []>, precision = #tpu.contract_precision<fp32>, transpose_lhs_hint = false} : vector<1000x128xf32>, vector<128x64xf32>, vector<1000x64xf32> -> vector<1000x64xf32>
    %mul3A_28 = vector.broadcast %get3A_1 : vector<1000x1xf32> to vector<1000x64xf32>
    %mul3A_29 = arith.mulf %mul3A_28, %dot_general3A_27 : vector<1000x64xf32>
    %broadcast_in_dim3A = arith.constant 0.000000e+00 : f32
    %broadcast_in_dim3A_30 = vector.broadcast %broadcast_in_dim3A : f32 to vector<1000x64xf32>
    %concatenate3A = tpu.concatenate %mul3A_29, %broadcast_in_dim3A_30 in 1 : vector<1000x64xf32>, vector<1000x64xf32> -> vector<1000x128xf32>
    %swap3A = arith.constant 0 : index
    %swap3A_31 = arith.constant 0 : index
    %swap3A_32 = vector.load %arg7[%swap3A, %swap3A_31] : memref<1000x128xf32, #tpu.memory_space<vmem>>, vector<1000x128xf32>
    tpu.vector_store %arg7[%swap3A, %swap3A_31], %concatenate3A {strides = array<i32>} : memref<1000x128xf32, #tpu.memory_space<vmem>>, vector<1000x128xf32>,
    return
  }
  func.func @transform_0(%arg0: i32) -> (i32, i32, i32) {
    %c0_i32 = arith.constant 0 : i32
    %c0_i32_0 = arith.constant 0 : i32
    %c0_i32_1 = arith.constant 0 : i32
    return %c0_i32, %arg0, %c0_i32_0 : i32, i32, i32
  }
  func.func @transform_1(%arg0: i32) -> (i32, i32, i32) {
    %c1_i32 = arith.constant 1 : i32
    %c0_i32 = arith.constant 0 : i32
    %c0_i32_0 = arith.constant 0 : i32
    return %c1_i32, %arg0, %c0_i32 : i32, i32, i32
  }
  func.func @transform_2(%arg0: i32) -> (i32, i32) {
    %c0_i32 = arith.constant 0 : i32
    %c0_i32_0 = arith.constant 0 : i32
    return %arg0, %c0_i32 : i32, i32
  }
  func.func @transform_3(%arg0: i32) -> (i32, i32) {
    %c0_i32 = arith.constant 0 : i32
    %c0_i32_0 = arith.constant 0 : i32
    return %arg0, %c0_i32 : i32, i32
  }
  func.func @transform_4(%arg0: i32) -> (i32, i32) {
    %c0_i32 = arith.constant 0 : i32
    %c0_i32_0 = arith.constant 0 : i32
    %c0_i32_1 = arith.constant 0 : i32
    return %c0_i32, %c0_i32_0 : i32, i32
  }
  func.func @transform_5(%arg0: i32) -> (i32, i32) {
    %c0_i32 = arith.constant 0 : i32
    %c0_i32_0 = arith.constant 0 : i32
    %c0_i32_1 = arith.constant 0 : i32
    return %c0_i32, %c0_i32_0 : i32, i32
  }
  func.func @transform_6(%arg0: i32) -> (i32, i32) {
    %c0_i32 = arith.constant 0 : i32
    %c0_i32_0 = arith.constant 0 : i32
    return %arg0, %c0_i32 : i32, i32
  }
}

module attributes {stable_mosaic.version = 14 : i64} {
  func.func @body(%arg0: i32, %arg1: memref<1x1000x128xf32, #tpu.memory_space<vmem>>, %arg2: memref<1x1000x128xf32, #tpu.memory_space<vmem>>, %arg3: memref<1000x128xf32, #tpu.memory_space<vmem>>, %arg4: memref<1000x1xf32, #tpu.memory_space<vmem>>, %arg5: memref<1x64xf32, #tpu.memory_space<vmem>>, %arg6: memref<1000x64xf32, #tpu.memory_space<vmem>>, %arg7: memref<1x64xf32, #tpu.memory_space<vmem>>) attributes {dimension_semantics = [#tpu.dimension_semantics<arbitrary>], iteration_bounds = array<i64: 10>, scalar_prefetch = 0 : i64, scratch_operands = 0 : i64, tpu.core_type = #tpu.core_type<tc>, window_params = [{transform_indices = @transform_0, window_bounds = array<i64: 1, 1000, 128>}, {transform_indices = @transform_1, window_bounds = array<i64: 1, 1000, 128>}, {transform_indices = @transform_2, window_bounds = array<i64: 1000, 128>}, {transform_indices = @transform_3, window_bounds = array<i64: 1000, 1>}, {pipeline_mode = #tpu.pipeline_mode<synchronous>, transform_indices = @transform_4, window_bounds = array<i64: 1, 64>}, {transform_indices = @transform_5, window_bounds = array<i64: 1000, 64>}, {pipeline_mode = #tpu.pipeline_mode<synchronous>, transform_indices = @transform_6, window_bounds = array<i64: 1, 64>}]} {
    %get3A = arith.constant 0 : index
    %get3A_0 = arith.constant 0 : index
    %get3A_1 = arith.constant 0 : index
    %get3A_2 = vector.load %arg1[%get3A, %get3A_0, %get3A_1] : memref<1x1000x128xf32, #tpu.memory_space<vmem>>, vector<1x1000x128xf32>
    %get3A_3 = vector.shape_cast %get3A_2 : vector<1x1000x128xf32> to vector<1000x128xf32>
    %get3A_4 = arith.constant 0 : index
    %get3A_5 = arith.constant 0 : index
    %get3A_6 = arith.constant 0 : index
    %get3A_7 = vector.load %arg2[%get3A_4, %get3A_5, %get3A_6] : memref<1x1000x128xf32, #tpu.memory_space<vmem>>, vector<1x1000x128xf32>
    %get3A_8 = vector.shape_cast %get3A_7 : vector<1x1000x128xf32> to vector<1000x128xf32>
    %add3A = arith.addf %get3A_3, %get3A_8 : vector<1000x128xf32>
    %get3A_9 = arith.constant 0 : index
    %get3A_10 = arith.constant 0 : index
    %get3A_11 = vector.load %arg3[%get3A_9, %get3A_10] : memref<1000x128xf32, #tpu.memory_space<vmem>>, vector<1000x128xf32>
    %add3A_12 = arith.addf %add3A, %get3A_11 : vector<1000x128xf32>
    %slice3A = vector.extract_strided_slice %add3A_12 {offsets = [0, 0], sizes = [1000, 64], strides = [1, 1]} : vector<1000x128xf32> to vector<1000x64xf32>
    %get3A_13 = arith.constant 0 : index
    %get3A_14 = arith.constant 0 : index
    %get3A_15 = vector.load %arg4[%get3A_13, %get3A_14] : memref<1000x1xf32, #tpu.memory_space<vmem>>, vector<1000x1xf32>
    %mul3A = vector.broadcast %get3A_15 : vector<1000x1xf32> to vector<1000x64xf32>
    %mul3A_16 = arith.mulf %mul3A, %slice3A : vector<1000x64xf32>
    %get3A_17 = arith.constant 0 : index
    %get3A_18 = arith.constant 0 : index
    %get3A_19 = vector.load %arg5[%get3A_17, %get3A_18] : memref<1x64xf32, #tpu.memory_space<vmem>>, vector<1x64xf32>
    %add3A_20 = vector.broadcast %get3A_19 : vector<1x64xf32> to vector<1000x64xf32>
    %add3A_21 = arith.addf %mul3A_16, %add3A_20 : vector<1000x64xf32>
    %swap3A = arith.constant 0 : index
    %swap3A_22 = arith.constant 0 : index
    %swap3A_23 = vector.load %arg6[%swap3A, %swap3A_22] : memref<1000x64xf32, #tpu.memory_space<vmem>>, vector<1000x64xf32>
    tpu.vector_store %arg6[%swap3A, %swap3A_22], %add3A_21 {strides = array<i32>} : memref<1000x64xf32, #tpu.memory_space<vmem>>, vector<1000x64xf32>,
    %eq3A = arith.constant 0 : i32
    %eq3A_24 = arith.cmpi eq, %arg0, %eq3A : i32
    %convert_element_type3A = arith.extui %eq3A_24 : i1 to i32
    %cond3A = arith.constant 0 : i32
    %cond3A_25 = arith.cmpi ne, %convert_element_type3A, %cond3A : i32
    scf.if %cond3A_25 {
      %broadcast_in_dim3A_35 = arith.constant 0.000000e+00 : f32
      %broadcast_in_dim3A_36 = vector.broadcast %broadcast_in_dim3A_35 : f32 to vector<1x64xf32>
      %swap3A_37 = arith.constant 0 : index
      %swap3A_38 = arith.constant 0 : index
      %swap3A_39 = vector.load %arg7[%swap3A_37, %swap3A_38] : memref<1x64xf32, #tpu.memory_space<vmem>>, vector<1x64xf32>
      tpu.vector_store %arg7[%swap3A_37, %swap3A_38], %broadcast_in_dim3A_36 {strides = array<i32>} : memref<1x64xf32, #tpu.memory_space<vmem>>, vector<1x64xf32>,
    } else {
    }
    %get3A_26 = arith.constant 0 : index
    %get3A_27 = arith.constant 0 : index
    %get3A_28 = vector.load %arg7[%get3A_26, %get3A_27] : memref<1x64xf32, #tpu.memory_space<vmem>>, vector<1x64xf32>
    %mul3A_29 = arith.mulf %add3A_21, %add3A_21 : vector<1000x64xf32>
    %reduce_sum3A = arith.constant dense<0.000000e+00> : vector<64xf32>
    %reduce_sum3A_30 = vector.multi_reduction <add>, %mul3A_29, %reduce_sum3A [0] : vector<1000x64xf32> to vector<64xf32>
    %broadcast_in_dim3A = vector.shape_cast %reduce_sum3A_30 : vector<64xf32> to vector<1x64xf32>
    %add3A_31 = arith.addf %get3A_28, %broadcast_in_dim3A : vector<1x64xf32>
    %swap3A_32 = arith.constant 0 : index
    %swap3A_33 = arith.constant 0 : index
    %swap3A_34 = vector.load %arg7[%swap3A_32, %swap3A_33] : memref<1x64xf32, #tpu.memory_space<vmem>>, vector<1x64xf32>
    tpu.vector_store %arg7[%swap3A_32, %swap3A_33], %add3A_31 {strides = array<i32>} : memref<1x64xf32, #tpu.memory_space<vmem>>, vector<1x64xf32>,
    return
  }
  func.func @transform_0(%arg0: i32) -> (i32, i32, i32) {
    %c0_i32 = arith.constant 0 : i32
    %c0_i32_0 = arith.constant 0 : i32
    %c0_i32_1 = arith.constant 0 : i32
    return %c0_i32, %arg0, %c0_i32_0 : i32, i32, i32
  }
  func.func @transform_1(%arg0: i32) -> (i32, i32, i32) {
    %c1_i32 = arith.constant 1 : i32
    %c0_i32 = arith.constant 0 : i32
    %c0_i32_0 = arith.constant 0 : i32
    return %c1_i32, %arg0, %c0_i32 : i32, i32, i32
  }
  func.func @transform_2(%arg0: i32) -> (i32, i32) {
    %c0_i32 = arith.constant 0 : i32
    %c0_i32_0 = arith.constant 0 : i32
    return %arg0, %c0_i32 : i32, i32
  }
  func.func @transform_3(%arg0: i32) -> (i32, i32) {
    %c0_i32 = arith.constant 0 : i32
    %c0_i32_0 = arith.constant 0 : i32
    return %arg0, %c0_i32 : i32, i32
  }
  func.func @transform_4(%arg0: i32) -> (i32, i32) {
    %c0_i32 = arith.constant 0 : i32
    %c0_i32_0 = arith.constant 0 : i32
    %c0_i32_1 = arith.constant 0 : i32
    return %c0_i32, %c0_i32_0 : i32, i32
  }
  func.func @transform_5(%arg0: i32) -> (i32, i32) {
    %c0_i32 = arith.constant 0 : i32
    %c0_i32_0 = arith.constant 0 : i32
    return %arg0, %c0_i32 : i32, i32
  }
  func.func @transform_6(%arg0: i32) -> (i32, i32) {
    %c0_i32 = arith.constant 0 : i32
    %c0_i32_0 = arith.constant 0 : i32
    %c0_i32_1 = arith.constant 0 : i32
    return %c0_i32, %c0_i32_0 : i32, i32
  }
}

module attributes {stable_mosaic.version = 14 : i64} {
  func.func @body(%arg0: i32, %arg1: memref<1000x64xf32, #tpu.memory_space<vmem>>, %arg2: memref<1x64xf32, #tpu.memory_space<vmem>>, %arg3: memref<1000x64xf32, #tpu.memory_space<vmem>>) attributes {dimension_semantics = [#tpu.dimension_semantics<arbitrary>], iteration_bounds = array<i64: 10>, scalar_prefetch = 0 : i64, scratch_operands = 0 : i64, tpu.core_type = #tpu.core_type<tc>, window_params = [{transform_indices = @transform_0, window_bounds = array<i64: 1000, 64>}, {pipeline_mode = #tpu.pipeline_mode<synchronous>, transform_indices = @transform_1, window_bounds = array<i64: 1, 64>}, {transform_indices = @transform_2, window_bounds = array<i64: 1000, 64>}]} {
    %get3A = arith.constant 0 : index
    %get3A_0 = arith.constant 0 : index
    %get3A_1 = vector.load %arg2[%get3A, %get3A_0] : memref<1x64xf32, #tpu.memory_space<vmem>>, vector<1x64xf32>
    %sqrt3A = math.sqrt %get3A_1 : vector<1x64xf32>
    %max3A = arith.constant 9.99999996E-13 : f32
    %max3A_2 = vector.broadcast %max3A : f32 to vector<1x64xf32>
    %max3A_3 = arith.maximumf %sqrt3A, %max3A_2 : vector<1x64xf32>
    %div3A = arith.constant 1.000000e+00 : f32
    %div3A_4 = vector.broadcast %div3A : f32 to vector<1x64xf32>
    %div3A_5 = arith.divf %div3A_4, %max3A_3 : vector<1x64xf32>
    %get3A_6 = arith.constant 0 : index
    %get3A_7 = arith.constant 0 : index
    %get3A_8 = vector.load %arg1[%get3A_6, %get3A_7] : memref<1000x64xf32, #tpu.memory_space<vmem>>, vector<1000x64xf32>
    %mul3A = vector.broadcast %div3A_5 : vector<1x64xf32> to vector<1000x64xf32>
    %mul3A_9 = arith.mulf %get3A_8, %mul3A : vector<1000x64xf32>
    %swap3A = arith.constant 0 : index
    %swap3A_10 = arith.constant 0 : index
    %swap3A_11 = vector.load %arg3[%swap3A, %swap3A_10] : memref<1000x64xf32, #tpu.memory_space<vmem>>, vector<1000x64xf32>
    tpu.vector_store %arg3[%swap3A, %swap3A_10], %mul3A_9 {strides = array<i32>} : memref<1000x64xf32, #tpu.memory_space<vmem>>, vector<1000x64xf32>,
    return
  }
  func.func @transform_0(%arg0: i32) -> (i32, i32) {
    %c0_i32 = arith.constant 0 : i32
    %c0_i32_0 = arith.constant 0 : i32
    return %arg0, %c0_i32 : i32, i32
  }
  func.func @transform_1(%arg0: i32) -> (i32, i32) {
    %c0_i32 = arith.constant 0 : i32
    %c0_i32_0 = arith.constant 0 : i32
    %c0_i32_1 = arith.constant 0 : i32
    return %c0_i32, %c0_i32_0 : i32, i32
  }
  func.func @transform_2(%arg0: i32) -> (i32, i32) {
    %c0_i32 = arith.constant 0 : i32
    %c0_i32_0 = arith.constant 0 : i32
    return %arg0, %c0_i32 : i32, i32
  }
}

</mosaic_0001>

<sc_bundles>
// kernel: kernel.11.cloned.1.call-start
scs
__scs_entry_jumppad:
0x0: {  	(pc) =	sbr.rel $0x88, $3  }
0x1: {  	(tag) =	ssettag $0x0;
	lr =	simm.s32 $0x1  }
0x2: {  	[smem:$0x3F9B] =	sst lr;
	_ =	strace $0xD0000000  }
0x3: {  	_ = 	snop  }
0x4: {  	_ = 	snop  }
0x5: {  	_ = 	snop  }
0x6: {  	_ = 	snop  }
0x7: {  	_ = 	snop  }
__scs_overlays_trampoline_lowered:
0x8: {  	[smem:$0x3FAA] =	sst s0  }
0x9: {  	[smem:$0x3FAB] =	sst s1  }
0xa: {  	[smem:$0x3FAC] =	sst s2  }
0xb: {  	[smem:$0x3FAD] =	sst s3  }
0xc: {  	[smem:$0x3FAE] =	sst s4  }
0xd: {  	[smem:$0x3FAF] =	sst s5  }
0xe: {  	[smem:$0x3FB0] =	sst s6  }
0xf: {  	[smem:$0x3FB1] =	sst s7  }
0x10: {  	[smem:$0x3FB2] =	sst s8  }
0x11: {  	[smem:$0x3FB3] =	sst s9;
	s0 =	simm.s32 @!p0 $0x0  }
0x12: {  	s1 =	sld [smem:$0x3F99];
	s0 =	simm.s32 @p0 $0x1  }
0x13: {  	[smem:$0x3FB4] =	sst s0;
	s0 =	simm.s32 @!p1 $0x0  }
0x14: {  	s2 =	sld [smem:$0x3F98];
	s0 =	simm.s32 @p1 $0x1  }
0x15: {  	[smem:$0x3FB5] =	sst s0;
	s0 =	simm.s32 @!p2 $0x0  }
0x16: {  	s3 =	sld [smem:$0x3FDB];
	s0 =	simm.s32 @p2 $0x1  }
0x17: {  	s4 =	simm.s32 $0x1BF5;
	[smem:$0x3FB7] =	sst s0  }
0x18: {  	s0 =	sld [smem:$0x3F9A];
	_ =	swait.ge [sflag:s4], $0x0  }
0x19: {  	s7 =	sld [smem:$0x3F9B]  }
0x1a: {  	s8 =	sadd.s32 $0xFFFFE003, lr  }
0x1b: {  	s9 =	sadd.s32 $0xFFFFFEF7, lr;
	s5 =	simm.s32 $0xFFFFFFFF;
	p2 =	slt.u32 s8, $0xFFFFF086  }
0x1c: {  	p1 =	slt.u32 s9, $0xF7A;
	s5 =	simm.s32 @!p2 $0x0  }
0x1d: {  	s5 =	simm.s32 @p1 $0x1;
	p0 =	seq.s32 s7, s2  }
0x1e: {  	s7 =	smul.u32 @!p0 $0xF7A, s2;
	p2 =	seq.s32 @!p0 s5, $0x0  }
0x1f: {  	s9 =	smul.u32 $0xF7A, s1;
	s8 =	simm.s32 @!p0 $0x1BF5;
	p2 =	por !p2, p0  }
0x20: {  	[sflag:s8] =	ssyncset.s32 @!p0 $0xFFFFF086;
	s6 =	sadd.s32 @!p0 s3, s7;
	s7 =	simm.s32 @!p0 $0x108  }
0x21: {  	s3 =	sadd.s32 s3, s9;
	s6 =	sadd.s32 @!p0 $0x88, s6;
	s7 =	simm.s32 @p2 $0x1082  }
0x22: {  	[simem:s7], [sflag:s8] =	dma.local @!p0 [hbm:s6], $0xF7A  }
0x23: {  	s9 =	sor.u32 $0xD0000000, s2;
	s6 =	simm.s32 $0x108;
	_ =	swait.ge @!p0 [sflag:s8], $0x0  }
0x24: {  	s3 =	sadd.s32 $0x88, s3;
	s6 =	simm.s32 @!p1 $0x1082;
	[sflag:s4] =	ssyncset.s32 $0xFFFFF086  }
0x25: {  	[simem:s6], [sflag:s4] =	dma.local [hbm:s3], $0xF7A  }
0x26: {  	[smem:$0x3F9B] =	sst s1;
	(tag) =	ssettag s2;
	_ =	strace s9  }
0x27: {  	s1 =	sld [smem:$0x3FAB]  }
0x28: {  	s2 =	sld [smem:$0x3FAC]  }
0x29: {  	s4 =	sld [smem:$0x3FAE]  }
0x2a: {  	p0 =	seq.s32 s5, $0x0;
	s5 =	sld [smem:$0x3FAF]  }
0x2b: {  	s6 =	sld [smem:$0x3FB0]  }
0x2c: {  	s7 =	sld [smem:$0x3FB1]  }
0x2d: {  	s3 =	simm.s32 $0x108;
	s8 =	sld [smem:$0x3FB2]  }
0x2e: {  	s3 =	simm.s32 @!p0 $0x1082;
	s9 =	sld [smem:$0x3FB3]  }
0x2f: {  	lr =	sadd.s32 s0, s3;
	s0 =	sld [smem:$0x3FAA]  }
0x30: {  	s3 =	sld [smem:$0x3FAD]  }
0x31: {  	[smem:$0x3FB6] =	sst s10  }
0x32: {  	s10 =	sld [smem:$0x3FB4];
	_ =	sdelay $0x3  }
0x33: {  	p0 =	seq.s32 s10, $0x1;
	s10 =	sld [smem:$0x3FB6];
	_ =	sdelay $0x3  }
0x34: {  	[smem:$0x3FB6] =	sst s10  }
0x35: {  	s10 =	sld [smem:$0x3FB5];
	_ =	sdelay $0x3  }
0x36: {  	p1 =	seq.s32 s10, $0x1;
	s10 =	sld [smem:$0x3FB6];
	_ =	sdelay $0x3  }
0x37: {  	[smem:$0x3FB6] =	sst s10  }
0x38: {  	s10 =	sld [smem:$0x3FB7]  }
0x39: {  	_ = 	snop;
	(pc) =	sbr.ind lr, $3  }
0x3a: {  	_ = 	snop  }
0x3b: {  	_ = 	snop  }
0x3c: {  	p2 =	seq.s32 s10, $0x1;
	s10 =	sld [smem:$0x3FB6]  }
0x3d: {  	_ =	shalt  }
0x3e: {  	_ =	shalt  }
0x3f: {  	_ =	shalt  }
0x40: {  	_ =	shalt  }
0x41: {  	_ =	shalt  }
0x42: {  	_ =	shalt  }
0x43: {  	_ =	shalt  }
0x44: {  	_ =	shalt  }
0x45: {  	_ =	shalt  }
0x46: {  	_ =	shalt  }
0x47: {  	_ =	shalt  }
0x48: {  	_ =	shalt  }
0x49: {  	_ =	shalt  }
0x4a: {  	_ =	shalt  }
0x4b: {  	_ =	shalt  }
0x4c: {  	_ =	shalt  }
0x4d: {  	_ =	shalt  }
0x4e: {  	_ =	shalt  }
0x4f: {  	_ =	shalt  }
0x50: {  	_ =	shalt  }
0x51: {  	_ =	shalt  }
0x52: {  	_ =	shalt  }
0x53: {  	_ =	shalt  }
0x54: {  	_ =	shalt  }
0x55: {  	_ =	shalt  }
0x56: {  	_ =	shalt  }
0x57: {  	_ =	shalt  }
0x58: {  	_ =	shalt  }
0x59: {  	_ =	shalt  }
0x5a: {  	_ =	shalt  }
0x5b: {  	_ =	shalt  }
0x5c: {  	_ =	shalt  }
0x5d: {  	_ =	shalt  }
0x5e: {  	_ =	shalt  }
0x5f: {  	_ =	shalt  }
0x60: {  	_ =	shalt  }
0x61: {  	_ =	shalt  }
0x62: {  	_ =	shalt  }
0x63: {  	_ =	shalt  }
0x64: {  	_ =	shalt  }
0x65: {  	_ =	shalt  }
0x66: {  	_ =	shalt  }
0x67: {  	_ =	shalt  }
0x68: {  	_ =	shalt  }
0x69: {  	_ =	shalt  }
0x6a: {  	_ =	shalt  }
0x6b: {  	_ =	shalt  }
0x6c: {  	_ =	shalt  }
0x6d: {  	_ =	shalt  }
0x6e: {  	_ =	shalt  }
0x6f: {  	_ =	shalt  }
0x70: {  	_ =	shalt  }
0x71: {  	_ =	shalt  }
0x72: {  	_ =	shalt  }
0x73: {  	_ =	shalt  }
0x74: {  	_ =	shalt  }
0x75: {  	_ =	shalt  }
0x76: {  	_ =	shalt  }
0x77: {  	_ =	shalt  }
0x78: {  	_ =	shalt  }
0x79: {  	_ =	shalt  }
0x7a: {  	_ =	shalt  }
0x7b: {  	_ =	shalt  }
0x7c: {  	_ =	shalt  }
0x7d: {  	_ =	shalt  }
0x7e: {  	_ =	shalt  }
0x7f: {  	_ =	shalt  }
0x80: {  	_ =	shalt  }
0x81: {  	_ =	shalt  }
0x82: {  	_ =	shalt  }
0x83: {  	_ =	shalt  }
0x84: {  	_ =	shalt  }
0x85: {  	_ =	shalt  }
0x86: {  	_ =	shalt  }
0x87: {  	_ =	shalt  }
.Lfunc_end0:
.L_simem_size_0:
called_computation_lowered:
.L_overlay_start_0:
0x88: {  	s2 =	sld [smem:$0x3FD9]  }
0x89: {  	s3 =	sld [smem:$0x3FFE];
	_ =	sdelay $0x1  }
0x8a: {  	s1 =	srdreg.scid  }
0x8b: {  	s0 =	sand.u32 $0x1, s1  }
0x8c: {  	s18 =	sshll.u32 s0, $0xA;
	s2 =	sadd.s32 s3, s2  }
0x8d: {  	s2 =	sadd.s32 s2, s18  }
0x8e: {  	[smem:$0x3FC2] =	sst s2  }
0x8f: {  	_ = 	snop  }
0x90: {  	s2 =	sld [smem:$0x3FC8]  }
0x91: {  	s19 =	sld [smem:$0x3FD0];
	(tm) =	ssettm $0x1  }
0x92: {  	s4 =	sld [smem:$0x3FFB];
	_ =	sdelay $0x3  }
0x93: {  	_ =	strace s4  }
0x94: {  	s4 =	sld [smem:$0x3FFC];
	_ =	sdelay $0x3  }
0x95: {  	_ =	strace s4  }
0x96: {  	s4 =	sld [smem:$0x3FFD];
	_ =	sdelay $0x3  }
0x97: {  	_ =	strace s4  }
0x98: {  	_ =	strace $0x8FFFFFFF  }
0x99: {  	s20 =	sld [smem:$0x3FDB];
	_ =	sdelay $0x1  }
0x9a: {  	s5 =	simm.s32 $_scs_section_size  }
0x9b: {  	s6 =	simm.s32 $_size__tile_overlayer_lowered;
	s7 =	simm.s32 $_tile_overlayer_lowered  }
0x9c: {  	s23 =	simm.s32 $0x1BFF;
	s22 =	sshll.u32 s7, $0x1;
	s4 =	sadd.s32 s5, s20  }
0x9d: {  	s8 =	simm.s32 $0x0;
	s21 =	sshll.u32 s6, $0x1;
	s6 =	sadd.s32 s22, s4  }
0x9e: {  	[timem:s8], [sflag:s23] =	dma.local [hbm:s6], s21  }
0x9f: {  	_ =	swait.ge [sflag:s23], s21  }
0xa0: {  	s5 =	ssub.s32 $0x0, s21;
	[sflag:s23] =	ssyncset.done $0x0  }
0xa1: {  	[sflag:s23] =	ssyncadd.s32 s5;
	_ =	sdelay $0x1  }
0xa2: {  	s24 =	simm.s32 $0x1B8B  }
0xa3: {  	_ =	swait.ge [sflag:s24], $0x1  }
0xa4: {  	[sflag:s24] =	ssyncset.done $0x0  }
0xa5: {  	s25 =	simm.s32 $0x1B8E;
	[sflag:s24] =	ssyncadd.s32 $0xFFFFFFFF  }
0xa6: {  	s26 =	simm.s32 $execute0_lowered;
	[smem:$0x3FD2] =	sst s25  }
0xa7: {  	s5 =	sshll.u32 s26, $0x1;
	_ =	strace $0x80000046;
	[dreg:$0x1] =	wrdreg $0xFFFFFFFF  }
0xa8: {  	s28 =	simm.s32 $_size_execute0_lowered;
	s4 =	sadd.s32 s4, s5;
	[dreg:$0x0] =	wrdreg $0x0  }
0xa9: {  	s5 =	sshll.u32 s28, $0x1;
	[dreg:$0x2] =	wrdreg s4  }
0xaa: {  	[dreg:$0x3] =	wrdreg s5  }
0xab: {  	[dreg:$0x4] =	wrdreg $0xC0  }
0xac: {  	_ =	task [dreg:s8], $0x5FFFF  }
0xad: {  	[dreg:$0x1] =	wrdreg $0xFFFFFFFF  }
0xae: {  	[dreg:$0x0] =	wrdreg $0x60  }
0xaf: {  	[dreg:$0x2] =	wrdreg s2  }
0xb0: {  	[dreg:$0x3] =	wrdreg s19  }
0xb1: {  	[dreg:$0x4] =	wrdreg $0x9  }
0xb2: {  	_ =	task.clear_ibuf [dreg:s8], $0x5FFFF;
	_ =	strace $0x90000046  }
0xb3: {  	s29 =	simm.s32 $0x9;
	_ =	strace $0x80000048  }
0xb4: {  	_ =	swait.ge [sflag:s29], $0x1  }
0xb5: {  	[sflag:s29] =	ssyncadd.s32 $0xFFFFFFFF  }
0xb6: {  	_ =	strace $0x90000048  }
0xb7: {  	_ =	sfence  }
0xb8: {  	s30 =	sld [smem:$0x0];
	_ =	sdelay $0x2  }
0xb9: {  	s31 =	sshll.u32 s1, $0xD;
	s1 =	sshrl.u32 s1, $0x2  }
0xba: {  	s3 =	sand.u32 $0x4000, s31;
	s1 =	sadd.s32 s1, s30  }
0xbb: {  	s0 =	sor.u32 s3, s0;
	s1 =	sshll.u32 s1, $0x11  }
0xbc: {  	s0 =	sor.u32 s1, s0  }
0xbd: {  	s0 =	sadd.s32 $0x8F2B, s0  }
0xbe: {  	[sflag:s0] =	ssyncadd.remote.s32 $0x1  }
0xbf: {  	_ =	sfence.sel $0xFFFF  }
0xc0: {  	[dreg:$0x0] =	wrdreg $0xFFFFFFFF;
	(pc) =	sbr.abs _section_cstart, $3  }
0xc1: {  	[dreg:$0x1] =	wrdreg $0xFFFFFFFF  }
0xc2: {  	_ =	task.clear_ibuf [dreg:s8], $0x2FFFF;
	_ =	strace $0x9FFFFFFF  }
0xc3: {  	(tm) =	ssettm $0x7FFFFFFF  }
tec
execute0_lowered:
.L_overlay_start_1:
0x0: {  	(tag) =	ssettag $0x1  }
0x1: {  	s7 =	rddreg [dreg:$0x0]  }
0x2: {  	s4 =	rddreg [dreg:$0x1]  }
0x3: {  	s1 =	srdreg.scid;
	s0 =	rddreg [dreg:$0x2]  }
0x4: {  	s2 =	simm.s32 $0x0;
	s11 =	simm.s32 $0x1;
	s3 =	sand.u32 $0x1, s1  }
0x5: {  	s1 =	stileid.u32;
	[smem:$0x7FF] =	sst s2;
	s5 =	sshll.u32 s3, $0x4  }
0x6: {  	_ =	strace $0x80000047;
	s3 =	ssub.s32 $0x2, s3;
	s9 =	sshll.u32 s1, $0x7  }
0x7: {  	s8 =	sor.u32 s1, s5;
	s6 =	sshrl.u32 s3, $0x1;
	s9 =	sand.u32 $0x380, s9  }
0x8: {  	s5 =	sshrl.u32 s8, $0x3;
	s6 =	ssub.s32 s3, s6;
	s10 =	smul.u32 $0xA00, s8  }
0x9: {  	p0 =	seq.s32 s8, $0x1F;
	s3 =	simm.s32 $0xA0;
	s5 =	smul.u32 $0x13C00, s5  }
0xa: {  	s3 =	simm.s32 @!p0 $0x280;
	p0 =	sne.s32 s8, $0x1F;
	s8 =	simm.s32 $0x2800  }
0xb: {  	s31 =	sadd.s32 s10, s7;
	s7 =	sadd.s32 $0x13610, s7;
	s5 =	sor.u32 s9, s5  }
0xc: {  	s10 =	simm.s32 $0x400;
	s9 =	simm.s32 $0x80;
	s5 =	sshrl.u32 s5, $0x3  }
0xd: {  	v0 =	vimm.f32 $0.0e+00;
	v1 =	vimm.f32 $1.000000000e+00;
	s4 =	sadd.s32 s4, s5;
	s5 =	smax.u32 s6, $0x1;
	s6 =	sadd.s32 $0x10, s31  }
.LBB2_1:
0xe: {  	s12 =	simm.s32 $0x40;
	s13 =	simm.s32 $0x0  }
.LBB2_2:
0xf: {  	p1 =	sne.s32 s12, $0x9DC0;
	[tilespmem:s13+$0x2800] =	vst v0;
	s13 =	smov.u32 s12;
	s12 =	sadd.s32 $0x40, s12  }
.Ltmp0:
0x10: {  	(pc) =	sbr.rel @p1 .LBB2_2-.Ltmp0, $2  }
0x11: {  	_ =	sdelay $0x2  }
0x12: {  	s13 =	sshra.s32 s13, $0x2  }
0x13: {  	[tilespmem:s13+$0x2800] =	vst v0;
	s12 =	simm.s32 @p0 $0x80;
	s13 =	simm.s32 @p0 $0x100;
	s14 =	simm.s32 @p0 $0x0  }
0x14: {  	[tilespmem:s14], [sflag:$0x1] =	stream.strided.gather @p0 [hbm4b:s6+s12], $0x2800, s13, s12, $0x38;
	[tilespmem:$0x4F80] =	vst v63  }
0x15: {  	s12 =	simm.s32 @p0 $0x1  }
0x16: {  	_ =	swait.ge @p0 [sflag:s12], $0x2800  }
0x17: {  	p1 =	sne.s32 s3, $0x1;
	s13 =	simm.s32 @!p0 $0x100;
	[sflag:s12] =	ssyncset.done @p0 $0x0  }
0x18: {  	s14 =	simm.s32 @!p0 $0x0;
	[sflag:s12] =	ssyncadd.s32 @p0 $0xFFFFD800;
	s12 =	simm.s32 @!p0 $0x80  }
0x19: {  	[tilespmem:s14], [sflag:$0x1] =	stream.strided.gather @!p0 [hbm4b:s7+s12], $0xA00, s13, s12, $0x38;
	[tilespmem:$0x4F80] =	vst v63  }
.Ltmp1:
0x1a: {  	s12 =	simm.s32 @!p0 $0x1;
	(pc) =	sbr.rel @!p1 .LBB2_5-.Ltmp1, $4  }
0x1b: {  	_ =	swait.ge @!p0 [sflag:s12], $0xA00  }
0x1c: {  	[sflag:s12] =	ssyncset.done @!p0 $0x0  }
0x1d: {  	[sflag:s12] =	ssyncadd.s32 @!p0 $0xFFFFF600;
	s12 =	simm.s32 $0x0  }
0x1e: {  	s13 =	sadd.s32 $0xFFFFFFFF, s3;
	v2 =	vld [tilespmem:s12+$0x0]  }
.LBB2_4:
0x1f: {  	p1 =	sne.s32 s13, $0x1;
	_ =	sdelay $0x3  }
.Ltmp2:
0x20: {  	(pc) =	sbr.rel @p1 .LBB2_4-.Ltmp2, $3  }
0x21: {  	_ =	sdelay $0x1  }
0x22: {  	s12 =	sadd.s32 $0x10, s12;
	[tilespmem:v2+s8+$0x0] =	vst.idx.add.f32.msk $0xffff, v1  }
0x23: {  	s13 =	sadd.s32 $0xFFFFFFFF, s13;
	v2 =	vld [tilespmem:s12+$0x0]  }
.LBB2_5:
0x24: {  	_ =	sdelay $0x5  }
0x25: {  	s2 =	sadd.s32 $0x1, s2  }
0x26: {  	p1 =	sne.s32 s2, s5  }
.Ltmp3:
0x27: {  	[tilespmem:v2+s8+$0x0] =	vst.idx.add.f32.msk $0xffff, v1;
	(pc) =	sbr.rel @p1 .LBB2_1-.Ltmp3, $4  }
0x28: {  	[hbm4b:s4+s9] =	stream.strided.scatter [tilespmem:s8], [sflag:$0x1], $0x2780, s10, s9, $0x38;
	[tilespmem:$0x4F80] =	vst v63  }
0x29: {  	_ =	swait.ge [sflag:s11], $0x2780  }
0x2a: {  	[sflag:s11] =	ssyncset.done $0x0  }
0x2b: {  	[sflag:s11] =	ssyncadd.s32 $0xFFFFD880  }
0x2c: {  	_ =	sfence.sel $0x180000  }
0x2d: {  	[bflag:$0x0] =	sbarrier.arrive $0xFFFF  }
0x2e: {  	p0 =	sne.s32 s1, $0x0;
	_ =	strace $0x90000047  }
0x2f: {  	s0 =	sadd.s32 @!p0 $0x100000, s0;
	[bflag:$0x2] =	sbarrier.arrive $0xFFFF  }
0x30: {  	[sflag:s0] =	ssyncadd.tile.s32 @!p0 $0x1;
	_ =	shalt  }
.Lfunc_end2:
_tile_overlayer_lowered:
.L_overlay_start_2:
0x31: {  	(tag) =	ssettag $0x2  }
0x32: {  	s0 =	rddreg [dreg:$0x0];
	s2 =	stileid.u32  }
0x33: {  	s1 =	rddreg [dreg:$0x1];
	p0 =	sne.s32 s2, $0x0  }
0x34: {  	s3 =	rddreg [dreg:$0x2];
	[bflag:$0x3] =	sbarrier.arrive $0xFFFF;
	s2 =	simm.s32 @!p0 $0x1C01  }
0x35: {  	[timem:s3], [sflag:s2] =	dma.local @!p0 [hbm:s0], s1  }
0x36: {  	s0 =	simm.s32 @!p0 $0x1  }
0x37: {  	_ =	swait.ge @!p0 [sflag:s0], s1  }
0x38: {  	s1 =	ssub.s32 @!p0 $0x0, s1;
	[sflag:s0] =	ssyncset.done @!p0 $0x0  }
0x39: {  	[sflag:s0] =	ssyncadd.s32 @!p0 s1  }
0x3a: {  	[bflag:$0x3] =	sbarrier.arrive $0xFFFF  }
0x3b: {  	_ =	shalt  }

// kernel: kernel.14.cloned.1.call-start
scs
__scs_entry_jumppad:
0x0: {  	(pc) =	sbr.rel $0x88, $3  }
0x1: {  	(tag) =	ssettag $0x0;
	lr =	simm.s32 $0x1  }
0x2: {  	[smem:$0x3F9B] =	sst lr;
	_ =	strace $0xD0000000  }
0x3: {  	_ = 	snop  }
0x4: {  	_ = 	snop  }
0x5: {  	_ = 	snop  }
0x6: {  	_ = 	snop  }
0x7: {  	_ = 	snop  }
__scs_overlays_trampoline_lowered:
0x8: {  	[smem:$0x3FAA] =	sst s0  }
0x9: {  	[smem:$0x3FAB] =	sst s1  }
0xa: {  	[smem:$0x3FAC] =	sst s2  }
0xb: {  	[smem:$0x3FAD] =	sst s3  }
0xc: {  	[smem:$0x3FAE] =	sst s4  }
0xd: {  	[smem:$0x3FAF] =	sst s5  }
0xe: {  	[smem:$0x3FB0] =	sst s6  }
0xf: {  	[smem:$0x3FB1] =	sst s7  }
0x10: {  	[smem:$0x3FB2] =	sst s8  }
0x11: {  	[smem:$0x3FB3] =	sst s9;
	s0 =	simm.s32 @!p0 $0x0  }
0x12: {  	s1 =	sld [smem:$0x3F99];
	s0 =	simm.s32 @p0 $0x1  }
0x13: {  	[smem:$0x3FB4] =	sst s0;
	s0 =	simm.s32 @!p1 $0x0  }
0x14: {  	s2 =	sld [smem:$0x3F98];
	s0 =	simm.s32 @p1 $0x1  }
0x15: {  	[smem:$0x3FB5] =	sst s0;
	s0 =	simm.s32 @!p2 $0x0  }
0x16: {  	s3 =	sld [smem:$0x3FDB];
	s0 =	simm.s32 @p2 $0x1  }
0x17: {  	s4 =	simm.s32 $0x1BF5;
	[smem:$0x3FB7] =	sst s0  }
0x18: {  	s0 =	sld [smem:$0x3F9A];
	_ =	swait.ge [sflag:s4], $0x0  }
0x19: {  	s7 =	sld [smem:$0x3F9B]  }
0x1a: {  	s8 =	sadd.s32 $0xFFFFE003, lr  }
0x1b: {  	s9 =	sadd.s32 $0xFFFFFEF7, lr;
	s5 =	simm.s32 $0xFFFFFFFF;
	p2 =	slt.u32 s8, $0xFFFFF086  }
0x1c: {  	p1 =	slt.u32 s9, $0xF7A;
	s5 =	simm.s32 @!p2 $0x0  }
0x1d: {  	s5 =	simm.s32 @p1 $0x1;
	p0 =	seq.s32 s7, s2  }
0x1e: {  	s7 =	smul.u32 @!p0 $0xF7A, s2;
	p2 =	seq.s32 @!p0 s5, $0x0  }
0x1f: {  	s9 =	smul.u32 $0xF7A, s1;
	s8 =	simm.s32 @!p0 $0x1BF5;
	p2 =	por !p2, p0  }
0x20: {  	[sflag:s8] =	ssyncset.s32 @!p0 $0xFFFFF086;
	s6 =	sadd.s32 @!p0 s3, s7;
	s7 =	simm.s32 @!p0 $0x108  }
0x21: {  	s3 =	sadd.s32 s3, s9;
	s6 =	sadd.s32 @!p0 $0x88, s6;
	s7 =	simm.s32 @p2 $0x1082  }
0x22: {  	[simem:s7], [sflag:s8] =	dma.local @!p0 [hbm:s6], $0xF7A  }
0x23: {  	s9 =	sor.u32 $0xD0000000, s2;
	s6 =	simm.s32 $0x108;
	_ =	swait.ge @!p0 [sflag:s8], $0x0  }
0x24: {  	s3 =	sadd.s32 $0x88, s3;
	s6 =	simm.s32 @!p1 $0x1082;
	[sflag:s4] =	ssyncset.s32 $0xFFFFF086  }
0x25: {  	[simem:s6], [sflag:s4] =	dma.local [hbm:s3], $0xF7A  }
0x26: {  	[smem:$0x3F9B] =	sst s1;
	(tag) =	ssettag s2;
	_ =	strace s9  }
0x27: {  	s1 =	sld [smem:$0x3FAB]  }
0x28: {  	s2 =	sld [smem:$0x3FAC]  }
0x29: {  	s4 =	sld [smem:$0x3FAE]  }
0x2a: {  	p0 =	seq.s32 s5, $0x0;
	s5 =	sld [smem:$0x3FAF]  }
0x2b: {  	s6 =	sld [smem:$0x3FB0]  }
0x2c: {  	s7 =	sld [smem:$0x3FB1]  }
0x2d: {  	s3 =	simm.s32 $0x108;
	s8 =	sld [smem:$0x3FB2]  }
0x2e: {  	s3 =	simm.s32 @!p0 $0x1082;
	s9 =	sld [smem:$0x3FB3]  }
0x2f: {  	lr =	sadd.s32 s0, s3;
	s0 =	sld [smem:$0x3FAA]  }
0x30: {  	s3 =	sld [smem:$0x3FAD]  }
0x31: {  	[smem:$0x3FB6] =	sst s10  }
0x32: {  	s10 =	sld [smem:$0x3FB4];
	_ =	sdelay $0x3  }
0x33: {  	p0 =	seq.s32 s10, $0x1;
	s10 =	sld [smem:$0x3FB6];
	_ =	sdelay $0x3  }
0x34: {  	[smem:$0x3FB6] =	sst s10  }
0x35: {  	s10 =	sld [smem:$0x3FB5];
	_ =	sdelay $0x3  }
0x36: {  	p1 =	seq.s32 s10, $0x1;
	s10 =	sld [smem:$0x3FB6];
	_ =	sdelay $0x3  }
0x37: {  	[smem:$0x3FB6] =	sst s10  }
0x38: {  	s10 =	sld [smem:$0x3FB7]  }
0x39: {  	_ = 	snop;
	(pc) =	sbr.ind lr, $3  }
0x3a: {  	_ = 	snop  }
0x3b: {  	_ = 	snop  }
0x3c: {  	p2 =	seq.s32 s10, $0x1;
	s10 =	sld [smem:$0x3FB6]  }
0x3d: {  	_ =	shalt  }
0x3e: {  	_ =	shalt  }
0x3f: {  	_ =	shalt  }
0x40: {  	_ =	shalt  }
0x41: {  	_ =	shalt  }
0x42: {  	_ =	shalt  }
0x43: {  	_ =	shalt  }
0x44: {  	_ =	shalt  }
0x45: {  	_ =	shalt  }
0x46: {  	_ =	shalt  }
0x47: {  	_ =	shalt  }
0x48: {  	_ =	shalt  }
0x49: {  	_ =	shalt  }
0x4a: {  	_ =	shalt  }
0x4b: {  	_ =	shalt  }
0x4c: {  	_ =	shalt  }
0x4d: {  	_ =	shalt  }
0x4e: {  	_ =	shalt  }
0x4f: {  	_ =	shalt  }
0x50: {  	_ =	shalt  }
0x51: {  	_ =	shalt  }
0x52: {  	_ =	shalt  }
0x53: {  	_ =	shalt  }
0x54: {  	_ =	shalt  }
0x55: {  	_ =	shalt  }
0x56: {  	_ =	shalt  }
0x57: {  	_ =	shalt  }
0x58: {  	_ =	shalt  }
0x59: {  	_ =	shalt  }
0x5a: {  	_ =	shalt  }
0x5b: {  	_ =	shalt  }
0x5c: {  	_ =	shalt  }
0x5d: {  	_ =	shalt  }
0x5e: {  	_ =	shalt  }
0x5f: {  	_ =	shalt  }
0x60: {  	_ =	shalt  }
0x61: {  	_ =	shalt  }
0x62: {  	_ =	shalt  }
0x63: {  	_ =	shalt  }
0x64: {  	_ =	shalt  }
0x65: {  	_ =	shalt  }
0x66: {  	_ =	shalt  }
0x67: {  	_ =	shalt  }
0x68: {  	_ =	shalt  }
0x69: {  	_ =	shalt  }
0x6a: {  	_ =	shalt  }
0x6b: {  	_ =	shalt  }
0x6c: {  	_ =	shalt  }
0x6d: {  	_ =	shalt  }
0x6e: {  	_ =	shalt  }
0x6f: {  	_ =	shalt  }
0x70: {  	_ =	shalt  }
0x71: {  	_ =	shalt  }
0x72: {  	_ =	shalt  }
0x73: {  	_ =	shalt  }
0x74: {  	_ =	shalt  }
0x75: {  	_ =	shalt  }
0x76: {  	_ =	shalt  }
0x77: {  	_ =	shalt  }
0x78: {  	_ =	shalt  }
0x79: {  	_ =	shalt  }
0x7a: {  	_ =	shalt  }
0x7b: {  	_ =	shalt  }
0x7c: {  	_ =	shalt  }
0x7d: {  	_ =	shalt  }
0x7e: {  	_ =	shalt  }
0x7f: {  	_ =	shalt  }
0x80: {  	_ =	shalt  }
0x81: {  	_ =	shalt  }
0x82: {  	_ =	shalt  }
0x83: {  	_ =	shalt  }
0x84: {  	_ =	shalt  }
0x85: {  	_ =	shalt  }
0x86: {  	_ =	shalt  }
0x87: {  	_ =	shalt  }
.Lfunc_end0:
.L_simem_size_0:
called_computation.1_lowered:
.L_overlay_start_0:
0x88: {  	s2 =	sld [smem:$0x3FD9]  }
0x89: {  	s3 =	sld [smem:$0x3FFE];
	_ =	sdelay $0x1  }
0x8a: {  	s1 =	srdreg.scid  }
0x8b: {  	s0 =	sand.u32 $0x1, s1  }
0x8c: {  	s17 =	sshll.u32 s0, $0xA;
	s2 =	sadd.s32 s3, s2  }
0x8d: {  	s2 =	sadd.s32 s2, s17  }
0x8e: {  	[smem:$0x3FC2] =	sst s2  }
0x8f: {  	_ = 	snop  }
0x90: {  	s2 =	sld [smem:$0x3FC8];
	(tm) =	ssettm $0x1  }
0x91: {  	s18 =	sld [smem:$0x3FFB];
	_ =	sdelay $0x3  }
0x92: {  	_ =	strace s18  }
0x93: {  	s3 =	sld [smem:$0x3FFC];
	_ =	sdelay $0x3  }
0x94: {  	_ =	strace s3  }
0x95: {  	s3 =	sld [smem:$0x3FFD];
	_ =	sdelay $0x3  }
0x96: {  	_ =	strace s3  }
0x97: {  	_ =	strace $0x8FFFFFFF  }
0x98: {  	s19 =	sld [smem:$0x3FDB];
	_ =	sdelay $0x1  }
0x99: {  	s4 =	simm.s32 $_scs_section_size  }
0x9a: {  	s5 =	simm.s32 $_size__tile_overlayer_lowered;
	s6 =	simm.s32 $_tile_overlayer_lowered  }
0x9b: {  	s22 =	simm.s32 $0x1BFF;
	s21 =	sshll.u32 s6, $0x1;
	s3 =	sadd.s32 s4, s19  }
0x9c: {  	s7 =	simm.s32 $0x0;
	s20 =	sshll.u32 s5, $0x1;
	s5 =	sadd.s32 s21, s3  }
0x9d: {  	[timem:s7], [sflag:s22] =	dma.local [hbm:s5], s20  }
0x9e: {  	_ =	swait.ge [sflag:s22], s20  }
0x9f: {  	s4 =	ssub.s32 $0x0, s20;
	[sflag:s22] =	ssyncset.done $0x0  }
0xa0: {  	[sflag:s22] =	ssyncadd.s32 s4;
	_ =	sdelay $0x1  }
0xa1: {  	s23 =	simm.s32 $0x1B8B  }
0xa2: {  	_ =	swait.ge [sflag:s23], $0x1  }
0xa3: {  	[sflag:s23] =	ssyncset.done $0x0  }
0xa4: {  	s25 =	simm.s32 $0x1B8E;
	s24 =	sld [smem:$0x3FFE];
	[sflag:s23] =	ssyncadd.s32 $0xFFFFFFFF  }
0xa5: {  	s26 =	simm.s32 $execute0_lowered;
	[smem:$0x3FD2] =	sst s25  }
0xa6: {  	s5 =	sshll.u32 s26, $0x1;
	_ =	strace $0x80000049;
	[dreg:$0x1] =	wrdreg $0xFFFFFFFF  }
0xa7: {  	s28 =	simm.s32 $_size_execute0_lowered;
	s3 =	sadd.s32 s3, s5;
	[dreg:$0x0] =	wrdreg $0x0  }
0xa8: {  	s5 =	sshll.u32 s28, $0x1;
	[dreg:$0x2] =	wrdreg s3  }
0xa9: {  	[dreg:$0x3] =	wrdreg s5  }
0xaa: {  	[dreg:$0x4] =	wrdreg $0xC0  }
0xab: {  	_ =	task [dreg:s7], $0x5FFFF  }
0xac: {  	[dreg:$0x1] =	wrdreg $0xFFFFFFFF  }
0xad: {  	[dreg:$0x0] =	wrdreg $0x60  }
0xae: {  	[dreg:$0x2] =	wrdreg s24  }
0xaf: {  	[dreg:$0x3] =	wrdreg s2  }
0xb0: {  	[dreg:$0x4] =	wrdreg $0x82000  }
0xb1: {  	[dreg:$0x5] =	wrdreg $0x9  }
0xb2: {  	_ =	task.clear_ibuf [dreg:s7], $0x6FFFF;
	_ =	strace $0x90000049  }
0xb3: {  	s29 =	simm.s32 $0x9;
	_ =	strace $0x8000004B  }
0xb4: {  	_ =	swait.ge [sflag:s29], $0x1  }
0xb5: {  	[sflag:s29] =	ssyncadd.s32 $0xFFFFFFFF  }
0xb6: {  	_ =	strace $0x9000004B  }
0xb7: {  	_ =	sfence  }
0xb8: {  	s30 =	sld [smem:$0x0];
	_ =	sdelay $0x2  }
0xb9: {  	s31 =	sshll.u32 s1, $0xD;
	s1 =	sshrl.u32 s1, $0x2  }
0xba: {  	s3 =	sand.u32 $0x4000, s31;
	s1 =	sadd.s32 s1, s30  }
0xbb: {  	s0 =	sor.u32 s3, s0;
	s1 =	sshll.u32 s1, $0x11  }
0xbc: {  	s0 =	sor.u32 s1, s0  }
0xbd: {  	s0 =	sadd.s32 $0x8F2B, s0  }
0xbe: {  	[sflag:s0] =	ssyncadd.remote.s32 $0x1  }
0xbf: {  	_ =	sfence.sel $0xFFFF  }
0xc0: {  	[dreg:$0x0] =	wrdreg $0xFFFFFFFF;
	(pc) =	sbr.abs _section_cstart, $3  }
0xc1: {  	[dreg:$0x1] =	wrdreg $0xFFFFFFFF  }
0xc2: {  	_ =	task.clear_ibuf [dreg:s7], $0x2FFFF;
	_ =	strace $0x9FFFFFFF  }
0xc3: {  	(tm) =	ssettm $0x7FFFFFFF  }
tec
execute0_lowered:
.L_overlay_start_1:
0x0: {  	(tag) =	ssettag $0x1  }
0x1: {  	s0 =	rddreg [dreg:$0x0]  }
0x2: {  	s2 =	rddreg [dreg:$0x1]  }
0x3: {  	s3 =	rddreg [dreg:$0x2];
	s4 =	simm.s32 $0x0;
	s13 =	stileid.u32  }
0x4: {  	s1 =	srdreg.scid;
	s16 =	simm.s32 $0x7;
	s18 =	simm.s32 $0x100  }
0x5: {  	s19 =	simm.s32 $0x80;
	s28 =	simm.s32 $0x1;
	s29 =	simm.s32 $0x5  }
0x6: {  	s30 =	simm.s32 $0x2;
	s31 =	simm.s32 $0x6;
	s6 =	smul.u32 $0x2780, s13  }
0x7: {  	[smem:$0x7FF] =	sst s4;
	s1 =	sand.u32 $0x1, s1;
	s9 =	smul.u32 $0x4F000, s13  }
0x8: {  	s5 =	sadd.s32 $0x2200, s0;
	s22 =	sshll.u32 s13, $0x6;
	s23 =	smul.u32 $0x2800, s13  }
0x9: {  	_ =	strace $0x8000004A;
	s7 =	smul.u32 $0x27800, s1;
	s20 =	ssub.s32 $0x2, s1  }
0xa: {  	s10 =	sshll.u32 s1, $0x4;
	s1 =	smul.u32 $0x28000, s1;
	s8 =	sadd.s32 s6, s0  }
0xb: {  	s11 =	sshrl.u32 s20, $0x1;
	s10 =	sor.u32 s13, s10;
	s9 =	sshrl.u32 s9, $0x2  }
0xc: {  	s0 =	sadd.s32 s7, s0;
	s12 =	ssub.s32 s20, s11;
	s15 =	sadd.s32 s9, s3  }
0xd: {  	s17 =	smul.u32 $0xA00, s10;
	s21 =	sadd.s32 $0x29400, s8;
	s7 =	sor.u32 $0x1C07, s22  }
0xe: {  	p0 =	seq.s32 s10, $0x1F;
	s9 =	sadd.s32 $0x10, s2;
	s11 =	simm.s32 $0x9  }
0xf: {  	s1 =	sadd.s32 s23, s1;
	s22 =	simm.s32 $0x3;
	s23 =	simm.s32 $0x200  }
0x10: {  	[dreg:$0x4] =	wrdreg s21;
	s11 =	simm.s32 @!p0 $0x27;
	s0 =	sadd.s32 $0x50C00, s0  }
0x11: {  	s8 =	sor.u32 $0x180, s1;
	s12 =	smax.u32 s12, $0x1;
	s1 =	sor.u32 $0x100, s1  }
0x12: {  	s15 =	sshrl.u32 s15, $0x3;
	s21 =	simm.s32 $0x180;
	s24 =	sadd.s32 s2, s17  }
0x13: {  	s25 =	sor.u32 $0x20, s17;
	s13 =	sshrl.u32 s8, $0x2;
	s14 =	sshrl.u32 s1, $0x2  }
0x14: {  	s17 =	sadd.s32 s17, s9;
	[dreg:$0x5] =	wrdreg s24;
	s26 =	sadd.s32 s2, s25  }
0x15: {  	s20 =	sadd.s32 s25, s9;
	s24 =	sadd.s32 s6, s0;
	s25 =	simm.s32 $0x4  }
0x16: {  	s0 =	simm.s32 $0x0;
	[dreg:$0x6] =	wrdreg s26;
	s26 =	simm.s32 $0x4200  }
.LBB2_1:
0x17: {  	s1 =	rddreg [dreg:$0x4]  }
0x18: {  	[spmem:s15], [sflag:s7] =	dma.local [hbm:s1], $0x2780  }
0x19: {  	_ =	swait.ge [sflag:s16], $0x2780  }
0x1a: {  	[sflag:s16] =	ssyncset.done $0x0  }
0x1b: {  	[sflag:s16] =	ssyncadd.s32 $0xFFFFD880  }
0x1c: {  	[bflag:$0x0] =	sbarrier.arrive $0xFFFF  }
0x1d: {  	s8 =	rddreg [dreg:$0x5]  }
0x1e: {  	[tilespmem:s4], [sflag:$0x3] =	stream.linear.gather [hbm4b:s8+s4], $0x80, $0x38;
	[tilespmem:$0x1BE00] =	vst v63  }
0x1f: {  	_ = 	snop  }
0x20: {  	[tilespmem:s18], [sflag:$0x5] =	stream.linear.gather [hbm4b:s17+s4], $0x80, $0x38;
	[tilespmem:$0x1BE00] =	vst v63  }
0x21: {  	s10 =	rddreg [dreg:$0x6]  }
0x22: {  	[tilespmem:s19], [sflag:$0x4] =	stream.linear.gather [hbm4b:s10+s4], $0x80, $0x38;
	[tilespmem:$0x1BE00] =	vst v63  }
0x23: {  	_ = 	snop  }
0x24: {  	[tilespmem:s21], [sflag:$0x6] =	stream.linear.gather [hbm4b:s20+s4], $0x80, $0x38;
	[tilespmem:$0x1BE00] =	vst v63  }
0x25: {  	_ =	swait.ge [sflag:s22], $0x80  }
0x26: {  	[sflag:s22] =	ssyncset.done $0x0  }
0x27: {  	[sflag:s22] =	ssyncadd.s32 $0xFFFFFF80  }
0x28: {  	[tilespmem:s23], [sflag:$0x1] =	stream.indirect.gather [hbm4b:s5+s19], $0x80, s4, s19, $0xb8;
	[tilespmem:$0x1BE00] =	vst v63  }
0x29: {  	_ =	swait.ge [sflag:s25], $0x80  }
0x2a: {  	[sflag:s25] =	ssyncset.done $0x0  }
0x2b: {  	[sflag:s25] =	ssyncadd.s32 $0xFFFFFF80  }
0x2c: {  	[tilespmem:s26], [sflag:$0x2] =	stream.indirect.gather [hbm4b:s5+s19], $0x80, s19, s19, $0xb8;
	[tilespmem:$0x1BE00] =	vst v63  }
0x2d: {  	_ =	swait.ge [sflag:s28], $0x4000  }
0x2e: {  	[sflag:s28] =	ssyncset.done $0x0  }
0x2f: {  	[sflag:s28] =	ssyncadd.s32 $0xFFFFC000  }
0x30: {  	_ =	swait.ge [sflag:s29], $0x80  }
0x31: {  	[sflag:s29] =	ssyncset.done $0x0  }
0x32: {  	[sflag:s29] =	ssyncadd.s32 $0xFFFFFF80  }
0x33: {  	[spmem:s3] =	stream.indirect.scatter.add.f32 [tilespmem:s23], [sflag:$0x7], $0x80, s18, s19, $0xb8;
	[tilespmem:$0x1BE00] =	vst v63  }
0x34: {  	_ =	swait.ge [sflag:s16], $0x4000  }
0x35: {  	[sflag:s16] =	ssyncset.done $0x0  }
0x36: {  	s6 =	sadd.s32 s2, s14;
	[sflag:s16] =	ssyncadd.s32 $0xFFFFC000  }
0x37: {  	[tilespmem:s4], [sflag:$0x3] =	stream.linear.gather [hbm4b:s6+s4], $0x80, $0x38;
	[tilespmem:$0x1BE00] =	vst v63  }
0x38: {  	s8 =	sadd.s32 s9, s14  }
0x39: {  	[tilespmem:s18], [sflag:$0x5] =	stream.linear.gather [hbm4b:s8+s4], $0x80, $0x38;
	[tilespmem:$0x1BE00] =	vst v63  }
0x3a: {  	_ =	swait.ge [sflag:s22], $0x80  }
0x3b: {  	[sflag:s22] =	ssyncset.done $0x0  }
0x3c: {  	[sflag:s22] =	ssyncadd.s32 $0xFFFFFF80  }
0x3d: {  	[tilespmem:s23], [sflag:$0x1] =	stream.indirect.gather [hbm4b:s5+s19], $0x80, s4, s19, $0xb8;
	[tilespmem:$0x1BE00] =	vst v63  }
0x3e: {  	_ =	swait.ge [sflag:s30], $0x4000  }
0x3f: {  	[sflag:s30] =	ssyncset.done $0x0  }
0x40: {  	[sflag:s30] =	ssyncadd.s32 $0xFFFFC000  }
0x41: {  	_ =	swait.ge [sflag:s31], $0x80  }
0x42: {  	[sflag:s31] =	ssyncset.done $0x0  }
0x43: {  	p0 =	sne.s32 s11, $0x1;
	[sflag:s31] =	ssyncadd.s32 $0xFFFFFF80  }
0x44: {  	[spmem:s3] =	stream.indirect.scatter.add.f32 [tilespmem:s26], [sflag:$0x7], $0x80, s21, s19, $0xb8;
	[tilespmem:$0x1BE00] =	vst v63  }
.Ltmp0:
0x45: {  	_ =	swait.ge [sflag:s16], $0x4000;
	(pc) =	sbr.rel @!p0 .LBB2_3-.Ltmp0, $4  }
0x46: {  	[sflag:s16] =	ssyncset.done $0x0  }
0x47: {  	s1 =	sadd.s32 $0xFFFFFFFF, s11;
	s10 =	sadd.s32 s2, s13;
	[sflag:s16] =	ssyncadd.s32 $0xFFFFC000  }
0x48: {  	[tilespmem:s19], [sflag:$0x4] =	stream.linear.gather [hbm4b:s10+s4], $0x80, $0x38;
	[tilespmem:$0x1BE00] =	vst v63  }
0x49: {  	s6 =	sadd.s32 $0x40, s2;
	s8 =	sadd.s32 $0x40, s9;
	s10 =	sadd.s32 s9, s13  }
.LBB2_2:
0x4a: {  	[tilespmem:s21], [sflag:$0x6] =	stream.linear.gather [hbm4b:s10+s4], $0x80, $0x38;
	[tilespmem:$0x1BE00] =	vst v63  }
0x4b: {  	p0 =	sne.s32 s1, $0x1;
	s1 =	sadd.s32 $0xFFFFFFFF, s1;
	_ =	swait.ge [sflag:s25], $0x80  }
0x4c: {  	[sflag:s25] =	ssyncset.done $0x0  }
0x4d: {  	[sflag:s25] =	ssyncadd.s32 $0xFFFFFF80  }
0x4e: {  	[tilespmem:s26], [sflag:$0x2] =	stream.indirect.gather [hbm4b:s5+s19], $0x80, s19, s19, $0xb8;
	[tilespmem:$0x1BE00] =	vst v63  }
0x4f: {  	_ =	swait.ge [sflag:s28], $0x4000  }
0x50: {  	[sflag:s28] =	ssyncset.done $0x0  }
0x51: {  	[sflag:s28] =	ssyncadd.s32 $0xFFFFC000  }
0x52: {  	_ =	swait.ge [sflag:s29], $0x80  }
0x53: {  	[sflag:s29] =	ssyncset.done $0x0  }
0x54: {  	[sflag:s29] =	ssyncadd.s32 $0xFFFFFF80  }
0x55: {  	[spmem:s3] =	stream.indirect.scatter.add.f32 [tilespmem:s23], [sflag:$0x7], $0x80, s18, s19, $0xb8;
	[tilespmem:$0x1BE00] =	vst v63  }
0x56: {  	_ =	swait.ge [sflag:s16], $0x4000  }
0x57: {  	[sflag:s16] =	ssyncset.done $0x0  }
0x58: {  	s10 =	sadd.s32 s6, s14;
	[sflag:s16] =	ssyncadd.s32 $0xFFFFC000  }
0x59: {  	[tilespmem:s4], [sflag:$0x3] =	stream.linear.gather [hbm4b:s10+s4], $0x80, $0x38;
	[tilespmem:$0x1BE00] =	vst v63  }
0x5a: {  	s10 =	sadd.s32 s8, s14  }
0x5b: {  	[tilespmem:s18], [sflag:$0x5] =	stream.linear.gather [hbm4b:s10+s4], $0x80, $0x38;
	[tilespmem:$0x1BE00] =	vst v63  }
0x5c: {  	_ =	swait.ge [sflag:s22], $0x80  }
0x5d: {  	[sflag:s22] =	ssyncset.done $0x0  }
0x5e: {  	[sflag:s22] =	ssyncadd.s32 $0xFFFFFF80  }
0x5f: {  	[tilespmem:s23], [sflag:$0x1] =	stream.indirect.gather [hbm4b:s5+s19], $0x80, s4, s19, $0xb8;
	[tilespmem:$0x1BE00] =	vst v63  }
0x60: {  	_ =	swait.ge [sflag:s30], $0x4000  }
0x61: {  	[sflag:s30] =	ssyncset.done $0x0  }
0x62: {  	[sflag:s30] =	ssyncadd.s32 $0xFFFFC000  }
0x63: {  	_ =	swait.ge [sflag:s31], $0x80  }
0x64: {  	[sflag:s31] =	ssyncset.done $0x0  }
0x65: {  	[sflag:s31] =	ssyncadd.s32 $0xFFFFFF80  }
0x66: {  	[spmem:s3] =	stream.indirect.scatter.add.f32 [tilespmem:s26], [sflag:$0x7], $0x80, s21, s19, $0xb8;
	[tilespmem:$0x1BE00] =	vst v63  }
.Ltmp1:
0x67: {  	_ =	swait.ge [sflag:s16], $0x4000;
	(pc) =	sbr.rel @p0 .LBB2_2-.Ltmp1, $4  }
0x68: {  	[sflag:s16] =	ssyncset.done $0x0  }
0x69: {  	s10 =	sadd.s32 s6, s13;
	[sflag:s16] =	ssyncadd.s32 $0xFFFFC000  }
0x6a: {  	[tilespmem:s19], [sflag:$0x4] =	stream.linear.gather [hbm4b:s10+s4], $0x80, $0x38;
	[tilespmem:$0x1BE00] =	vst v63  }
0x6b: {  	s6 =	sadd.s32 $0x40, s6;
	s10 =	sadd.s32 s8, s13;
	s8 =	sadd.s32 $0x40, s8  }
.LBB2_3:
0x6c: {  	[tilespmem:s21], [sflag:$0x6] =	stream.linear.gather [hbm4b:s10+s4], $0x80, $0x38;
	[tilespmem:$0x1BE00] =	vst v63  }
0x6d: {  	_ =	swait.ge [sflag:s25], $0x80  }
0x6e: {  	[sflag:s25] =	ssyncset.done $0x0  }
0x6f: {  	[sflag:s25] =	ssyncadd.s32 $0xFFFFFF80  }
0x70: {  	[tilespmem:s26], [sflag:$0x2] =	stream.indirect.gather [hbm4b:s5+s19], $0x80, s19, s19, $0xb8;
	[tilespmem:$0x1BE00] =	vst v63  }
0x71: {  	_ =	swait.ge [sflag:s28], $0x4000  }
0x72: {  	[sflag:s28] =	ssyncset.done $0x0  }
0x73: {  	[sflag:s28] =	ssyncadd.s32 $0xFFFFC000  }
0x74: {  	_ =	swait.ge [sflag:s29], $0x80  }
0x75: {  	[sflag:s29] =	ssyncset.done $0x0  }
0x76: {  	[sflag:s29] =	ssyncadd.s32 $0xFFFFFF80  }
0x77: {  	[spmem:s3] =	stream.indirect.scatter.add.f32 [tilespmem:s23], [sflag:$0x7], $0x80, s18, s19, $0xb8;
	[tilespmem:$0x1BE00] =	vst v63  }
0x78: {  	_ =	swait.ge [sflag:s16], $0x4000  }
0x79: {  	[sflag:s16] =	ssyncset.done $0x0  }
0x7a: {  	[sflag:s16] =	ssyncadd.s32 $0xFFFFC000  }
0x7b: {  	_ =	swait.ge [sflag:s30], $0x4000  }
0x7c: {  	[sflag:s30] =	ssyncset.done $0x0  }
0x7d: {  	[sflag:s30] =	ssyncadd.s32 $0xFFFFC000  }
0x7e: {  	_ =	swait.ge [sflag:s31], $0x80  }
0x7f: {  	[sflag:s31] =	ssyncset.done $0x0  }
0x80: {  	[sflag:s31] =	ssyncadd.s32 $0xFFFFFF80  }
0x81: {  	[spmem:s3] =	stream.indirect.scatter.add.f32 [tilespmem:s26], [sflag:$0x7], $0x80, s21, s19, $0xb8;
	[tilespmem:$0x1BE00] =	vst v63  }
0x82: {  	_ =	swait.ge [sflag:s16], $0x4000  }
0x83: {  	s0 =	sadd.s32 $0x1, s0;
	[sflag:s16] =	ssyncset.done $0x0  }
0x84: {  	p0 =	sne.s32 s0, s12;
	[sflag:s16] =	ssyncadd.s32 $0xFFFFC000  }
.Ltmp2:
0x85: {  	[bflag:$0x0] =	sbarrier.arrive $0xFFFF;
	(pc) =	sbr.rel @p0 .LBB2_1-.Ltmp2, $4  }
0x86: {  	[hbm:s24], [sflag:s7] =	dma.local [spmem:s15], $0x2780  }
0x87: {  	_ =	swait.ge [sflag:s16], $0x2780  }
0x88: {  	[sflag:s16] =	ssyncset.done $0x0  }
0x89: {  	[sflag:s16] =	ssyncadd.s32 $0xFFFFD880  }
0x8a: {  	_ =	sfence.sel $0x180000  }
0x8b: {  	[bflag:$0x0] =	sbarrier.arrive $0xFFFF  }
0x8c: {  	_ =	strace $0x9000004A  }
0x8d: {  	s0 =	stileid.u32;
	[bflag:$0x2] =	sbarrier.arrive $0xFFFF  }
0x8e: {  	p0 =	sne.s32 s0, $0x0;
	s0 =	rddreg [dreg:$0x3]  }
0x8f: {  	s0 =	sadd.s32 @!p0 $0x100000, s0  }
0x90: {  	[sflag:s0] =	ssyncadd.tile.s32 @!p0 $0x1;
	_ =	shalt  }
.Lfunc_end2:
_tile_overlayer_lowered:
.L_overlay_start_2:
0x91: {  	(tag) =	ssettag $0x2  }
0x92: {  	s0 =	rddreg [dreg:$0x0];
	s2 =	stileid.u32  }
0x93: {  	s1 =	rddreg [dreg:$0x1];
	p0 =	sne.s32 s2, $0x0  }
0x94: {  	s3 =	rddreg [dreg:$0x2];
	[bflag:$0x3] =	sbarrier.arrive $0xFFFF;
	s2 =	simm.s32 @!p0 $0x1C07  }
0x95: {  	[timem:s3], [sflag:s2] =	dma.local @!p0 [hbm:s0], s1  }
0x96: {  	s0 =	simm.s32 @!p0 $0x7  }
0x97: {  	_ =	swait.ge @!p0 [sflag:s0], s1  }
0x98: {  	s1 =	ssub.s32 @!p0 $0x0, s1;
	[sflag:s0] =	ssyncset.done @!p0 $0x0  }
0x99: {  	[sflag:s0] =	ssyncadd.s32 @!p0 s1  }
0x9a: {  	[bflag:$0x3] =	sbarrier.arrive $0xFFFF  }
0x9b: {  	_ =	shalt  }

// kernel: kernel.17.cloned.1.call-start
scs
__scs_entry_jumppad:
0x0: {  	(pc) =	sbr.rel $0x88, $3  }
0x1: {  	(tag) =	ssettag $0x0;
	lr =	simm.s32 $0x1  }
0x2: {  	[smem:$0x3F9B] =	sst lr;
	_ =	strace $0xD0000000  }
0x3: {  	_ = 	snop  }
0x4: {  	_ = 	snop  }
0x5: {  	_ = 	snop  }
0x6: {  	_ = 	snop  }
0x7: {  	_ = 	snop  }
__scs_overlays_trampoline_lowered:
0x8: {  	[smem:$0x3FAA] =	sst s0  }
0x9: {  	[smem:$0x3FAB] =	sst s1  }
0xa: {  	[smem:$0x3FAC] =	sst s2  }
0xb: {  	[smem:$0x3FAD] =	sst s3  }
0xc: {  	[smem:$0x3FAE] =	sst s4  }
0xd: {  	[smem:$0x3FAF] =	sst s5  }
0xe: {  	[smem:$0x3FB0] =	sst s6  }
0xf: {  	[smem:$0x3FB1] =	sst s7  }
0x10: {  	[smem:$0x3FB2] =	sst s8  }
0x11: {  	[smem:$0x3FB3] =	sst s9;
	s0 =	simm.s32 @!p0 $0x0  }
0x12: {  	s1 =	sld [smem:$0x3F99];
	s0 =	simm.s32 @p0 $0x1  }
0x13: {  	[smem:$0x3FB4] =	sst s0;
	s0 =	simm.s32 @!p1 $0x0  }
0x14: {  	s2 =	sld [smem:$0x3F98];
	s0 =	simm.s32 @p1 $0x1  }
0x15: {  	[smem:$0x3FB5] =	sst s0;
	s0 =	simm.s32 @!p2 $0x0  }
0x16: {  	s3 =	sld [smem:$0x3FDB];
	s0 =	simm.s32 @p2 $0x1  }
0x17: {  	s4 =	simm.s32 $0x1BF5;
	[smem:$0x3FB7] =	sst s0  }
0x18: {  	s0 =	sld [smem:$0x3F9A];
	_ =	swait.ge [sflag:s4], $0x0  }
0x19: {  	s7 =	sld [smem:$0x3F9B]  }
0x1a: {  	s8 =	sadd.s32 $0xFFFFE003, lr  }
0x1b: {  	s9 =	sadd.s32 $0xFFFFFEF7, lr;
	s5 =	simm.s32 $0xFFFFFFFF;
	p2 =	slt.u32 s8, $0xFFFFF086  }
0x1c: {  	p1 =	slt.u32 s9, $0xF7A;
	s5 =	simm.s32 @!p2 $0x0  }
0x1d: {  	s5 =	simm.s32 @p1 $0x1;
	p0 =	seq.s32 s7, s2  }
0x1e: {  	s7 =	smul.u32 @!p0 $0xF7A, s2;
	p2 =	seq.s32 @!p0 s5, $0x0  }
0x1f: {  	s9 =	smul.u32 $0xF7A, s1;
	s8 =	simm.s32 @!p0 $0x1BF5;
	p2 =	por !p2, p0  }
0x20: {  	[sflag:s8] =	ssyncset.s32 @!p0 $0xFFFFF086;
	s6 =	sadd.s32 @!p0 s3, s7;
	s7 =	simm.s32 @!p0 $0x108  }
0x21: {  	s3 =	sadd.s32 s3, s9;
	s6 =	sadd.s32 @!p0 $0x88, s6;
	s7 =	simm.s32 @p2 $0x1082  }
0x22: {  	[simem:s7], [sflag:s8] =	dma.local @!p0 [hbm:s6], $0xF7A  }
0x23: {  	s9 =	sor.u32 $0xD0000000, s2;
	s6 =	simm.s32 $0x108;
	_ =	swait.ge @!p0 [sflag:s8], $0x0  }
0x24: {  	s3 =	sadd.s32 $0x88, s3;
	s6 =	simm.s32 @!p1 $0x1082;
	[sflag:s4] =	ssyncset.s32 $0xFFFFF086  }
0x25: {  	[simem:s6], [sflag:s4] =	dma.local [hbm:s3], $0xF7A  }
0x26: {  	[smem:$0x3F9B] =	sst s1;
	(tag) =	ssettag s2;
	_ =	strace s9  }
0x27: {  	s1 =	sld [smem:$0x3FAB]  }
0x28: {  	s2 =	sld [smem:$0x3FAC]  }
0x29: {  	s4 =	sld [smem:$0x3FAE]  }
0x2a: {  	p0 =	seq.s32 s5, $0x0;
	s5 =	sld [smem:$0x3FAF]  }
0x2b: {  	s6 =	sld [smem:$0x3FB0]  }
0x2c: {  	s7 =	sld [smem:$0x3FB1]  }
0x2d: {  	s3 =	simm.s32 $0x108;
	s8 =	sld [smem:$0x3FB2]  }
0x2e: {  	s3 =	simm.s32 @!p0 $0x1082;
	s9 =	sld [smem:$0x3FB3]  }
0x2f: {  	lr =	sadd.s32 s0, s3;
	s0 =	sld [smem:$0x3FAA]  }
0x30: {  	s3 =	sld [smem:$0x3FAD]  }
0x31: {  	[smem:$0x3FB6] =	sst s10  }
0x32: {  	s10 =	sld [smem:$0x3FB4];
	_ =	sdelay $0x3  }
0x33: {  	p0 =	seq.s32 s10, $0x1;
	s10 =	sld [smem:$0x3FB6];
	_ =	sdelay $0x3  }
0x34: {  	[smem:$0x3FB6] =	sst s10  }
0x35: {  	s10 =	sld [smem:$0x3FB5];
	_ =	sdelay $0x3  }
0x36: {  	p1 =	seq.s32 s10, $0x1;
	s10 =	sld [smem:$0x3FB6];
	_ =	sdelay $0x3  }
0x37: {  	[smem:$0x3FB6] =	sst s10  }
0x38: {  	s10 =	sld [smem:$0x3FB7]  }
0x39: {  	_ = 	snop;
	(pc) =	sbr.ind lr, $3  }
0x3a: {  	_ = 	snop  }
0x3b: {  	_ = 	snop  }
0x3c: {  	p2 =	seq.s32 s10, $0x1;
	s10 =	sld [smem:$0x3FB6]  }
0x3d: {  	_ =	shalt  }
0x3e: {  	_ =	shalt  }
0x3f: {  	_ =	shalt  }
0x40: {  	_ =	shalt  }
0x41: {  	_ =	shalt  }
0x42: {  	_ =	shalt  }
0x43: {  	_ =	shalt  }
0x44: {  	_ =	shalt  }
0x45: {  	_ =	shalt  }
0x46: {  	_ =	shalt  }
0x47: {  	_ =	shalt  }
0x48: {  	_ =	shalt  }
0x49: {  	_ =	shalt  }
0x4a: {  	_ =	shalt  }
0x4b: {  	_ =	shalt  }
0x4c: {  	_ =	shalt  }
0x4d: {  	_ =	shalt  }
0x4e: {  	_ =	shalt  }
0x4f: {  	_ =	shalt  }
0x50: {  	_ =	shalt  }
0x51: {  	_ =	shalt  }
0x52: {  	_ =	shalt  }
0x53: {  	_ =	shalt  }
0x54: {  	_ =	shalt  }
0x55: {  	_ =	shalt  }
0x56: {  	_ =	shalt  }
0x57: {  	_ =	shalt  }
0x58: {  	_ =	shalt  }
0x59: {  	_ =	shalt  }
0x5a: {  	_ =	shalt  }
0x5b: {  	_ =	shalt  }
0x5c: {  	_ =	shalt  }
0x5d: {  	_ =	shalt  }
0x5e: {  	_ =	shalt  }
0x5f: {  	_ =	shalt  }
0x60: {  	_ =	shalt  }
0x61: {  	_ =	shalt  }
0x62: {  	_ =	shalt  }
0x63: {  	_ =	shalt  }
0x64: {  	_ =	shalt  }
0x65: {  	_ =	shalt  }
0x66: {  	_ =	shalt  }
0x67: {  	_ =	shalt  }
0x68: {  	_ =	shalt  }
0x69: {  	_ =	shalt  }
0x6a: {  	_ =	shalt  }
0x6b: {  	_ =	shalt  }
0x6c: {  	_ =	shalt  }
0x6d: {  	_ =	shalt  }
0x6e: {  	_ =	shalt  }
0x6f: {  	_ =	shalt  }
0x70: {  	_ =	shalt  }
0x71: {  	_ =	shalt  }
0x72: {  	_ =	shalt  }
0x73: {  	_ =	shalt  }
0x74: {  	_ =	shalt  }
0x75: {  	_ =	shalt  }
0x76: {  	_ =	shalt  }
0x77: {  	_ =	shalt  }
0x78: {  	_ =	shalt  }
0x79: {  	_ =	shalt  }
0x7a: {  	_ =	shalt  }
0x7b: {  	_ =	shalt  }
0x7c: {  	_ =	shalt  }
0x7d: {  	_ =	shalt  }
0x7e: {  	_ =	shalt  }
0x7f: {  	_ =	shalt  }
0x80: {  	_ =	shalt  }
0x81: {  	_ =	shalt  }
0x82: {  	_ =	shalt  }
0x83: {  	_ =	shalt  }
0x84: {  	_ =	shalt  }
0x85: {  	_ =	shalt  }
0x86: {  	_ =	shalt  }
0x87: {  	_ =	shalt  }
.Lfunc_end0:
.L_simem_size_0:
called_computation.2_lowered:
.L_overlay_start_0:
0x88: {  	s2 =	sld [smem:$0x3FD9]  }
0x89: {  	s3 =	sld [smem:$0x3FFE];
	_ =	sdelay $0x1  }
0x8a: {  	s1 =	srdreg.scid  }
0x8b: {  	s0 =	sand.u32 $0x1, s1  }
0x8c: {  	s17 =	sshll.u32 s0, $0xA;
	s2 =	sadd.s32 s3, s2  }
0x8d: {  	s2 =	sadd.s32 s2, s17  }
0x8e: {  	[smem:$0x3FC2] =	sst s2  }
0x8f: {  	_ = 	snop  }
0x90: {  	s2 =	sld [smem:$0x3FC8];
	(tm) =	ssettm $0x1  }
0x91: {  	s18 =	sld [smem:$0x3FFB];
	_ =	sdelay $0x3  }
0x92: {  	_ =	strace s18  }
0x93: {  	s3 =	sld [smem:$0x3FFC];
	_ =	sdelay $0x3  }
0x94: {  	_ =	strace s3  }
0x95: {  	s3 =	sld [smem:$0x3FFD];
	_ =	sdelay $0x3  }
0x96: {  	_ =	strace s3  }
0x97: {  	_ =	strace $0x8FFFFFFF  }
0x98: {  	s19 =	sld [smem:$0x3FDB];
	_ =	sdelay $0x1  }
0x99: {  	s4 =	simm.s32 $_scs_section_size  }
0x9a: {  	s5 =	simm.s32 $_size__tile_overlayer_lowered;
	s6 =	simm.s32 $_tile_overlayer_lowered  }
0x9b: {  	s22 =	simm.s32 $0x1BFF;
	s21 =	sshll.u32 s6, $0x1;
	s3 =	sadd.s32 s4, s19  }
0x9c: {  	s7 =	simm.s32 $0x0;
	s20 =	sshll.u32 s5, $0x1;
	s5 =	sadd.s32 s21, s3  }
0x9d: {  	[timem:s7], [sflag:s22] =	dma.local [hbm:s5], s20  }
0x9e: {  	_ =	swait.ge [sflag:s22], s20  }
0x9f: {  	s4 =	ssub.s32 $0x0, s20;
	[sflag:s22] =	ssyncset.done $0x0  }
0xa0: {  	[sflag:s22] =	ssyncadd.s32 s4;
	_ =	sdelay $0x1  }
0xa1: {  	s23 =	simm.s32 $0x1B8B  }
0xa2: {  	_ =	swait.ge [sflag:s23], $0x1  }
0xa3: {  	[sflag:s23] =	ssyncset.done $0x0  }
0xa4: {  	s25 =	simm.s32 $0x1B8E;
	s24 =	sld [smem:$0x3FFE];
	[sflag:s23] =	ssyncadd.s32 $0xFFFFFFFF  }
0xa5: {  	s26 =	simm.s32 $execute0_lowered;
	[smem:$0x3FD2] =	sst s25  }
0xa6: {  	s5 =	sshll.u32 s26, $0x1;
	_ =	strace $0x8000004C;
	[dreg:$0x1] =	wrdreg $0xFFFFFFFF  }
0xa7: {  	s28 =	simm.s32 $_size_execute0_lowered;
	s3 =	sadd.s32 s3, s5;
	[dreg:$0x0] =	wrdreg $0x0  }
0xa8: {  	s5 =	sshll.u32 s28, $0x1;
	[dreg:$0x2] =	wrdreg s3  }
0xa9: {  	[dreg:$0x3] =	wrdreg s5  }
0xaa: {  	[dreg:$0x4] =	wrdreg $0xC0  }
0xab: {  	_ =	task [dreg:s7], $0x5FFFF  }
0xac: {  	[dreg:$0x1] =	wrdreg $0xFFFFFFFF  }
0xad: {  	[dreg:$0x0] =	wrdreg $0x60  }
0xae: {  	[dreg:$0x2] =	wrdreg s24  }
0xaf: {  	[dreg:$0x3] =	wrdreg s2  }
0xb0: {  	[dreg:$0x4] =	wrdreg $0x82000  }
0xb1: {  	[dreg:$0x5] =	wrdreg $0x9  }
0xb2: {  	_ =	task.clear_ibuf [dreg:s7], $0x6FFFF;
	_ =	strace $0x9000004C  }
0xb3: {  	s29 =	simm.s32 $0x9;
	_ =	strace $0x8000004E  }
0xb4: {  	_ =	swait.ge [sflag:s29], $0x1  }
0xb5: {  	[sflag:s29] =	ssyncadd.s32 $0xFFFFFFFF  }
0xb6: {  	_ =	strace $0x9000004E  }
0xb7: {  	_ =	sfence  }
0xb8: {  	s30 =	sld [smem:$0x0];
	_ =	sdelay $0x2  }
0xb9: {  	s31 =	sshll.u32 s1, $0xD;
	s1 =	sshrl.u32 s1, $0x2  }
0xba: {  	s3 =	sand.u32 $0x4000, s31;
	s1 =	sadd.s32 s1, s30  }
0xbb: {  	s0 =	sor.u32 s3, s0;
	s1 =	sshll.u32 s1, $0x11  }
0xbc: {  	s0 =	sor.u32 s1, s0  }
0xbd: {  	s0 =	sadd.s32 $0x8F2B, s0  }
0xbe: {  	[sflag:s0] =	ssyncadd.remote.s32 $0x1  }
0xbf: {  	_ =	sfence.sel $0xFFFF  }
0xc0: {  	[dreg:$0x0] =	wrdreg $0xFFFFFFFF;
	(pc) =	sbr.abs _section_cstart, $3  }
0xc1: {  	[dreg:$0x1] =	wrdreg $0xFFFFFFFF  }
0xc2: {  	_ =	task.clear_ibuf [dreg:s7], $0x2FFFF;
	_ =	strace $0x9FFFFFFF  }
0xc3: {  	(tm) =	ssettm $0x7FFFFFFF  }
tec
execute0_lowered:
.L_overlay_start_1:
0x0: {  	(tag) =	ssettag $0x1  }
0x1: {  	s0 =	rddreg [dreg:$0x0]  }
0x2: {  	s2 =	rddreg [dreg:$0x1]  }
0x3: {  	s3 =	rddreg [dreg:$0x2];
	s4 =	simm.s32 $0x0;
	s13 =	stileid.u32  }
0x4: {  	s1 =	srdreg.scid;
	s16 =	simm.s32 $0x7;
	s18 =	simm.s32 $0x100  }
0x5: {  	s19 =	simm.s32 $0x80;
	s28 =	simm.s32 $0x1;
	s29 =	simm.s32 $0x5  }
0x6: {  	s30 =	simm.s32 $0x2;
	s31 =	simm.s32 $0x6;
	s6 =	smul.u32 $0x2780, s13  }
0x7: {  	[smem:$0x7FF] =	sst s4;
	s1 =	sand.u32 $0x1, s1;
	s9 =	smul.u32 $0x4F000, s13  }
0x8: {  	s5 =	sadd.s32 $0x2200, s0;
	s22 =	sshll.u32 s13, $0x6;
	s23 =	smul.u32 $0x2800, s13  }
0x9: {  	_ =	strace $0x8000004D;
	s7 =	smul.u32 $0x27800, s1;
	s20 =	ssub.s32 $0x2, s1  }
0xa: {  	s10 =	sshll.u32 s1, $0x4;
	s1 =	smul.u32 $0x28000, s1;
	s8 =	sadd.s32 s6, s0  }
0xb: {  	s11 =	sshrl.u32 s20, $0x1;
	s10 =	sor.u32 s13, s10;
	s9 =	sshrl.u32 s9, $0x2  }
0xc: {  	s0 =	sadd.s32 s7, s0;
	s12 =	ssub.s32 s20, s11;
	s15 =	sadd.s32 s9, s3  }
0xd: {  	s17 =	smul.u32 $0xA00, s10;
	s21 =	sadd.s32 $0x29400, s8;
	s7 =	sor.u32 $0x1C07, s22  }
0xe: {  	p0 =	seq.s32 s10, $0x1F;
	s9 =	sadd.s32 $0x10, s2;
	s11 =	simm.s32 $0x9  }
0xf: {  	s1 =	sadd.s32 s23, s1;
	s22 =	simm.s32 $0x3;
	s23 =	simm.s32 $0x200  }
0x10: {  	[dreg:$0x4] =	wrdreg s21;
	s11 =	simm.s32 @!p0 $0x27;
	s0 =	sadd.s32 $0x50C00, s0  }
0x11: {  	s8 =	sor.u32 $0x180, s1;
	s12 =	smax.u32 s12, $0x1;
	s1 =	sor.u32 $0x100, s1  }
0x12: {  	s15 =	sshrl.u32 s15, $0x3;
	s21 =	simm.s32 $0x180;
	s24 =	sadd.s32 s2, s17  }
0x13: {  	s25 =	sor.u32 $0x20, s17;
	s13 =	sshrl.u32 s8, $0x2;
	s14 =	sshrl.u32 s1, $0x2  }
0x14: {  	s17 =	sadd.s32 s17, s9;
	[dreg:$0x5] =	wrdreg s24;
	s26 =	sadd.s32 s2, s25  }
0x15: {  	s20 =	sadd.s32 s25, s9;
	s24 =	sadd.s32 s6, s0;
	s25 =	simm.s32 $0x4  }
0x16: {  	s0 =	simm.s32 $0x0;
	[dreg:$0x6] =	wrdreg s26;
	s26 =	simm.s32 $0x4200  }
.LBB2_1:
0x17: {  	s1 =	rddreg [dreg:$0x4]  }
0x18: {  	[spmem:s15], [sflag:s7] =	dma.local [hbm:s1], $0x2780  }
0x19: {  	_ =	swait.ge [sflag:s16], $0x2780  }
0x1a: {  	[sflag:s16] =	ssyncset.done $0x0  }
0x1b: {  	[sflag:s16] =	ssyncadd.s32 $0xFFFFD880  }
0x1c: {  	[bflag:$0x0] =	sbarrier.arrive $0xFFFF  }
0x1d: {  	s8 =	rddreg [dreg:$0x5]  }
0x1e: {  	[tilespmem:s4], [sflag:$0x3] =	stream.linear.gather [hbm4b:s8+s4], $0x80, $0x38;
	[tilespmem:$0x1BE00] =	vst v63  }
0x1f: {  	_ = 	snop  }
0x20: {  	[tilespmem:s18], [sflag:$0x5] =	stream.linear.gather [hbm4b:s17+s4], $0x80, $0x38;
	[tilespmem:$0x1BE00] =	vst v63  }
0x21: {  	s10 =	rddreg [dreg:$0x6]  }
0x22: {  	[tilespmem:s19], [sflag:$0x4] =	stream.linear.gather [hbm4b:s10+s4], $0x80, $0x38;
	[tilespmem:$0x1BE00] =	vst v63  }
0x23: {  	_ = 	snop  }
0x24: {  	[tilespmem:s21], [sflag:$0x6] =	stream.linear.gather [hbm4b:s20+s4], $0x80, $0x38;
	[tilespmem:$0x1BE00] =	vst v63  }
0x25: {  	_ =	swait.ge [sflag:s22], $0x80  }
0x26: {  	[sflag:s22] =	ssyncset.done $0x0  }
0x27: {  	[sflag:s22] =	ssyncadd.s32 $0xFFFFFF80  }
0x28: {  	[tilespmem:s23], [sflag:$0x1] =	stream.indirect.gather [hbm4b:s5+s19], $0x80, s4, s19, $0xb8;
	[tilespmem:$0x1BE00] =	vst v63  }
0x29: {  	_ =	swait.ge [sflag:s25], $0x80  }
0x2a: {  	[sflag:s25] =	ssyncset.done $0x0  }
0x2b: {  	[sflag:s25] =	ssyncadd.s32 $0xFFFFFF80  }
0x2c: {  	[tilespmem:s26], [sflag:$0x2] =	stream.indirect.gather [hbm4b:s5+s19], $0x80, s19, s19, $0xb8;
	[tilespmem:$0x1BE00] =	vst v63  }
0x2d: {  	_ =	swait.ge [sflag:s28], $0x4000  }
0x2e: {  	[sflag:s28] =	ssyncset.done $0x0  }
0x2f: {  	[sflag:s28] =	ssyncadd.s32 $0xFFFFC000  }
0x30: {  	_ =	swait.ge [sflag:s29], $0x80  }
0x31: {  	[sflag:s29] =	ssyncset.done $0x0  }
0x32: {  	[sflag:s29] =	ssyncadd.s32 $0xFFFFFF80  }
0x33: {  	[spmem:s3] =	stream.indirect.scatter.add.f32 [tilespmem:s23], [sflag:$0x7], $0x80, s18, s19, $0xb8;
	[tilespmem:$0x1BE00] =	vst v63  }
0x34: {  	_ =	swait.ge [sflag:s16], $0x4000  }
0x35: {  	[sflag:s16] =	ssyncset.done $0x0  }
0x36: {  	s6 =	sadd.s32 s2, s14;
	[sflag:s16] =	ssyncadd.s32 $0xFFFFC000  }
0x37: {  	[tilespmem:s4], [sflag:$0x3] =	stream.linear.gather [hbm4b:s6+s4], $0x80, $0x38;
	[tilespmem:$0x1BE00] =	vst v63  }
0x38: {  	s8 =	sadd.s32 s9, s14  }
0x39: {  	[tilespmem:s18], [sflag:$0x5] =	stream.linear.gather [hbm4b:s8+s4], $0x80, $0x38;
	[tilespmem:$0x1BE00] =	vst v63  }
0x3a: {  	_ =	swait.ge [sflag:s22], $0x80  }
0x3b: {  	[sflag:s22] =	ssyncset.done $0x0  }
0x3c: {  	[sflag:s22] =	ssyncadd.s32 $0xFFFFFF80  }
0x3d: {  	[tilespmem:s23], [sflag:$0x1] =	stream.indirect.gather [hbm4b:s5+s19], $0x80, s4, s19, $0xb8;
	[tilespmem:$0x1BE00] =	vst v63  }
0x3e: {  	_ =	swait.ge [sflag:s30], $0x4000  }
0x3f: {  	[sflag:s30] =	ssyncset.done $0x0  }
0x40: {  	[sflag:s30] =	ssyncadd.s32 $0xFFFFC000  }
0x41: {  	_ =	swait.ge [sflag:s31], $0x80  }
0x42: {  	[sflag:s31] =	ssyncset.done $0x0  }
0x43: {  	p0 =	sne.s32 s11, $0x1;
	[sflag:s31] =	ssyncadd.s32 $0xFFFFFF80  }
0x44: {  	[spmem:s3] =	stream.indirect.scatter.add.f32 [tilespmem:s26], [sflag:$0x7], $0x80, s21, s19, $0xb8;
	[tilespmem:$0x1BE00] =	vst v63  }
.Ltmp0:
0x45: {  	_ =	swait.ge [sflag:s16], $0x4000;
	(pc) =	sbr.rel @!p0 .LBB2_3-.Ltmp0, $4  }
0x46: {  	[sflag:s16] =	ssyncset.done $0x0  }
0x47: {  	s1 =	sadd.s32 $0xFFFFFFFF, s11;
	s10 =	sadd.s32 s2, s13;
	[sflag:s16] =	ssyncadd.s32 $0xFFFFC000  }
0x48: {  	[tilespmem:s19], [sflag:$0x4] =	stream.linear.gather [hbm4b:s10+s4], $0x80, $0x38;
	[tilespmem:$0x1BE00] =	vst v63  }
0x49: {  	s6 =	sadd.s32 $0x40, s2;
	s8 =	sadd.s32 $0x40, s9;
	s10 =	sadd.s32 s9, s13  }
.LBB2_2:
0x4a: {  	[tilespmem:s21], [sflag:$0x6] =	stream.linear.gather [hbm4b:s10+s4], $0x80, $0x38;
	[tilespmem:$0x1BE00] =	vst v63  }
0x4b: {  	p0 =	sne.s32 s1, $0x1;
	s1 =	sadd.s32 $0xFFFFFFFF, s1;
	_ =	swait.ge [sflag:s25], $0x80  }
0x4c: {  	[sflag:s25] =	ssyncset.done $0x0  }
0x4d: {  	[sflag:s25] =	ssyncadd.s32 $0xFFFFFF80  }
0x4e: {  	[tilespmem:s26], [sflag:$0x2] =	stream.indirect.gather [hbm4b:s5+s19], $0x80, s19, s19, $0xb8;
	[tilespmem:$0x1BE00] =	vst v63  }
0x4f: {  	_ =	swait.ge [sflag:s28], $0x4000  }
0x50: {  	[sflag:s28] =	ssyncset.done $0x0  }
0x51: {  	[sflag:s28] =	ssyncadd.s32 $0xFFFFC000  }
0x52: {  	_ =	swait.ge [sflag:s29], $0x80  }
0x53: {  	[sflag:s29] =	ssyncset.done $0x0  }
0x54: {  	[sflag:s29] =	ssyncadd.s32 $0xFFFFFF80  }
0x55: {  	[spmem:s3] =	stream.indirect.scatter.add.f32 [tilespmem:s23], [sflag:$0x7], $0x80, s18, s19, $0xb8;
	[tilespmem:$0x1BE00] =	vst v63  }
0x56: {  	_ =	swait.ge [sflag:s16], $0x4000  }
0x57: {  	[sflag:s16] =	ssyncset.done $0x0  }
0x58: {  	s10 =	sadd.s32 s6, s14;
	[sflag:s16] =	ssyncadd.s32 $0xFFFFC000  }
0x59: {  	[tilespmem:s4], [sflag:$0x3] =	stream.linear.gather [hbm4b:s10+s4], $0x80, $0x38;
	[tilespmem:$0x1BE00] =	vst v63  }
0x5a: {  	s10 =	sadd.s32 s8, s14  }
0x5b: {  	[tilespmem:s18], [sflag:$0x5] =	stream.linear.gather [hbm4b:s10+s4], $0x80, $0x38;
	[tilespmem:$0x1BE00] =	vst v63  }
0x5c: {  	_ =	swait.ge [sflag:s22], $0x80  }
0x5d: {  	[sflag:s22] =	ssyncset.done $0x0  }
0x5e: {  	[sflag:s22] =	ssyncadd.s32 $0xFFFFFF80  }
0x5f: {  	[tilespmem:s23], [sflag:$0x1] =	stream.indirect.gather [hbm4b:s5+s19], $0x80, s4, s19, $0xb8;
	[tilespmem:$0x1BE00] =	vst v63  }
0x60: {  	_ =	swait.ge [sflag:s30], $0x4000  }
0x61: {  	[sflag:s30] =	ssyncset.done $0x0  }
0x62: {  	[sflag:s30] =	ssyncadd.s32 $0xFFFFC000  }
0x63: {  	_ =	swait.ge [sflag:s31], $0x80  }
0x64: {  	[sflag:s31] =	ssyncset.done $0x0  }
0x65: {  	[sflag:s31] =	ssyncadd.s32 $0xFFFFFF80  }
0x66: {  	[spmem:s3] =	stream.indirect.scatter.add.f32 [tilespmem:s26], [sflag:$0x7], $0x80, s21, s19, $0xb8;
	[tilespmem:$0x1BE00] =	vst v63  }
.Ltmp1:
0x67: {  	_ =	swait.ge [sflag:s16], $0x4000;
	(pc) =	sbr.rel @p0 .LBB2_2-.Ltmp1, $4  }
0x68: {  	[sflag:s16] =	ssyncset.done $0x0  }
0x69: {  	s10 =	sadd.s32 s6, s13;
	[sflag:s16] =	ssyncadd.s32 $0xFFFFC000  }
0x6a: {  	[tilespmem:s19], [sflag:$0x4] =	stream.linear.gather [hbm4b:s10+s4], $0x80, $0x38;
	[tilespmem:$0x1BE00] =	vst v63  }
0x6b: {  	s6 =	sadd.s32 $0x40, s6;
	s10 =	sadd.s32 s8, s13;
	s8 =	sadd.s32 $0x40, s8  }
.LBB2_3:
0x6c: {  	[tilespmem:s21], [sflag:$0x6] =	stream.linear.gather [hbm4b:s10+s4], $0x80, $0x38;
	[tilespmem:$0x1BE00] =	vst v63  }
0x6d: {  	_ =	swait.ge [sflag:s25], $0x80  }
0x6e: {  	[sflag:s25] =	ssyncset.done $0x0  }
0x6f: {  	[sflag:s25] =	ssyncadd.s32 $0xFFFFFF80  }
0x70: {  	[tilespmem:s26], [sflag:$0x2] =	stream.indirect.gather [hbm4b:s5+s19], $0x80, s19, s19, $0xb8;
	[tilespmem:$0x1BE00] =	vst v63  }
0x71: {  	_ =	swait.ge [sflag:s28], $0x4000  }
0x72: {  	[sflag:s28] =	ssyncset.done $0x0  }
0x73: {  	[sflag:s28] =	ssyncadd.s32 $0xFFFFC000  }
0x74: {  	_ =	swait.ge [sflag:s29], $0x80  }
0x75: {  	[sflag:s29] =	ssyncset.done $0x0  }
0x76: {  	[sflag:s29] =	ssyncadd.s32 $0xFFFFFF80  }
0x77: {  	[spmem:s3] =	stream.indirect.scatter.add.f32 [tilespmem:s23], [sflag:$0x7], $0x80, s18, s19, $0xb8;
	[tilespmem:$0x1BE00] =	vst v63  }
0x78: {  	_ =	swait.ge [sflag:s16], $0x4000  }
0x79: {  	[sflag:s16] =	ssyncset.done $0x0  }
0x7a: {  	[sflag:s16] =	ssyncadd.s32 $0xFFFFC000  }
0x7b: {  	_ =	swait.ge [sflag:s30], $0x4000  }
0x7c: {  	[sflag:s30] =	ssyncset.done $0x0  }
0x7d: {  	[sflag:s30] =	ssyncadd.s32 $0xFFFFC000  }
0x7e: {  	_ =	swait.ge [sflag:s31], $0x80  }
0x7f: {  	[sflag:s31] =	ssyncset.done $0x0  }
0x80: {  	[sflag:s31] =	ssyncadd.s32 $0xFFFFFF80  }
0x81: {  	[spmem:s3] =	stream.indirect.scatter.add.f32 [tilespmem:s26], [sflag:$0x7], $0x80, s21, s19, $0xb8;
	[tilespmem:$0x1BE00] =	vst v63  }
0x82: {  	_ =	swait.ge [sflag:s16], $0x4000  }
0x83: {  	s0 =	sadd.s32 $0x1, s0;
	[sflag:s16] =	ssyncset.done $0x0  }
0x84: {  	p0 =	sne.s32 s0, s12;
	[sflag:s16] =	ssyncadd.s32 $0xFFFFC000  }
.Ltmp2:
0x85: {  	[bflag:$0x0] =	sbarrier.arrive $0xFFFF;
	(pc) =	sbr.rel @p0 .LBB2_1-.Ltmp2, $4  }
0x86: {  	[hbm:s24], [sflag:s7] =	dma.local [spmem:s15], $0x2780  }
0x87: {  	_ =	swait.ge [sflag:s16], $0x2780  }
0x88: {  	[sflag:s16] =	ssyncset.done $0x0  }
0x89: {  	[sflag:s16] =	ssyncadd.s32 $0xFFFFD880  }
0x8a: {  	_ =	sfence.sel $0x180000  }
0x8b: {  	[bflag:$0x0] =	sbarrier.arrive $0xFFFF  }
0x8c: {  	_ =	strace $0x9000004D  }
0x8d: {  	s0 =	stileid.u32;
	[bflag:$0x2] =	sbarrier.arrive $0xFFFF  }
0x8e: {  	p0 =	sne.s32 s0, $0x0;
	s0 =	rddreg [dreg:$0x3]  }
0x8f: {  	s0 =	sadd.s32 @!p0 $0x100000, s0  }
0x90: {  	[sflag:s0] =	ssyncadd.tile.s32 @!p0 $0x1;
	_ =	shalt  }
.Lfunc_end2:
_tile_overlayer_lowered:
.L_overlay_start_2:
0x91: {  	(tag) =	ssettag $0x2  }
0x92: {  	s0 =	rddreg [dreg:$0x0];
	s2 =	stileid.u32  }
0x93: {  	s1 =	rddreg [dreg:$0x1];
	p0 =	sne.s32 s2, $0x0  }
0x94: {  	s3 =	rddreg [dreg:$0x2];
	[bflag:$0x3] =	sbarrier.arrive $0xFFFF;
	s2 =	simm.s32 @!p0 $0x1C07  }
0x95: {  	[timem:s3], [sflag:s2] =	dma.local @!p0 [hbm:s0], s1  }
0x96: {  	s0 =	simm.s32 @!p0 $0x7  }
0x97: {  	_ =	swait.ge @!p0 [sflag:s0], s1  }
0x98: {  	s1 =	ssub.s32 @!p0 $0x0, s1;
	[sflag:s0] =	ssyncset.done @!p0 $0x0  }
0x99: {  	[sflag:s0] =	ssyncadd.s32 @!p0 s1  }
0x9a: {  	[bflag:$0x3] =	sbarrier.arrive $0xFFFF  }
0x9b: {  	_ =	shalt  }

</sc_bundles>
